<compile_context>
chip_gen: v7x
topology: tpu7x:2x2x1
jax: 0.10.2.dev20260603
libtpu: 0.0.44.dev20260713+nightly
codegen_flags: <defaults>
</compile_context>

<pallas_src>
import functools

import jax
import jax.numpy as jnp
from jax import lax
from jax.experimental import pallas as pl
from jax.experimental.pallas import tpu as pltpu
from jax.experimental.pallas import tpu_sc as plsc

NC = 2
NS = 16
NW = NC * NS
CH = 128
CW = 16
ZB = 128


def _mesh():
    return plsc.VectorSubcoreMesh(
        core_axis_name="c", subcore_axis_name="s",
        num_cores=NC, num_subcores=NS)


@functools.lru_cache(maxsize=None)
def _make_sc_agg(n_nodes, d, t0, t1, acc_rows, zr):
    hd = d // 2
    tmax = max(t0, t1)
    ept = tmax * CH
    out_type = jax.ShapeDtypeStruct((2, NC, acc_rows, hd), jnp.float32)
    scratch = (
        pltpu.VMEM((ept,), jnp.int32),
        pltpu.VMEM((ept,), jnp.int32),
        pltpu.VMEM((CH, hd), jnp.float32),
        pltpu.VMEM((ZB, hd), jnp.float32),
        pltpu.VMEM_SHARED((acc_rows, hd), jnp.float32),
        pltpu.SemaphoreType.DMA,
    )

    def body(h0_hbm, h1_hbm, src_hbm, dst_hbm, S_hbm, src_v, dst_v, buf,
             zbuf, acc, sem):
        cid = lax.axis_index("c")
        sid = lax.axis_index("s")
        r0 = sid * zr
        tc = jnp.where(cid == 0, t0, t1)
        off = cid * (NS * t0 * CH) + sid * tc * CH

        def zstep(i, c):
            zbuf[i // (hd // 16), pl.ds((i % (hd // 16)) * 16, 16)] = (
                jnp.zeros((16,), jnp.float32))
            return c
        lax.fori_loop(0, ZB * (hd // 16), zstep, 0)

        pltpu.sync_copy(src_hbm.at[pl.ds(off, ept)], src_v)
        pltpu.sync_copy(dst_hbm.at[pl.ds(off, ept)], dst_v)

        for hf, h_hbm in enumerate((h0_hbm, h1_hbm)):
            for k in range(zr // ZB):
                pltpu.sync_copy(zbuf, acc.at[pl.ds(r0 + k * ZB, ZB)])
            plsc.subcore_barrier()

            def step(j, c):
                pltpu.async_copy(
                    h_hbm.at[src_v.at[pl.ds(j * CH, CH)]], buf, sem).wait()
                pltpu.sync_copy(
                    buf, acc.at[dst_v.at[pl.ds(j * CH, CH)]], add=True)
                return c
            lax.fori_loop(0, tc, step, 0)
            plsc.subcore_barrier()

            pltpu.sync_copy(acc.at[pl.ds(r0, zr)],
                            S_hbm.at[hf, cid, pl.ds(r0, zr)])

    return pl.kernel(
        body, out_type, mesh=_mesh(), scratch_types=scratch,
        compiler_params=pltpu.CompilerParams(use_tc_tiling_on_sc=False))


@functools.lru_cache(maxsize=None)
def _make_sc_cnt(t0, t1, acc_rows, zr):
    tmax = max(t0, t1)
    ept = tmax * CH
    out_type = jax.ShapeDtypeStruct((NC, acc_rows, CW), jnp.float32)
    scratch = (
        pltpu.VMEM((ept,), jnp.int32),
        pltpu.VMEM((CH, CW), jnp.float32),
        pltpu.VMEM((ZB, CW), jnp.float32),
        pltpu.VMEM_SHARED((acc_rows, CW), jnp.float32),
        pltpu.SemaphoreType.DMA,
    )

    def body(dst_hbm, C_hbm, dst_v, ones_v, z16, cacc, sem):
        cid = lax.axis_index("c")
        sid = lax.axis_index("s")
        r0 = sid * zr
        tc = jnp.where(cid == 0, t0, t1)
        off = cid * (NS * t0 * CH) + sid * tc * CH

        def ostep(i, c):
            ones_v[i] = jnp.ones((16,), jnp.float32)
            return c
        lax.fori_loop(0, CH, ostep, 0)

        def zstep(i, c):
            z16[i] = jnp.zeros((16,), jnp.float32)
            return c
        lax.fori_loop(0, ZB, zstep, 0)

        for k in range(zr // ZB):
            pltpu.sync_copy(z16, cacc.at[pl.ds(r0 + k * ZB, ZB)])
        plsc.subcore_barrier()

        pltpu.sync_copy(dst_hbm.at[pl.ds(off, ept)], dst_v)

        def step(j, c):
            pltpu.sync_copy(
                ones_v, cacc.at[dst_v.at[pl.ds(j * CH, CH)]], add=True)
            return c
        lax.fori_loop(0, tc, step, 0)
        plsc.subcore_barrier()

        pltpu.sync_copy(cacc.at[pl.ds(r0, zr)], C_hbm.at[cid, pl.ds(r0, zr)])

    return pl.kernel(
        body, out_type, mesh=_mesh(), scratch_types=scratch,
        compiler_params=pltpu.CompilerParams(use_tc_tiling_on_sc=False))


@functools.lru_cache(maxsize=None)
def _make_tc_combine(n_nodes, d, blk):
    grid = n_nodes // blk
    hd = d // 2

    def body(s00, s01, s10, s11, c0, c1, h_ref, wl_ref, bl_ref, wr_ref,
             a_ref, o_ref):
        sa = s00[0, 0] + s01[0, 0]
        sb = s10[0, 0] + s11[0, 0]
        deg = c0[0][:, :1] + c1[0][:, :1]
        inv = 1.0 / jnp.maximum(deg, 1.0)
        agg = jnp.concatenate([sa * inv, sb * inv], axis=1)
        out = (jnp.dot(agg, wl_ref[...], preferred_element_type=jnp.float32)
               + jnp.dot(h_ref[...], wr_ref[...],
                         preferred_element_type=jnp.float32)
               + bl_ref[...])
        o_ref[...] = jnp.where(out > 0, out, a_ref[...] * out)

    return pl.pallas_call(
        body,
        grid=(grid,),
        in_specs=[
            pl.BlockSpec((1, 1, blk, hd), lambda i: (0, 0, i, 0)),
            pl.BlockSpec((1, 1, blk, hd), lambda i: (0, 1, i, 0)),
            pl.BlockSpec((1, 1, blk, hd), lambda i: (1, 0, i, 0)),
            pl.BlockSpec((1, 1, blk, hd), lambda i: (1, 1, i, 0)),
            pl.BlockSpec((1, blk, CW), lambda i: (0, i, 0)),
            pl.BlockSpec((1, blk, CW), lambda i: (1, i, 0)),
            pl.BlockSpec((blk, d), lambda i: (i, 0)),
            pl.BlockSpec((d, d), lambda i: (0, 0)),
            pl.BlockSpec((1, d), lambda i: (0, 0)),
            pl.BlockSpec((d, d), lambda i: (0, 0)),
            pl.BlockSpec((1, d), lambda i: (0, 0)),
        ],
        out_specs=pl.BlockSpec((blk, d), lambda i: (i, 0)),
        out_shape=jax.ShapeDtypeStruct((n_nodes, d), jnp.float32),
    )


def kernel(x, edge_index, Wl0, bl0, Wr0, a0, Wl1, bl1, Wr1, a1,
           Wl2, bl2, Wr2, a2):
    n, d = x.shape
    e = edge_index.shape[1]

    tt = max(4, -(-e // (NS * CH)))
    t0 = max(1, round(tt * 0.58))
    t1 = tt - t0
    epad = NS * tt * CH + max(t0, t1) * CH
    zr = ZB * (-(-(n + 1) // (NS * ZB)))
    acc_rows = NS * zr

    ei = edge_index.astype(jnp.int32)
    pad = epad - e
    src = jnp.concatenate([ei[0], jnp.zeros((pad,), jnp.int32)])
    dst = jnp.concatenate([ei[1], jnp.full((pad,), n, jnp.int32)])

    sc_cnt = _make_sc_cnt(t0, t1, acc_rows, zr)
    sc_agg = _make_sc_agg(n, d, t0, t1, acc_rows, zr)
    tc = _make_tc_combine(n, d, 1000)

    hd = d // 2
    C = sc_cnt(dst)
    S = sc_agg(x[:, :hd], x[:, hd:], src, dst)
    h = tc(S, S, S, S, C, C, x,
           Wl0.T, bl0.reshape(1, d), Wr0.T, a0.reshape(1, d))
    S = sc_agg(h[:, :hd], h[:, hd:], src, dst)
    h = tc(S, S, S, S, C, C, h,
           Wl1.T, bl1.reshape(1, d), Wr1.T, a1.reshape(1, d))
    S = sc_agg(h[:, :hd], h[:, hd:], src, dst)
    h = tc(S, S, S, S, C, C, h,
           Wl2.T, bl2.reshape(1, d), Wr2.T, a2.reshape(1, d))
    return h

# --- scband reference (transcript-rebuilt; emitter-appended) ---
"""Pipeline reference for scband-encoder-8237747274006 (READ-ONLY COPY).

The authoritative reference and input builder live on the scoring server;
editing this copy changes nothing except your own understanding.
"""

import jax, jax.numpy as jnp
import numpy as np

N = 10000
E = 320000
D = 128
H = 128


def setup_inputs(seed: int = 0) -> dict:
    key = jax.random.key(seed)
    ks = jax.random.split(key, 16)
    x = jax.random.normal(ks[0], (N, D), dtype=jnp.float32)
    edge_index = jax.random.randint(ks[1], (2, E), 0, N, dtype=jnp.int64)
    s_in = 1.0 / np.sqrt(D)
    s_h = 1.0 / np.sqrt(H)
    inp = {"x": x, "edge_index": edge_index}
    dims = [(H, D), (H, H), (H, H)]
    for i, (o, c) in enumerate(dims):
        s = 1.0 / np.sqrt(c)
        inp[f"Wl{i}"] = jax.random.uniform(ks[2 + 4 * i], (o, c), dtype=jnp.float32, minval=-s, maxval=s)
        inp[f"bl{i}"] = jnp.zeros((o,), dtype=jnp.float32)
        inp[f"Wr{i}"] = jax.random.uniform(ks[3 + 4 * i], (o, c), dtype=jnp.float32, minval=-s, maxval=s)
        inp[f"a{i}"] = jnp.full((o,), 0.25, dtype=jnp.float32)
    return inp


def _sage_conv(x, edge_index, Wl, bl, Wr):
    # PyG SAGEConv with mean aggregation: out = lin_l(mean_{j in N(i)} x_j) + lin_r(x_i)
    src = edge_index[0]
    dst = edge_index[1]
    msgs = x[src]
    summed = jax.ops.segment_sum(msgs, dst, num_segments=x.shape[0])
    cnt = jax.ops.segment_sum(jnp.ones((edge_index.shape[1], 1), x.dtype), dst, num_segments=x.shape[0])
    agg = summed / jnp.clip(cnt, 1.0, None)
    return agg @ Wl.T + bl + x @ Wr.T


def _prelu(x, a):
    return jnp.where(x > 0, x, a * x)


def reference(x, edge_index, Wl0, bl0, Wr0, a0, Wl1, bl1, Wr1, a1, Wl2, bl2, Wr2, a2):
    # Encoder.full_forward: 3x (SAGEConv -> PReLU) on the full graph
    h = _sage_conv(x, edge_index, Wl0, bl0, Wr0)
    h = _prelu(h, a0)
    h = _sage_conv(h, edge_index, Wl1, bl1, Wr1)
    h = _prelu(h, a1)
    h = _sage_conv(h, edge_index, Wl2, bl2, Wr2)
    h = _prelu(h, a2)
    return h

if __name__ == "__main__":
    import jax
    _d = setup_inputs()
    print(jax.jit(kernel)(*tuple(_d.values())))

</pallas_src>

<mosaic_0001>
#map = affine_map<(d0, d1) -> (0)>
#map1 = affine_map<(d0, d1) -> (0, 0, 0)>
module attributes {stable_mosaic.version = 14 : i64} {
  func.func @body(%arg0: i32, %arg1: i32, %arg2: memref<333184xi32, #tpu.memory_space<hbm>>, %arg3: memref<2x10240x16xf32, #tpu.memory_space<hbm>>, %arg4: memref<11648xi32, #tpu.memory_space<vmem>>, %arg5: memref<128x16xf32, #tpu.memory_space<vmem>>, %arg6: memref<128x16xf32, #tpu.memory_space<vmem>>, %arg7: memref<10240x16xf32, #tpu.memory_space<vmem_shared>>, %arg8: memref<!tpu.dma_semaphore, #tpu.memory_space<semaphore_mem>>) attributes {dimension_semantics = [#tpu.dimension_semantics<core_parallel>, #tpu.dimension_semantics<subcore_parallel>], iteration_bounds = array<i64: 2, 16>, scalar_prefetch = 0 : i64, scratch_operands = 5 : i64, tpu.core_type = #tpu.core_type<sc_vector_subcore>, window_params = [{transform_indices = #map}, {transform_indices = #map1}]} {
    %mul3A = arith.constant 640 : i32
    %mul3A_0 = arith.muli %arg1, %mul3A : i32
    %eq3A = arith.constant 0 : i32
    %eq3A_1 = arith.cmpi eq, %arg0, %eq3A : i32
    %jit3A = arith.constant 91 : i32
    %jit3A_2 = arith.constant 66 : i32
    %select_n3A = arith.select %eq3A_1, %jit3A, %jit3A_2 : i32
    %mul3A_3 = arith.constant 186368 : i32
    %mul3A_4 = arith.muli %arg0, %mul3A_3 : i32
    %mul3A_5 = arith.muli %arg1, %select_n3A : i32
    %mul3A_6 = arith.constant 128 : i32
    %mul3A_7 = arith.muli %mul3A_5, %mul3A_6 : i32
    %add3A = arith.addi %mul3A_4, %mul3A_7 : i32
    %scan3A = arith.constant 0 : i32
    %scan3A_8 = arith.constant 0 : i32
    %scan3A_9 = arith.constant 128 : i32
    %scan3A_10 = arith.addi %scan3A_8, %scan3A_9 : i32
    %scan3A_11 = arith.constant 1 : i32
    scf.for %scan3A_39 = %scan3A_8 to %scan3A_10 step %scan3A_11  : i32 {
      %broadcast_in_dim3A = arith.constant 1.000000e+00 : f32
      %broadcast_in_dim3A_40 = vector.broadcast %broadcast_in_dim3A : f32 to vector<16xf32>
      %swap3A = arith.index_cast %scan3A_39 : i32 to index
      %swap3A_41 = arith.constant 0 : index
      %swap3A_42 = tpu.vector_load %arg5[%swap3A, %swap3A_41] {strides = array<i32>} : memref<128x16xf32, #tpu.memory_space<vmem>>, vector<1x16xf32>,
      %swap3A_43 = vector.shape_cast %swap3A_42 : vector<1x16xf32> to vector<16xf32>
      %swap3A_44 = vector.shape_cast %broadcast_in_dim3A_40 : vector<16xf32> to vector<1x16xf32>
      tpu.vector_store %arg5[%swap3A, %swap3A_41], %swap3A_44 {strides = array<i32>} : memref<128x16xf32, #tpu.memory_space<vmem>>, vector<1x16xf32>,
    }
    %scan3A_12 = arith.constant 128 : i32
    %scan3A_13 = arith.constant 0 : i32
    %scan3A_14 = arith.constant 0 : i32
    %scan3A_15 = arith.constant 128 : i32
    %scan3A_16 = arith.addi %scan3A_14, %scan3A_15 : i32
    %scan3A_17 = arith.constant 1 : i32
    scf.for %scan3A_39 = %scan3A_14 to %scan3A_16 step %scan3A_17  : i32 {
      %broadcast_in_dim3A = arith.constant 0.000000e+00 : f32
      %broadcast_in_dim3A_40 = vector.broadcast %broadcast_in_dim3A : f32 to vector<16xf32>
      %swap3A = arith.index_cast %scan3A_39 : i32 to index
      %swap3A_41 = arith.constant 0 : index
      %swap3A_42 = tpu.vector_load %arg6[%swap3A, %swap3A_41] {strides = array<i32>} : memref<128x16xf32, #tpu.memory_space<vmem>>, vector<1x16xf32>,
      %swap3A_43 = vector.shape_cast %swap3A_42 : vector<1x16xf32> to vector<16xf32>
      %swap3A_44 = vector.shape_cast %broadcast_in_dim3A_40 : vector<16xf32> to vector<1x16xf32>
      tpu.vector_store %arg6[%swap3A, %swap3A_41], %swap3A_44 {strides = array<i32>} : memref<128x16xf32, #tpu.memory_space<vmem>>, vector<1x16xf32>,
    }
    %scan3A_18 = arith.constant 128 : i32
    %add3A_19 = arith.constant 0 : i32
    %add3A_20 = arith.addi %mul3A_0, %add3A_19 : i32
    "tpu.region"() ({
      %run_scoped3A = tpu.sem_alloc : memref<!tpu.dma_semaphore, #tpu.memory_space<semaphore_mem>>
      %dma_start3A = arith.constant 0 : i32
      %dma_start3A_39 = tpu.memref_slice %arg7[%add3A_20, %dma_start3A] : memref<10240x16xf32, #tpu.memory_space<vmem_shared>> -> memref<128x16xf32, #tpu.memory_space<vmem_shared>>
      %dma_start3A_40 = arith.constant 0 : i32
      %dma_start3A_41 = tpu.memref_slice %arg7[%add3A_20, %dma_start3A_40] : memref<10240x16xf32, #tpu.memory_space<vmem_shared>> -> memref<128x16xf32, #tpu.memory_space<vmem_shared>>
      tpu.enqueue_dma source(%arg6 : memref<128x16xf32, #tpu.memory_space<vmem>>) target(%dma_start3A_41 : memref<128x16xf32, #tpu.memory_space<vmem_shared>>) target_semaphore(%run_scoped3A : memref<!tpu.dma_semaphore, #tpu.memory_space<semaphore_mem>>)
      %dma_wait3A = arith.constant 0 : i32
      %dma_wait3A_42 = tpu.memref_slice %arg7[%add3A_20, %dma_wait3A] : memref<10240x16xf32, #tpu.memory_space<vmem_shared>> -> memref<128x16xf32, #tpu.memory_space<vmem_shared>>
      %dma_wait3A_43 = arith.constant 0 : i32
      %dma_wait3A_44 = tpu.memref_slice %arg7[%add3A_20, %dma_wait3A_43] : memref<10240x16xf32, #tpu.memory_space<vmem_shared>> -> memref<128x16xf32, #tpu.memory_space<vmem_shared>>
      tpu.wait_dma2 semaphore(%run_scoped3A : memref<!tpu.dma_semaphore, #tpu.memory_space<semaphore_mem>>) src(%arg6 : memref<128x16xf32, #tpu.memory_space<vmem>>) dst(%dma_wait3A_44 : memref<128x16xf32, #tpu.memory_space<vmem_shared>>)
      tpu.yield
    }) : () -> ()
    %add3A_21 = arith.constant 128 : i32
    %add3A_22 = arith.addi %mul3A_0, %add3A_21 : i32
    "tpu.region"() ({
      %run_scoped3A = tpu.sem_alloc : memref<!tpu.dma_semaphore, #tpu.memory_space<semaphore_mem>>
      %dma_start3A = arith.constant 0 : i32
      %dma_start3A_39 = tpu.memref_slice %arg7[%add3A_22, %dma_start3A] : memref<10240x16xf32, #tpu.memory_space<vmem_shared>> -> memref<128x16xf32, #tpu.memory_space<vmem_shared>>
      %dma_start3A_40 = arith.constant 0 : i32
      %dma_start3A_41 = tpu.memref_slice %arg7[%add3A_22, %dma_start3A_40] : memref<10240x16xf32, #tpu.memory_space<vmem_shared>> -> memref<128x16xf32, #tpu.memory_space<vmem_shared>>
      tpu.enqueue_dma source(%arg6 : memref<128x16xf32, #tpu.memory_space<vmem>>) target(%dma_start3A_41 : memref<128x16xf32, #tpu.memory_space<vmem_shared>>) target_semaphore(%run_scoped3A : memref<!tpu.dma_semaphore, #tpu.memory_space<semaphore_mem>>)
      %dma_wait3A = arith.constant 0 : i32
      %dma_wait3A_42 = tpu.memref_slice %arg7[%add3A_22, %dma_wait3A] : memref<10240x16xf32, #tpu.memory_space<vmem_shared>> -> memref<128x16xf32, #tpu.memory_space<vmem_shared>>
      %dma_wait3A_43 = arith.constant 0 : i32
      %dma_wait3A_44 = tpu.memref_slice %arg7[%add3A_22, %dma_wait3A_43] : memref<10240x16xf32, #tpu.memory_space<vmem_shared>> -> memref<128x16xf32, #tpu.memory_space<vmem_shared>>
      tpu.wait_dma2 semaphore(%run_scoped3A : memref<!tpu.dma_semaphore, #tpu.memory_space<semaphore_mem>>) src(%arg6 : memref<128x16xf32, #tpu.memory_space<vmem>>) dst(%dma_wait3A_44 : memref<128x16xf32, #tpu.memory_space<vmem_shared>>)
      tpu.yield
    }) : () -> ()
    %add3A_23 = arith.constant 256 : i32
    %add3A_24 = arith.addi %mul3A_0, %add3A_23 : i32
    "tpu.region"() ({
      %run_scoped3A = tpu.sem_alloc : memref<!tpu.dma_semaphore, #tpu.memory_space<semaphore_mem>>
      %dma_start3A = arith.constant 0 : i32
      %dma_start3A_39 = tpu.memref_slice %arg7[%add3A_24, %dma_start3A] : memref<10240x16xf32, #tpu.memory_space<vmem_shared>> -> memref<128x16xf32, #tpu.memory_space<vmem_shared>>
      %dma_start3A_40 = arith.constant 0 : i32
      %dma_start3A_41 = tpu.memref_slice %arg7[%add3A_24, %dma_start3A_40] : memref<10240x16xf32, #tpu.memory_space<vmem_shared>> -> memref<128x16xf32, #tpu.memory_space<vmem_shared>>
      tpu.enqueue_dma source(%arg6 : memref<128x16xf32, #tpu.memory_space<vmem>>) target(%dma_start3A_41 : memref<128x16xf32, #tpu.memory_space<vmem_shared>>) target_semaphore(%run_scoped3A : memref<!tpu.dma_semaphore, #tpu.memory_space<semaphore_mem>>)
      %dma_wait3A = arith.constant 0 : i32
      %dma_wait3A_42 = tpu.memref_slice %arg7[%add3A_24, %dma_wait3A] : memref<10240x16xf32, #tpu.memory_space<vmem_shared>> -> memref<128x16xf32, #tpu.memory_space<vmem_shared>>
      %dma_wait3A_43 = arith.constant 0 : i32
      %dma_wait3A_44 = tpu.memref_slice %arg7[%add3A_24, %dma_wait3A_43] : memref<10240x16xf32, #tpu.memory_space<vmem_shared>> -> memref<128x16xf32, #tpu.memory_space<vmem_shared>>
      tpu.wait_dma2 semaphore(%run_scoped3A : memref<!tpu.dma_semaphore, #tpu.memory_space<semaphore_mem>>) src(%arg6 : memref<128x16xf32, #tpu.memory_space<vmem>>) dst(%dma_wait3A_44 : memref<128x16xf32, #tpu.memory_space<vmem_shared>>)
      tpu.yield
    }) : () -> ()
    %add3A_25 = arith.constant 384 : i32
    %add3A_26 = arith.addi %mul3A_0, %add3A_25 : i32
    "tpu.region"() ({
      %run_scoped3A = tpu.sem_alloc : memref<!tpu.dma_semaphore, #tpu.memory_space<semaphore_mem>>
      %dma_start3A = arith.constant 0 : i32
      %dma_start3A_39 = tpu.memref_slice %arg7[%add3A_26, %dma_start3A] : memref<10240x16xf32, #tpu.memory_space<vmem_shared>> -> memref<128x16xf32, #tpu.memory_space<vmem_shared>>
      %dma_start3A_40 = arith.constant 0 : i32
      %dma_start3A_41 = tpu.memref_slice %arg7[%add3A_26, %dma_start3A_40] : memref<10240x16xf32, #tpu.memory_space<vmem_shared>> -> memref<128x16xf32, #tpu.memory_space<vmem_shared>>
      tpu.enqueue_dma source(%arg6 : memref<128x16xf32, #tpu.memory_space<vmem>>) target(%dma_start3A_41 : memref<128x16xf32, #tpu.memory_space<vmem_shared>>) target_semaphore(%run_scoped3A : memref<!tpu.dma_semaphore, #tpu.memory_space<semaphore_mem>>)
      %dma_wait3A = arith.constant 0 : i32
      %dma_wait3A_42 = tpu.memref_slice %arg7[%add3A_26, %dma_wait3A] : memref<10240x16xf32, #tpu.memory_space<vmem_shared>> -> memref<128x16xf32, #tpu.memory_space<vmem_shared>>
      %dma_wait3A_43 = arith.constant 0 : i32
      %dma_wait3A_44 = tpu.memref_slice %arg7[%add3A_26, %dma_wait3A_43] : memref<10240x16xf32, #tpu.memory_space<vmem_shared>> -> memref<128x16xf32, #tpu.memory_space<vmem_shared>>
      tpu.wait_dma2 semaphore(%run_scoped3A : memref<!tpu.dma_semaphore, #tpu.memory_space<semaphore_mem>>) src(%arg6 : memref<128x16xf32, #tpu.memory_space<vmem>>) dst(%dma_wait3A_44 : memref<128x16xf32, #tpu.memory_space<vmem_shared>>)
      tpu.yield
    }) : () -> ()
    %add3A_27 = arith.constant 512 : i32
    %add3A_28 = arith.addi %mul3A_0, %add3A_27 : i32
    "tpu.region"() ({
      %run_scoped3A = tpu.sem_alloc : memref<!tpu.dma_semaphore, #tpu.memory_space<semaphore_mem>>
      %dma_start3A = arith.constant 0 : i32
      %dma_start3A_39 = tpu.memref_slice %arg7[%add3A_28, %dma_start3A] : memref<10240x16xf32, #tpu.memory_space<vmem_shared>> -> memref<128x16xf32, #tpu.memory_space<vmem_shared>>
      %dma_start3A_40 = arith.constant 0 : i32
      %dma_start3A_41 = tpu.memref_slice %arg7[%add3A_28, %dma_start3A_40] : memref<10240x16xf32, #tpu.memory_space<vmem_shared>> -> memref<128x16xf32, #tpu.memory_space<vmem_shared>>
      tpu.enqueue_dma source(%arg6 : memref<128x16xf32, #tpu.memory_space<vmem>>) target(%dma_start3A_41 : memref<128x16xf32, #tpu.memory_space<vmem_shared>>) target_semaphore(%run_scoped3A : memref<!tpu.dma_semaphore, #tpu.memory_space<semaphore_mem>>)
      %dma_wait3A = arith.constant 0 : i32
      %dma_wait3A_42 = tpu.memref_slice %arg7[%add3A_28, %dma_wait3A] : memref<10240x16xf32, #tpu.memory_space<vmem_shared>> -> memref<128x16xf32, #tpu.memory_space<vmem_shared>>
      %dma_wait3A_43 = arith.constant 0 : i32
      %dma_wait3A_44 = tpu.memref_slice %arg7[%add3A_28, %dma_wait3A_43] : memref<10240x16xf32, #tpu.memory_space<vmem_shared>> -> memref<128x16xf32, #tpu.memory_space<vmem_shared>>
      tpu.wait_dma2 semaphore(%run_scoped3A : memref<!tpu.dma_semaphore, #tpu.memory_space<semaphore_mem>>) src(%arg6 : memref<128x16xf32, #tpu.memory_space<vmem>>) dst(%dma_wait3A_44 : memref<128x16xf32, #tpu.memory_space<vmem_shared>>)
      tpu.yield
    }) : () -> ()
    %barrier3A = arith.constant 0 : index
    tpu.barrier barrier_id(%barrier3A)
    "tpu.region"() ({
      %run_scoped3A = tpu.sem_alloc : memref<!tpu.dma_semaphore, #tpu.memory_space<semaphore_mem>>
      %dma_start3A = tpu.memref_slice %arg2[%add3A] : memref<333184xi32, #tpu.memory_space<hbm>> -> memref<11648xi32, #tpu.memory_space<hbm>>
      %dma_start3A_39 = tpu.memref_slice %arg2[%add3A] : memref<333184xi32, #tpu.memory_space<hbm>> -> memref<11648xi32, #tpu.memory_space<hbm>>
      tpu.enqueue_dma source(%dma_start3A_39 : memref<11648xi32, #tpu.memory_space<hbm>>) target(%arg4 : memref<11648xi32, #tpu.memory_space<vmem>>) target_semaphore(%run_scoped3A : memref<!tpu.dma_semaphore, #tpu.memory_space<semaphore_mem>>)
      %dma_wait3A = tpu.memref_slice %arg2[%add3A] : memref<333184xi32, #tpu.memory_space<hbm>> -> memref<11648xi32, #tpu.memory_space<hbm>>
      %dma_wait3A_40 = tpu.memref_slice %arg2[%add3A] : memref<333184xi32, #tpu.memory_space<hbm>> -> memref<11648xi32, #tpu.memory_space<hbm>>
      tpu.wait_dma2 semaphore(%run_scoped3A : memref<!tpu.dma_semaphore, #tpu.memory_space<semaphore_mem>>) src(%dma_wait3A_40 : memref<11648xi32, #tpu.memory_space<hbm>>) dst(%arg4 : memref<11648xi32, #tpu.memory_space<vmem>>)
      tpu.yield
    }) : () -> ()
    %while3A = arith.constant 0 : i32
    %while3A_29 = arith.constant 0 : i32
    %while3A_30 = arith.subi %select_n3A, %while3A_29 : i32
    %while3A_31 = arith.addi %while3A_29, %while3A_30 : i32
    %while3A_32 = arith.constant 1 : i32
    %while3A_33 = arith.divsi %while3A_30, %while3A_32 : i32
    %while3A_34 = arith.muli %while3A_33, %while3A_32 : i32
    %while3A_35 = arith.addi %while3A_29, %while3A_34 : i32
    %while3A_36 = arith.constant 1 : i32
    scf.for %while3A_39 = %while3A_29 to %while3A_35 step %while3A_36  : i32 {
      %mul3A_40 = arith.constant 128 : i32
      %mul3A_41 = arith.muli %while3A_39, %mul3A_40 : i32
      "tpu.region"() ({
        %run_scoped3A = tpu.sem_alloc : memref<!tpu.dma_semaphore, #tpu.memory_space<semaphore_mem>>
        %dma_start3A = tpu.memref_slice %arg4[%mul3A_41] : memref<11648xi32, #tpu.memory_space<vmem>> -> memref<128xi32, #tpu.memory_space<vmem>>
        %dma_start3A_42 = arith.constant 0 : i32
        %dma_start3A_43 = arith.constant 0 : i32
        %dma_start3A_44 = tpu.memref_slice %arg7[%dma_start3A_42, %dma_start3A_43] : memref<10240x16xf32, #tpu.memory_space<vmem_shared>> -> memref<10240x16xf32, #tpu.memory_space<vmem_shared>>
        tpu.enqueue_indirect_dma source(%arg5 : memref<128x16xf32, #tpu.memory_space<vmem>>) target(%dma_start3A_44 : memref<10240x16xf32, #tpu.memory_space<vmem_shared>>) offsets(%dma_start3A : memref<128xi32, #tpu.memory_space<vmem>>) semaphore(%run_scoped3A : memref<!tpu.dma_semaphore, #tpu.memory_space<semaphore_mem>>) {add = true}
        %dma_wait3A = tpu.memref_slice %arg4[%mul3A_41] : memref<11648xi32, #tpu.memory_space<vmem>> -> memref<128xi32, #tpu.memory_space<vmem>>
        %dma_wait3A_45 = arith.constant 0 : i32
        %dma_wait3A_46 = arith.constant 0 : i32
        %dma_wait3A_47 = tpu.memref_slice %arg7[%dma_wait3A_45, %dma_wait3A_46] : memref<10240x16xf32, #tpu.memory_space<vmem_shared>> -> memref<10240x16xf32, #tpu.memory_space<vmem_shared>>
        tpu.wait_indirect_dma semaphore(%run_scoped3A : memref<!tpu.dma_semaphore, #tpu.memory_space<semaphore_mem>>) src(%arg5 : memref<128x16xf32, #tpu.memory_space<vmem>>) dst(%dma_wait3A_47 : memref<10240x16xf32, #tpu.memory_space<vmem_shared>>)
        tpu.yield
      }) : () -> ()
    }
    %while3A_37 = arith.constant 1 : i32
    scf.for %while3A_39 = %while3A_35 to %while3A_31 step %while3A_37  : i32 {
      %mul3A_40 = arith.constant 128 : i32
      %mul3A_41 = arith.muli %while3A_39, %mul3A_40 : i32
      "tpu.region"() ({
        %run_scoped3A = tpu.sem_alloc : memref<!tpu.dma_semaphore, #tpu.memory_space<semaphore_mem>>
        %dma_start3A = tpu.memref_slice %arg4[%mul3A_41] : memref<11648xi32, #tpu.memory_space<vmem>> -> memref<128xi32, #tpu.memory_space<vmem>>
        %dma_start3A_42 = arith.constant 0 : i32
        %dma_start3A_43 = arith.constant 0 : i32
        %dma_start3A_44 = tpu.memref_slice %arg7[%dma_start3A_42, %dma_start3A_43] : memref<10240x16xf32, #tpu.memory_space<vmem_shared>> -> memref<10240x16xf32, #tpu.memory_space<vmem_shared>>
        tpu.enqueue_indirect_dma source(%arg5 : memref<128x16xf32, #tpu.memory_space<vmem>>) target(%dma_start3A_44 : memref<10240x16xf32, #tpu.memory_space<vmem_shared>>) offsets(%dma_start3A : memref<128xi32, #tpu.memory_space<vmem>>) semaphore(%run_scoped3A : memref<!tpu.dma_semaphore, #tpu.memory_space<semaphore_mem>>) {add = true}
        %dma_wait3A = tpu.memref_slice %arg4[%mul3A_41] : memref<11648xi32, #tpu.memory_space<vmem>> -> memref<128xi32, #tpu.memory_space<vmem>>
        %dma_wait3A_45 = arith.constant 0 : i32
        %dma_wait3A_46 = arith.constant 0 : i32
        %dma_wait3A_47 = tpu.memref_slice %arg7[%dma_wait3A_45, %dma_wait3A_46] : memref<10240x16xf32, #tpu.memory_space<vmem_shared>> -> memref<10240x16xf32, #tpu.memory_space<vmem_shared>>
        tpu.wait_indirect_dma semaphore(%run_scoped3A : memref<!tpu.dma_semaphore, #tpu.memory_space<semaphore_mem>>) src(%arg5 : memref<128x16xf32, #tpu.memory_space<vmem>>) dst(%dma_wait3A_47 : memref<10240x16xf32, #tpu.memory_space<vmem_shared>>)
        tpu.yield
      }) : () -> ()
    }
    %barrier3A_38 = arith.constant 0 : index
    tpu.barrier barrier_id(%barrier3A_38)
    "tpu.region"() ({
      %run_scoped3A = tpu.sem_alloc : memref<!tpu.dma_semaphore, #tpu.memory_space<semaphore_mem>>
      %dma_start3A = arith.constant 0 : i32
      %dma_start3A_39 = tpu.memref_slice %arg3[%arg0, %mul3A_0, %dma_start3A] : memref<2x10240x16xf32, #tpu.memory_space<hbm>> -> memref<1x640x16xf32, #tpu.memory_space<hbm>>
      %dma_start3A_40 = tpu.memref_squeeze %dma_start3A_39 : memref<1x640x16xf32, #tpu.memory_space<hbm>> -> memref<640x16xf32, #tpu.memory_space<hbm>>
      %dma_start3A_41 = arith.constant 0 : i32
      %dma_start3A_42 = tpu.memref_slice %arg7[%mul3A_0, %dma_start3A_41] : memref<10240x16xf32, #tpu.memory_space<vmem_shared>> -> memref<640x16xf32, #tpu.memory_space<vmem_shared>>
      tpu.enqueue_dma source(%dma_start3A_42 : memref<640x16xf32, #tpu.memory_space<vmem_shared>>) target(%dma_start3A_40 : memref<640x16xf32, #tpu.memory_space<hbm>>) target_semaphore(%run_scoped3A : memref<!tpu.dma_semaphore, #tpu.memory_space<semaphore_mem>>)
      %dma_wait3A = arith.constant 0 : i32
      %dma_wait3A_43 = tpu.memref_slice %arg3[%arg0, %mul3A_0, %dma_wait3A] : memref<2x10240x16xf32, #tpu.memory_space<hbm>> -> memref<1x640x16xf32, #tpu.memory_space<hbm>>
      %dma_wait3A_44 = tpu.memref_squeeze %dma_wait3A_43 : memref<1x640x16xf32, #tpu.memory_space<hbm>> -> memref<640x16xf32, #tpu.memory_space<hbm>>
      %dma_wait3A_45 = arith.constant 0 : i32
      %dma_wait3A_46 = tpu.memref_slice %arg7[%mul3A_0, %dma_wait3A_45] : memref<10240x16xf32, #tpu.memory_space<vmem_shared>> -> memref<640x16xf32, #tpu.memory_space<vmem_shared>>
      tpu.wait_dma2 semaphore(%run_scoped3A : memref<!tpu.dma_semaphore, #tpu.memory_space<semaphore_mem>>) src(%dma_wait3A_46 : memref<640x16xf32, #tpu.memory_space<vmem_shared>>) dst(%dma_wait3A_44 : memref<640x16xf32, #tpu.memory_space<hbm>>)
      tpu.yield
    }) : () -> ()
    return
  }
}

#map = affine_map<(d0, d1) -> (0, 0)>
#map1 = affine_map<(d0, d1) -> (0)>
#map2 = affine_map<(d0, d1) -> (0, 0, 0, 0)>
module attributes {stable_mosaic.version = 14 : i64} {
  func.func @body(%arg0: i32, %arg1: i32, %arg2: memref<10000x64xf32, #tpu.memory_space<hbm>>, %arg3: memref<10000x64xf32, #tpu.memory_space<hbm>>, %arg4: memref<333184xi32, #tpu.memory_space<hbm>>, %arg5: memref<333184xi32, #tpu.memory_space<hbm>>, %arg6: memref<2x2x10240x64xf32, #tpu.memory_space<hbm>>, %arg7: memref<11648xi32, #tpu.memory_space<vmem>>, %arg8: memref<11648xi32, #tpu.memory_space<vmem>>, %arg9: memref<128x64xf32, #tpu.memory_space<vmem>>, %arg10: memref<128x64xf32, #tpu.memory_space<vmem>>, %arg11: memref<10240x64xf32, #tpu.memory_space<vmem_shared>>, %arg12: memref<!tpu.dma_semaphore, #tpu.memory_space<semaphore_mem>>) attributes {dimension_semantics = [#tpu.dimension_semantics<core_parallel>, #tpu.dimension_semantics<subcore_parallel>], iteration_bounds = array<i64: 2, 16>, scalar_prefetch = 0 : i64, scratch_operands = 6 : i64, tpu.core_type = #tpu.core_type<sc_vector_subcore>, window_params = [{transform_indices = #map}, {transform_indices = #map}, {transform_indices = #map1}, {transform_indices = #map1}, {transform_indices = #map2}]} {
    %mul3A = arith.constant 640 : i32
    %mul3A_0 = arith.muli %arg1, %mul3A : i32
    %eq3A = arith.constant 0 : i32
    %eq3A_1 = arith.cmpi eq, %arg0, %eq3A : i32
    %jit3A = arith.constant 91 : i32
    %jit3A_2 = arith.constant 66 : i32
    %select_n3A = arith.select %eq3A_1, %jit3A, %jit3A_2 : i32
    %mul3A_3 = arith.constant 186368 : i32
    %mul3A_4 = arith.muli %arg0, %mul3A_3 : i32
    %mul3A_5 = arith.muli %arg1, %select_n3A : i32
    %mul3A_6 = arith.constant 128 : i32
    %mul3A_7 = arith.muli %mul3A_5, %mul3A_6 : i32
    %add3A = arith.addi %mul3A_4, %mul3A_7 : i32
    %scan3A = arith.constant 0 : i32
    %scan3A_8 = arith.constant 0 : i32
    %scan3A_9 = arith.constant 512 : i32
    %scan3A_10 = arith.addi %scan3A_8, %scan3A_9 : i32
    %scan3A_11 = arith.constant 1 : i32
    scf.for %scan3A_56 = %scan3A_8 to %scan3A_10 step %scan3A_11  : i32 {
      %broadcast_in_dim3A = arith.constant 0.000000e+00 : f32
      %broadcast_in_dim3A_57 = vector.broadcast %broadcast_in_dim3A : f32 to vector<16xf32>
      %jit3A_58 = arith.constant 4 : i32
      %div3A = arith.divsi %scan3A_56, %jit3A_58 : i32
      %sign3A = arith.constant 0 : i32
      %sign3A_59 = arith.cmpi sgt, %scan3A_56, %sign3A : i32
      %sign3A_60 = arith.extui %sign3A_59 : i1 to i32
      %sign3A_61 = arith.constant 0 : i32
      %sign3A_62 = arith.cmpi slt, %scan3A_56, %sign3A_61 : i32
      %sign3A_63 = arith.extui %sign3A_62 : i1 to i32
      %sign3A_64 = arith.subi %sign3A_60, %sign3A_63 : i32
      %sign3A_65 = arith.constant 0 : i32
      %sign3A_66 = arith.cmpi sgt, %jit3A_58, %sign3A_65 : i32
      %sign3A_67 = arith.extui %sign3A_66 : i1 to i32
      %sign3A_68 = arith.constant 0 : i32
      %sign3A_69 = arith.cmpi slt, %jit3A_58, %sign3A_68 : i32
      %sign3A_70 = arith.extui %sign3A_69 : i1 to i32
      %sign3A_71 = arith.subi %sign3A_67, %sign3A_70 : i32
      %ne3A = arith.cmpi ne, %sign3A_64, %sign3A_71 : i32
      %rem3A = arith.remsi %scan3A_56, %jit3A_58 : i32
      %ne3A_72 = arith.constant 0 : i32
      %ne3A_73 = arith.cmpi ne, %rem3A, %ne3A_72 : i32
      %and3A = arith.andi %ne3A, %ne3A_73 : i1
      %sub3A = arith.constant 1 : i32
      %sub3A_74 = arith.subi %div3A, %sub3A : i32
      %select_n3A_75 = arith.select %and3A, %sub3A_74, %div3A : i32
      %jit3A_76 = arith.constant 4 : i32
      %eq3A_77 = arith.constant 0 : i32
      %eq3A_78 = arith.cmpi eq, %jit3A_76, %eq3A_77 : i32
      %jit3A_79 = arith.constant 1 : i32
      %select_n3A_80 = arith.select %eq3A_78, %jit3A_79, %jit3A_76 : i32
      %rem3A_81 = arith.remsi %scan3A_56, %select_n3A_80 : i32
      %ne3A_82 = arith.constant 0 : i32
      %ne3A_83 = arith.cmpi ne, %rem3A_81, %ne3A_82 : i32
      %lt3A = arith.constant 0 : i32
      %lt3A_84 = arith.cmpi slt, %rem3A_81, %lt3A : i32
      %lt3A_85 = arith.constant 0 : i32
      %lt3A_86 = arith.cmpi slt, %select_n3A_80, %lt3A_85 : i32
      %ne3A_87 = arith.xori %lt3A_84, %lt3A_86 : i1
      %and3A_88 = arith.andi %ne3A_87, %ne3A_83 : i1
      %add3A_89 = arith.addi %rem3A_81, %select_n3A_80 : i32
      %select_n3A_90 = arith.select %and3A_88, %add3A_89, %rem3A_81 : i32
      %mul3A_91 = arith.constant 16 : i32
      %mul3A_92 = arith.muli %select_n3A_90, %mul3A_91 : i32
      %swap3A = arith.index_cast %select_n3A_75 : i32 to index
      %swap3A_93 = arith.index_cast %mul3A_92 : i32 to index
      %swap3A_94 = tpu.vector_load %arg10[%swap3A, %swap3A_93] {strides = array<i32>} : memref<128x64xf32, #tpu.memory_space<vmem>>, vector<1x16xf32>,
      %swap3A_95 = vector.shape_cast %swap3A_94 : vector<1x16xf32> to vector<16xf32>
      %swap3A_96 = vector.shape_cast %broadcast_in_dim3A_57 : vector<16xf32> to vector<1x16xf32>
      tpu.vector_store %arg10[%swap3A, %swap3A_93], %swap3A_96 {strides = array<i32>} : memref<128x64xf32, #tpu.memory_space<vmem>>, vector<1x16xf32>,
    }
    %scan3A_12 = arith.constant 512 : i32
    "tpu.region"() ({
      %run_scoped3A_56 = tpu.sem_alloc : memref<!tpu.dma_semaphore, #tpu.memory_space<semaphore_mem>>
      %dma_start3A = tpu.memref_slice %arg4[%add3A] : memref<333184xi32, #tpu.memory_space<hbm>> -> memref<11648xi32, #tpu.memory_space<hbm>>
      %dma_start3A_57 = tpu.memref_slice %arg4[%add3A] : memref<333184xi32, #tpu.memory_space<hbm>> -> memref<11648xi32, #tpu.memory_space<hbm>>
      tpu.enqueue_dma source(%dma_start3A_57 : memref<11648xi32, #tpu.memory_space<hbm>>) target(%arg7 : memref<11648xi32, #tpu.memory_space<vmem>>) target_semaphore(%run_scoped3A_56 : memref<!tpu.dma_semaphore, #tpu.memory_space<semaphore_mem>>)
      %dma_wait3A = tpu.memref_slice %arg4[%add3A] : memref<333184xi32, #tpu.memory_space<hbm>> -> memref<11648xi32, #tpu.memory_space<hbm>>
      %dma_wait3A_58 = tpu.memref_slice %arg4[%add3A] : memref<333184xi32, #tpu.memory_space<hbm>> -> memref<11648xi32, #tpu.memory_space<hbm>>
      tpu.wait_dma2 semaphore(%run_scoped3A_56 : memref<!tpu.dma_semaphore, #tpu.memory_space<semaphore_mem>>) src(%dma_wait3A_58 : memref<11648xi32, #tpu.memory_space<hbm>>) dst(%arg7 : memref<11648xi32, #tpu.memory_space<vmem>>)
      tpu.yield
    }) : () -> ()
    "tpu.region"() ({
      %run_scoped3A_56 = tpu.sem_alloc : memref<!tpu.dma_semaphore, #tpu.memory_space<semaphore_mem>>
      %dma_start3A = tpu.memref_slice %arg5[%add3A] : memref<333184xi32, #tpu.memory_space<hbm>> -> memref<11648xi32, #tpu.memory_space<hbm>>
      %dma_start3A_57 = tpu.memref_slice %arg5[%add3A] : memref<333184xi32, #tpu.memory_space<hbm>> -> memref<11648xi32, #tpu.memory_space<hbm>>
      tpu.enqueue_dma source(%dma_start3A_57 : memref<11648xi32, #tpu.memory_space<hbm>>) target(%arg8 : memref<11648xi32, #tpu.memory_space<vmem>>) target_semaphore(%run_scoped3A_56 : memref<!tpu.dma_semaphore, #tpu.memory_space<semaphore_mem>>)
      %dma_wait3A = tpu.memref_slice %arg5[%add3A] : memref<333184xi32, #tpu.memory_space<hbm>> -> memref<11648xi32, #tpu.memory_space<hbm>>
      %dma_wait3A_58 = tpu.memref_slice %arg5[%add3A] : memref<333184xi32, #tpu.memory_space<hbm>> -> memref<11648xi32, #tpu.memory_space<hbm>>
      tpu.wait_dma2 semaphore(%run_scoped3A_56 : memref<!tpu.dma_semaphore, #tpu.memory_space<semaphore_mem>>) src(%dma_wait3A_58 : memref<11648xi32, #tpu.memory_space<hbm>>) dst(%arg8 : memref<11648xi32, #tpu.memory_space<vmem>>)
      tpu.yield
    }) : () -> ()
    %add3A_13 = arith.constant 0 : i32
    %add3A_14 = arith.addi %mul3A_0, %add3A_13 : i32
    "tpu.region"() ({
      %run_scoped3A_56 = tpu.sem_alloc : memref<!tpu.dma_semaphore, #tpu.memory_space<semaphore_mem>>
      %dma_start3A = arith.constant 0 : i32
      %dma_start3A_57 = tpu.memref_slice %arg11[%add3A_14, %dma_start3A] : memref<10240x64xf32, #tpu.memory_space<vmem_shared>> -> memref<128x64xf32, #tpu.memory_space<vmem_shared>>
      %dma_start3A_58 = arith.constant 0 : i32
      %dma_start3A_59 = tpu.memref_slice %arg11[%add3A_14, %dma_start3A_58] : memref<10240x64xf32, #tpu.memory_space<vmem_shared>> -> memref<128x64xf32, #tpu.memory_space<vmem_shared>>
      tpu.enqueue_dma source(%arg10 : memref<128x64xf32, #tpu.memory_space<vmem>>) target(%dma_start3A_59 : memref<128x64xf32, #tpu.memory_space<vmem_shared>>) target_semaphore(%run_scoped3A_56 : memref<!tpu.dma_semaphore, #tpu.memory_space<semaphore_mem>>)
      %dma_wait3A = arith.constant 0 : i32
      %dma_wait3A_60 = tpu.memref_slice %arg11[%add3A_14, %dma_wait3A] : memref<10240x64xf32, #tpu.memory_space<vmem_shared>> -> memref<128x64xf32, #tpu.memory_space<vmem_shared>>
      %dma_wait3A_61 = arith.constant 0 : i32
      %dma_wait3A_62 = tpu.memref_slice %arg11[%add3A_14, %dma_wait3A_61] : memref<10240x64xf32, #tpu.memory_space<vmem_shared>> -> memref<128x64xf32, #tpu.memory_space<vmem_shared>>
      tpu.wait_dma2 semaphore(%run_scoped3A_56 : memref<!tpu.dma_semaphore, #tpu.memory_space<semaphore_mem>>) src(%arg10 : memref<128x64xf32, #tpu.memory_space<vmem>>) dst(%dma_wait3A_62 : memref<128x64xf32, #tpu.memory_space<vmem_shared>>)
      tpu.yield
    }) : () -> ()
    %add3A_15 = arith.constant 128 : i32
    %add3A_16 = arith.addi %mul3A_0, %add3A_15 : i32
    "tpu.region"() ({
      %run_scoped3A_56 = tpu.sem_alloc : memref<!tpu.dma_semaphore, #tpu.memory_space<semaphore_mem>>
      %dma_start3A = arith.constant 0 : i32
      %dma_start3A_57 = tpu.memref_slice %arg11[%add3A_16, %dma_start3A] : memref<10240x64xf32, #tpu.memory_space<vmem_shared>> -> memref<128x64xf32, #tpu.memory_space<vmem_shared>>
      %dma_start3A_58 = arith.constant 0 : i32
      %dma_start3A_59 = tpu.memref_slice %arg11[%add3A_16, %dma_start3A_58] : memref<10240x64xf32, #tpu.memory_space<vmem_shared>> -> memref<128x64xf32, #tpu.memory_space<vmem_shared>>
      tpu.enqueue_dma source(%arg10 : memref<128x64xf32, #tpu.memory_space<vmem>>) target(%dma_start3A_59 : memref<128x64xf32, #tpu.memory_space<vmem_shared>>) target_semaphore(%run_scoped3A_56 : memref<!tpu.dma_semaphore, #tpu.memory_space<semaphore_mem>>)
      %dma_wait3A = arith.constant 0 : i32
      %dma_wait3A_60 = tpu.memref_slice %arg11[%add3A_16, %dma_wait3A] : memref<10240x64xf32, #tpu.memory_space<vmem_shared>> -> memref<128x64xf32, #tpu.memory_space<vmem_shared>>
      %dma_wait3A_61 = arith.constant 0 : i32
      %dma_wait3A_62 = tpu.memref_slice %arg11[%add3A_16, %dma_wait3A_61] : memref<10240x64xf32, #tpu.memory_space<vmem_shared>> -> memref<128x64xf32, #tpu.memory_space<vmem_shared>>
      tpu.wait_dma2 semaphore(%run_scoped3A_56 : memref<!tpu.dma_semaphore, #tpu.memory_space<semaphore_mem>>) src(%arg10 : memref<128x64xf32, #tpu.memory_space<vmem>>) dst(%dma_wait3A_62 : memref<128x64xf32, #tpu.memory_space<vmem_shared>>)
      tpu.yield
    }) : () -> ()
    %add3A_17 = arith.constant 256 : i32
    %add3A_18 = arith.addi %mul3A_0, %add3A_17 : i32
    "tpu.region"() ({
      %run_scoped3A_56 = tpu.sem_alloc : memref<!tpu.dma_semaphore, #tpu.memory_space<semaphore_mem>>
      %dma_start3A = arith.constant 0 : i32
      %dma_start3A_57 = tpu.memref_slice %arg11[%add3A_18, %dma_start3A] : memref<10240x64xf32, #tpu.memory_space<vmem_shared>> -> memref<128x64xf32, #tpu.memory_space<vmem_shared>>
      %dma_start3A_58 = arith.constant 0 : i32
      %dma_start3A_59 = tpu.memref_slice %arg11[%add3A_18, %dma_start3A_58] : memref<10240x64xf32, #tpu.memory_space<vmem_shared>> -> memref<128x64xf32, #tpu.memory_space<vmem_shared>>
      tpu.enqueue_dma source(%arg10 : memref<128x64xf32, #tpu.memory_space<vmem>>) target(%dma_start3A_59 : memref<128x64xf32, #tpu.memory_space<vmem_shared>>) target_semaphore(%run_scoped3A_56 : memref<!tpu.dma_semaphore, #tpu.memory_space<semaphore_mem>>)
      %dma_wait3A = arith.constant 0 : i32
      %dma_wait3A_60 = tpu.memref_slice %arg11[%add3A_18, %dma_wait3A] : memref<10240x64xf32, #tpu.memory_space<vmem_shared>> -> memref<128x64xf32, #tpu.memory_space<vmem_shared>>
      %dma_wait3A_61 = arith.constant 0 : i32
      %dma_wait3A_62 = tpu.memref_slice %arg11[%add3A_18, %dma_wait3A_61] : memref<10240x64xf32, #tpu.memory_space<vmem_shared>> -> memref<128x64xf32, #tpu.memory_space<vmem_shared>>
      tpu.wait_dma2 semaphore(%run_scoped3A_56 : memref<!tpu.dma_semaphore, #tpu.memory_space<semaphore_mem>>) src(%arg10 : memref<128x64xf32, #tpu.memory_space<vmem>>) dst(%dma_wait3A_62 : memref<128x64xf32, #tpu.memory_space<vmem_shared>>)
      tpu.yield
    }) : () -> ()
    %add3A_19 = arith.constant 384 : i32
    %add3A_20 = arith.addi %mul3A_0, %add3A_19 : i32
    "tpu.region"() ({
      %run_scoped3A_56 = tpu.sem_alloc : memref<!tpu.dma_semaphore, #tpu.memory_space<semaphore_mem>>
      %dma_start3A = arith.constant 0 : i32
      %dma_start3A_57 = tpu.memref_slice %arg11[%add3A_20, %dma_start3A] : memref<10240x64xf32, #tpu.memory_space<vmem_shared>> -> memref<128x64xf32, #tpu.memory_space<vmem_shared>>
      %dma_start3A_58 = arith.constant 0 : i32
      %dma_start3A_59 = tpu.memref_slice %arg11[%add3A_20, %dma_start3A_58] : memref<10240x64xf32, #tpu.memory_space<vmem_shared>> -> memref<128x64xf32, #tpu.memory_space<vmem_shared>>
      tpu.enqueue_dma source(%arg10 : memref<128x64xf32, #tpu.memory_space<vmem>>) target(%dma_start3A_59 : memref<128x64xf32, #tpu.memory_space<vmem_shared>>) target_semaphore(%run_scoped3A_56 : memref<!tpu.dma_semaphore, #tpu.memory_space<semaphore_mem>>)
      %dma_wait3A = arith.constant 0 : i32
      %dma_wait3A_60 = tpu.memref_slice %arg11[%add3A_20, %dma_wait3A] : memref<10240x64xf32, #tpu.memory_space<vmem_shared>> -> memref<128x64xf32, #tpu.memory_space<vmem_shared>>
      %dma_wait3A_61 = arith.constant 0 : i32
      %dma_wait3A_62 = tpu.memref_slice %arg11[%add3A_20, %dma_wait3A_61] : memref<10240x64xf32, #tpu.memory_space<vmem_shared>> -> memref<128x64xf32, #tpu.memory_space<vmem_shared>>
      tpu.wait_dma2 semaphore(%run_scoped3A_56 : memref<!tpu.dma_semaphore, #tpu.memory_space<semaphore_mem>>) src(%arg10 : memref<128x64xf32, #tpu.memory_space<vmem>>) dst(%dma_wait3A_62 : memref<128x64xf32, #tpu.memory_space<vmem_shared>>)
      tpu.yield
    }) : () -> ()
    %add3A_21 = arith.constant 512 : i32
    %add3A_22 = arith.addi %mul3A_0, %add3A_21 : i32
    "tpu.region"() ({
      %run_scoped3A_56 = tpu.sem_alloc : memref<!tpu.dma_semaphore, #tpu.memory_space<semaphore_mem>>
      %dma_start3A = arith.constant 0 : i32
      %dma_start3A_57 = tpu.memref_slice %arg11[%add3A_22, %dma_start3A] : memref<10240x64xf32, #tpu.memory_space<vmem_shared>> -> memref<128x64xf32, #tpu.memory_space<vmem_shared>>
      %dma_start3A_58 = arith.constant 0 : i32
      %dma_start3A_59 = tpu.memref_slice %arg11[%add3A_22, %dma_start3A_58] : memref<10240x64xf32, #tpu.memory_space<vmem_shared>> -> memref<128x64xf32, #tpu.memory_space<vmem_shared>>
      tpu.enqueue_dma source(%arg10 : memref<128x64xf32, #tpu.memory_space<vmem>>) target(%dma_start3A_59 : memref<128x64xf32, #tpu.memory_space<vmem_shared>>) target_semaphore(%run_scoped3A_56 : memref<!tpu.dma_semaphore, #tpu.memory_space<semaphore_mem>>)
      %dma_wait3A = arith.constant 0 : i32
      %dma_wait3A_60 = tpu.memref_slice %arg11[%add3A_22, %dma_wait3A] : memref<10240x64xf32, #tpu.memory_space<vmem_shared>> -> memref<128x64xf32, #tpu.memory_space<vmem_shared>>
      %dma_wait3A_61 = arith.constant 0 : i32
      %dma_wait3A_62 = tpu.memref_slice %arg11[%add3A_22, %dma_wait3A_61] : memref<10240x64xf32, #tpu.memory_space<vmem_shared>> -> memref<128x64xf32, #tpu.memory_space<vmem_shared>>
      tpu.wait_dma2 semaphore(%run_scoped3A_56 : memref<!tpu.dma_semaphore, #tpu.memory_space<semaphore_mem>>) src(%arg10 : memref<128x64xf32, #tpu.memory_space<vmem>>) dst(%dma_wait3A_62 : memref<128x64xf32, #tpu.memory_space<vmem_shared>>)
      tpu.yield
    }) : () -> ()
    %barrier3A = arith.constant 0 : index
    tpu.barrier barrier_id(%barrier3A)
    %while3A = arith.constant 0 : i32
    %while3A_23 = arith.constant 0 : i32
    %while3A_24 = arith.subi %select_n3A, %while3A_23 : i32
    %while3A_25 = arith.addi %while3A_23, %while3A_24 : i32
    %while3A_26 = arith.constant 1 : i32
    %while3A_27 = arith.divsi %while3A_24, %while3A_26 : i32
    %while3A_28 = arith.muli %while3A_27, %while3A_26 : i32
    %while3A_29 = arith.addi %while3A_23, %while3A_28 : i32
    %while3A_30 = arith.constant 1 : i32
    scf.for %while3A_56 = %while3A_23 to %while3A_29 step %while3A_30  : i32 {
      %mul3A_57 = arith.constant 128 : i32
      %mul3A_58 = arith.muli %while3A_56, %mul3A_57 : i32
      %dma_start3A = tpu.memref_slice %arg7[%mul3A_58] : memref<11648xi32, #tpu.memory_space<vmem>> -> memref<128xi32, #tpu.memory_space<vmem>>
      %dma_start3A_59 = arith.constant 0 : i32
      %dma_start3A_60 = arith.constant 0 : i32
      %dma_start3A_61 = tpu.memref_slice %arg2[%dma_start3A_59, %dma_start3A_60] : memref<10000x64xf32, #tpu.memory_space<hbm>> -> memref<10000x64xf32, #tpu.memory_space<hbm>>
      tpu.enqueue_indirect_dma source(%dma_start3A_61 : memref<10000x64xf32, #tpu.memory_space<hbm>>) target(%arg9 : memref<128x64xf32, #tpu.memory_space<vmem>>) offsets(%dma_start3A : memref<128xi32, #tpu.memory_space<vmem>>) semaphore(%arg12 : memref<!tpu.dma_semaphore, #tpu.memory_space<semaphore_mem>>)
      %dma_wait3A = tpu.memref_slice %arg7[%mul3A_58] : memref<11648xi32, #tpu.memory_space<vmem>> -> memref<128xi32, #tpu.memory_space<vmem>>
      %dma_wait3A_62 = arith.constant 0 : i32
      %dma_wait3A_63 = arith.constant 0 : i32
      %dma_wait3A_64 = tpu.memref_slice %arg2[%dma_wait3A_62, %dma_wait3A_63] : memref<10000x64xf32, #tpu.memory_space<hbm>> -> memref<10000x64xf32, #tpu.memory_space<hbm>>
      tpu.wait_indirect_dma semaphore(%arg12 : memref<!tpu.dma_semaphore, #tpu.memory_space<semaphore_mem>>) src(%dma_wait3A_64 : memref<10000x64xf32, #tpu.memory_space<hbm>>) dst(%arg9 : memref<128x64xf32, #tpu.memory_space<vmem>>)
      %mul3A_65 = arith.constant 128 : i32
      %mul3A_66 = arith.muli %while3A_56, %mul3A_65 : i32
      "tpu.region"() ({
        %run_scoped3A_67 = tpu.sem_alloc : memref<!tpu.dma_semaphore, #tpu.memory_space<semaphore_mem>>
        %dma_start3A_68 = tpu.memref_slice %arg8[%mul3A_66] : memref<11648xi32, #tpu.memory_space<vmem>> -> memref<128xi32, #tpu.memory_space<vmem>>
        %dma_start3A_69 = arith.constant 0 : i32
        %dma_start3A_70 = arith.constant 0 : i32
        %dma_start3A_71 = tpu.memref_slice %arg11[%dma_start3A_69, %dma_start3A_70] : memref<10240x64xf32, #tpu.memory_space<vmem_shared>> -> memref<10240x64xf32, #tpu.memory_space<vmem_shared>>
        tpu.enqueue_indirect_dma source(%arg9 : memref<128x64xf32, #tpu.memory_space<vmem>>) target(%dma_start3A_71 : memref<10240x64xf32, #tpu.memory_space<vmem_shared>>) offsets(%dma_start3A_68 : memref<128xi32, #tpu.memory_space<vmem>>) semaphore(%run_scoped3A_67 : memref<!tpu.dma_semaphore, #tpu.memory_space<semaphore_mem>>) {add = true}
        %dma_wait3A_72 = tpu.memref_slice %arg8[%mul3A_66] : memref<11648xi32, #tpu.memory_space<vmem>> -> memref<128xi32, #tpu.memory_space<vmem>>
        %dma_wait3A_73 = arith.constant 0 : i32
        %dma_wait3A_74 = arith.constant 0 : i32
        %dma_wait3A_75 = tpu.memref_slice %arg11[%dma_wait3A_73, %dma_wait3A_74] : memref<10240x64xf32, #tpu.memory_space<vmem_shared>> -> memref<10240x64xf32, #tpu.memory_space<vmem_shared>>
        tpu.wait_indirect_dma semaphore(%run_scoped3A_67 : memref<!tpu.dma_semaphore, #tpu.memory_space<semaphore_mem>>) src(%arg9 : memref<128x64xf32, #tpu.memory_space<vmem>>) dst(%dma_wait3A_75 : memref<10240x64xf32, #tpu.memory_space<vmem_shared>>)
        tpu.yield
      }) : () -> ()
    }
    %while3A_31 = arith.constant 1 : i32
    scf.for %while3A_56 = %while3A_29 to %while3A_25 step %while3A_31  : i32 {
      %mul3A_57 = arith.constant 128 : i32
      %mul3A_58 = arith.muli %while3A_56, %mul3A_57 : i32
      %dma_start3A = tpu.memref_slice %arg7[%mul3A_58] : memref<11648xi32, #tpu.memory_space<vmem>> -> memref<128xi32, #tpu.memory_space<vmem>>
      %dma_start3A_59 = arith.constant 0 : i32
      %dma_start3A_60 = arith.constant 0 : i32
      %dma_start3A_61 = tpu.memref_slice %arg2[%dma_start3A_59, %dma_start3A_60] : memref<10000x64xf32, #tpu.memory_space<hbm>> -> memref<10000x64xf32, #tpu.memory_space<hbm>>
      tpu.enqueue_indirect_dma source(%dma_start3A_61 : memref<10000x64xf32, #tpu.memory_space<hbm>>) target(%arg9 : memref<128x64xf32, #tpu.memory_space<vmem>>) offsets(%dma_start3A : memref<128xi32, #tpu.memory_space<vmem>>) semaphore(%arg12 : memref<!tpu.dma_semaphore, #tpu.memory_space<semaphore_mem>>)
      %dma_wait3A = tpu.memref_slice %arg7[%mul3A_58] : memref<11648xi32, #tpu.memory_space<vmem>> -> memref<128xi32, #tpu.memory_space<vmem>>
      %dma_wait3A_62 = arith.constant 0 : i32
      %dma_wait3A_63 = arith.constant 0 : i32
      %dma_wait3A_64 = tpu.memref_slice %arg2[%dma_wait3A_62, %dma_wait3A_63] : memref<10000x64xf32, #tpu.memory_space<hbm>> -> memref<10000x64xf32, #tpu.memory_space<hbm>>
      tpu.wait_indirect_dma semaphore(%arg12 : memref<!tpu.dma_semaphore, #tpu.memory_space<semaphore_mem>>) src(%dma_wait3A_64 : memref<10000x64xf32, #tpu.memory_space<hbm>>) dst(%arg9 : memref<128x64xf32, #tpu.memory_space<vmem>>)
      %mul3A_65 = arith.constant 128 : i32
      %mul3A_66 = arith.muli %while3A_56, %mul3A_65 : i32
      "tpu.region"() ({
        %run_scoped3A_67 = tpu.sem_alloc : memref<!tpu.dma_semaphore, #tpu.memory_space<semaphore_mem>>
        %dma_start3A_68 = tpu.memref_slice %arg8[%mul3A_66] : memref<11648xi32, #tpu.memory_space<vmem>> -> memref<128xi32, #tpu.memory_space<vmem>>
        %dma_start3A_69 = arith.constant 0 : i32
        %dma_start3A_70 = arith.constant 0 : i32
        %dma_start3A_71 = tpu.memref_slice %arg11[%dma_start3A_69, %dma_start3A_70] : memref<10240x64xf32, #tpu.memory_space<vmem_shared>> -> memref<10240x64xf32, #tpu.memory_space<vmem_shared>>
        tpu.enqueue_indirect_dma source(%arg9 : memref<128x64xf32, #tpu.memory_space<vmem>>) target(%dma_start3A_71 : memref<10240x64xf32, #tpu.memory_space<vmem_shared>>) offsets(%dma_start3A_68 : memref<128xi32, #tpu.memory_space<vmem>>) semaphore(%run_scoped3A_67 : memref<!tpu.dma_semaphore, #tpu.memory_space<semaphore_mem>>) {add = true}
        %dma_wait3A_72 = tpu.memref_slice %arg8[%mul3A_66] : memref<11648xi32, #tpu.memory_space<vmem>> -> memref<128xi32, #tpu.memory_space<vmem>>
        %dma_wait3A_73 = arith.constant 0 : i32
        %dma_wait3A_74 = arith.constant 0 : i32
        %dma_wait3A_75 = tpu.memref_slice %arg11[%dma_wait3A_73, %dma_wait3A_74] : memref<10240x64xf32, #tpu.memory_space<vmem_shared>> -> memref<10240x64xf32, #tpu.memory_space<vmem_shared>>
        tpu.wait_indirect_dma semaphore(%run_scoped3A_67 : memref<!tpu.dma_semaphore, #tpu.memory_space<semaphore_mem>>) src(%arg9 : memref<128x64xf32, #tpu.memory_space<vmem>>) dst(%dma_wait3A_75 : memref<10240x64xf32, #tpu.memory_space<vmem_shared>>)
        tpu.yield
      }) : () -> ()
    }
    %barrier3A_32 = arith.constant 0 : index
    tpu.barrier barrier_id(%barrier3A_32)
    %run_scoped3A = arith.constant 0 : i32
    "tpu.region"() ({
      %run_scoped3A_56 = tpu.sem_alloc : memref<!tpu.dma_semaphore, #tpu.memory_space<semaphore_mem>>
      %dma_start3A = arith.constant 0 : i32
      %dma_start3A_57 = tpu.memref_slice %arg6[%run_scoped3A, %arg0, %mul3A_0, %dma_start3A] : memref<2x2x10240x64xf32, #tpu.memory_space<hbm>> -> memref<1x1x640x64xf32, #tpu.memory_space<hbm>>
      %dma_start3A_58 = tpu.memref_squeeze %dma_start3A_57 : memref<1x1x640x64xf32, #tpu.memory_space<hbm>> -> memref<640x64xf32, #tpu.memory_space<hbm>>
      %dma_start3A_59 = arith.constant 0 : i32
      %dma_start3A_60 = tpu.memref_slice %arg11[%mul3A_0, %dma_start3A_59] : memref<10240x64xf32, #tpu.memory_space<vmem_shared>> -> memref<640x64xf32, #tpu.memory_space<vmem_shared>>
      tpu.enqueue_dma source(%dma_start3A_60 : memref<640x64xf32, #tpu.memory_space<vmem_shared>>) target(%dma_start3A_58 : memref<640x64xf32, #tpu.memory_space<hbm>>) target_semaphore(%run_scoped3A_56 : memref<!tpu.dma_semaphore, #tpu.memory_space<semaphore_mem>>)
      %dma_wait3A = arith.constant 0 : i32
      %dma_wait3A_61 = tpu.memref_slice %arg6[%run_scoped3A, %arg0, %mul3A_0, %dma_wait3A] : memref<2x2x10240x64xf32, #tpu.memory_space<hbm>> -> memref<1x1x640x64xf32, #tpu.memory_space<hbm>>
      %dma_wait3A_62 = tpu.memref_squeeze %dma_wait3A_61 : memref<1x1x640x64xf32, #tpu.memory_space<hbm>> -> memref<640x64xf32, #tpu.memory_space<hbm>>
      %dma_wait3A_63 = arith.constant 0 : i32
      %dma_wait3A_64 = tpu.memref_slice %arg11[%mul3A_0, %dma_wait3A_63] : memref<10240x64xf32, #tpu.memory_space<vmem_shared>> -> memref<640x64xf32, #tpu.memory_space<vmem_shared>>
      tpu.wait_dma2 semaphore(%run_scoped3A_56 : memref<!tpu.dma_semaphore, #tpu.memory_space<semaphore_mem>>) src(%dma_wait3A_64 : memref<640x64xf32, #tpu.memory_space<vmem_shared>>) dst(%dma_wait3A_62 : memref<640x64xf32, #tpu.memory_space<hbm>>)
      tpu.yield
    }) : () -> ()
    %add3A_33 = arith.constant 0 : i32
    %add3A_34 = arith.addi %mul3A_0, %add3A_33 : i32
    "tpu.region"() ({
      %run_scoped3A_56 = tpu.sem_alloc : memref<!tpu.dma_semaphore, #tpu.memory_space<semaphore_mem>>
      %dma_start3A = arith.constant 0 : i32
      %dma_start3A_57 = tpu.memref_slice %arg11[%add3A_34, %dma_start3A] : memref<10240x64xf32, #tpu.memory_space<vmem_shared>> -> memref<128x64xf32, #tpu.memory_space<vmem_shared>>
      %dma_start3A_58 = arith.constant 0 : i32
      %dma_start3A_59 = tpu.memref_slice %arg11[%add3A_34, %dma_start3A_58] : memref<10240x64xf32, #tpu.memory_space<vmem_shared>> -> memref<128x64xf32, #tpu.memory_space<vmem_shared>>
      tpu.enqueue_dma source(%arg10 : memref<128x64xf32, #tpu.memory_space<vmem>>) target(%dma_start3A_59 : memref<128x64xf32, #tpu.memory_space<vmem_shared>>) target_semaphore(%run_scoped3A_56 : memref<!tpu.dma_semaphore, #tpu.memory_space<semaphore_mem>>)
      %dma_wait3A = arith.constant 0 : i32
      %dma_wait3A_60 = tpu.memref_slice %arg11[%add3A_34, %dma_wait3A] : memref<10240x64xf32, #tpu.memory_space<vmem_shared>> -> memref<128x64xf32, #tpu.memory_space<vmem_shared>>
      %dma_wait3A_61 = arith.constant 0 : i32
      %dma_wait3A_62 = tpu.memref_slice %arg11[%add3A_34, %dma_wait3A_61] : memref<10240x64xf32, #tpu.memory_space<vmem_shared>> -> memref<128x64xf32, #tpu.memory_space<vmem_shared>>
      tpu.wait_dma2 semaphore(%run_scoped3A_56 : memref<!tpu.dma_semaphore, #tpu.memory_space<semaphore_mem>>) src(%arg10 : memref<128x64xf32, #tpu.memory_space<vmem>>) dst(%dma_wait3A_62 : memref<128x64xf32, #tpu.memory_space<vmem_shared>>)
      tpu.yield
    }) : () -> ()
    %add3A_35 = arith.constant 128 : i32
    %add3A_36 = arith.addi %mul3A_0, %add3A_35 : i32
    "tpu.region"() ({
      %run_scoped3A_56 = tpu.sem_alloc : memref<!tpu.dma_semaphore, #tpu.memory_space<semaphore_mem>>
      %dma_start3A = arith.constant 0 : i32
      %dma_start3A_57 = tpu.memref_slice %arg11[%add3A_36, %dma_start3A] : memref<10240x64xf32, #tpu.memory_space<vmem_shared>> -> memref<128x64xf32, #tpu.memory_space<vmem_shared>>
      %dma_start3A_58 = arith.constant 0 : i32
      %dma_start3A_59 = tpu.memref_slice %arg11[%add3A_36, %dma_start3A_58] : memref<10240x64xf32, #tpu.memory_space<vmem_shared>> -> memref<128x64xf32, #tpu.memory_space<vmem_shared>>
      tpu.enqueue_dma source(%arg10 : memref<128x64xf32, #tpu.memory_space<vmem>>) target(%dma_start3A_59 : memref<128x64xf32, #tpu.memory_space<vmem_shared>>) target_semaphore(%run_scoped3A_56 : memref<!tpu.dma_semaphore, #tpu.memory_space<semaphore_mem>>)
      %dma_wait3A = arith.constant 0 : i32
      %dma_wait3A_60 = tpu.memref_slice %arg11[%add3A_36, %dma_wait3A] : memref<10240x64xf32, #tpu.memory_space<vmem_shared>> -> memref<128x64xf32, #tpu.memory_space<vmem_shared>>
      %dma_wait3A_61 = arith.constant 0 : i32
      %dma_wait3A_62 = tpu.memref_slice %arg11[%add3A_36, %dma_wait3A_61] : memref<10240x64xf32, #tpu.memory_space<vmem_shared>> -> memref<128x64xf32, #tpu.memory_space<vmem_shared>>
      tpu.wait_dma2 semaphore(%run_scoped3A_56 : memref<!tpu.dma_semaphore, #tpu.memory_space<semaphore_mem>>) src(%arg10 : memref<128x64xf32, #tpu.memory_space<vmem>>) dst(%dma_wait3A_62 : memref<128x64xf32, #tpu.memory_space<vmem_shared>>)
      tpu.yield
    }) : () -> ()
    %add3A_37 = arith.constant 256 : i32
    %add3A_38 = arith.addi %mul3A_0, %add3A_37 : i32
    "tpu.region"() ({
      %run_scoped3A_56 = tpu.sem_alloc : memref<!tpu.dma_semaphore, #tpu.memory_space<semaphore_mem>>
      %dma_start3A = arith.constant 0 : i32
      %dma_start3A_57 = tpu.memref_slice %arg11[%add3A_38, %dma_start3A] : memref<10240x64xf32, #tpu.memory_space<vmem_shared>> -> memref<128x64xf32, #tpu.memory_space<vmem_shared>>
      %dma_start3A_58 = arith.constant 0 : i32
      %dma_start3A_59 = tpu.memref_slice %arg11[%add3A_38, %dma_start3A_58] : memref<10240x64xf32, #tpu.memory_space<vmem_shared>> -> memref<128x64xf32, #tpu.memory_space<vmem_shared>>
      tpu.enqueue_dma source(%arg10 : memref<128x64xf32, #tpu.memory_space<vmem>>) target(%dma_start3A_59 : memref<128x64xf32, #tpu.memory_space<vmem_shared>>) target_semaphore(%run_scoped3A_56 : memref<!tpu.dma_semaphore, #tpu.memory_space<semaphore_mem>>)
      %dma_wait3A = arith.constant 0 : i32
      %dma_wait3A_60 = tpu.memref_slice %arg11[%add3A_38, %dma_wait3A] : memref<10240x64xf32, #tpu.memory_space<vmem_shared>> -> memref<128x64xf32, #tpu.memory_space<vmem_shared>>
      %dma_wait3A_61 = arith.constant 0 : i32
      %dma_wait3A_62 = tpu.memref_slice %arg11[%add3A_38, %dma_wait3A_61] : memref<10240x64xf32, #tpu.memory_space<vmem_shared>> -> memref<128x64xf32, #tpu.memory_space<vmem_shared>>
      tpu.wait_dma2 semaphore(%run_scoped3A_56 : memref<!tpu.dma_semaphore, #tpu.memory_space<semaphore_mem>>) src(%arg10 : memref<128x64xf32, #tpu.memory_space<vmem>>) dst(%dma_wait3A_62 : memref<128x64xf32, #tpu.memory_space<vmem_shared>>)
      tpu.yield
    }) : () -> ()
    %add3A_39 = arith.constant 384 : i32
    %add3A_40 = arith.addi %mul3A_0, %add3A_39 : i32
    "tpu.region"() ({
      %run_scoped3A_56 = tpu.sem_alloc : memref<!tpu.dma_semaphore, #tpu.memory_space<semaphore_mem>>
      %dma_start3A = arith.constant 0 : i32
      %dma_start3A_57 = tpu.memref_slice %arg11[%add3A_40, %dma_start3A] : memref<10240x64xf32, #tpu.memory_space<vmem_shared>> -> memref<128x64xf32, #tpu.memory_space<vmem_shared>>
      %dma_start3A_58 = arith.constant 0 : i32
      %dma_start3A_59 = tpu.memref_slice %arg11[%add3A_40, %dma_start3A_58] : memref<10240x64xf32, #tpu.memory_space<vmem_shared>> -> memref<128x64xf32, #tpu.memory_space<vmem_shared>>
      tpu.enqueue_dma source(%arg10 : memref<128x64xf32, #tpu.memory_space<vmem>>) target(%dma_start3A_59 : memref<128x64xf32, #tpu.memory_space<vmem_shared>>) target_semaphore(%run_scoped3A_56 : memref<!tpu.dma_semaphore, #tpu.memory_space<semaphore_mem>>)
      %dma_wait3A = arith.constant 0 : i32
      %dma_wait3A_60 = tpu.memref_slice %arg11[%add3A_40, %dma_wait3A] : memref<10240x64xf32, #tpu.memory_space<vmem_shared>> -> memref<128x64xf32, #tpu.memory_space<vmem_shared>>
      %dma_wait3A_61 = arith.constant 0 : i32
      %dma_wait3A_62 = tpu.memref_slice %arg11[%add3A_40, %dma_wait3A_61] : memref<10240x64xf32, #tpu.memory_space<vmem_shared>> -> memref<128x64xf32, #tpu.memory_space<vmem_shared>>
      tpu.wait_dma2 semaphore(%run_scoped3A_56 : memref<!tpu.dma_semaphore, #tpu.memory_space<semaphore_mem>>) src(%arg10 : memref<128x64xf32, #tpu.memory_space<vmem>>) dst(%dma_wait3A_62 : memref<128x64xf32, #tpu.memory_space<vmem_shared>>)
      tpu.yield
    }) : () -> ()
    %add3A_41 = arith.constant 512 : i32
    %add3A_42 = arith.addi %mul3A_0, %add3A_41 : i32
    "tpu.region"() ({
      %run_scoped3A_56 = tpu.sem_alloc : memref<!tpu.dma_semaphore, #tpu.memory_space<semaphore_mem>>
      %dma_start3A = arith.constant 0 : i32
      %dma_start3A_57 = tpu.memref_slice %arg11[%add3A_42, %dma_start3A] : memref<10240x64xf32, #tpu.memory_space<vmem_shared>> -> memref<128x64xf32, #tpu.memory_space<vmem_shared>>
      %dma_start3A_58 = arith.constant 0 : i32
      %dma_start3A_59 = tpu.memref_slice %arg11[%add3A_42, %dma_start3A_58] : memref<10240x64xf32, #tpu.memory_space<vmem_shared>> -> memref<128x64xf32, #tpu.memory_space<vmem_shared>>
      tpu.enqueue_dma source(%arg10 : memref<128x64xf32, #tpu.memory_space<vmem>>) target(%dma_start3A_59 : memref<128x64xf32, #tpu.memory_space<vmem_shared>>) target_semaphore(%run_scoped3A_56 : memref<!tpu.dma_semaphore, #tpu.memory_space<semaphore_mem>>)
      %dma_wait3A = arith.constant 0 : i32
      %dma_wait3A_60 = tpu.memref_slice %arg11[%add3A_42, %dma_wait3A] : memref<10240x64xf32, #tpu.memory_space<vmem_shared>> -> memref<128x64xf32, #tpu.memory_space<vmem_shared>>
      %dma_wait3A_61 = arith.constant 0 : i32
      %dma_wait3A_62 = tpu.memref_slice %arg11[%add3A_42, %dma_wait3A_61] : memref<10240x64xf32, #tpu.memory_space<vmem_shared>> -> memref<128x64xf32, #tpu.memory_space<vmem_shared>>
      tpu.wait_dma2 semaphore(%run_scoped3A_56 : memref<!tpu.dma_semaphore, #tpu.memory_space<semaphore_mem>>) src(%arg10 : memref<128x64xf32, #tpu.memory_space<vmem>>) dst(%dma_wait3A_62 : memref<128x64xf32, #tpu.memory_space<vmem_shared>>)
      tpu.yield
    }) : () -> ()
    %barrier3A_43 = arith.constant 0 : index
    tpu.barrier barrier_id(%barrier3A_43)
    %while3A_44 = arith.constant 0 : i32
    %while3A_45 = arith.constant 0 : i32
    %while3A_46 = arith.subi %select_n3A, %while3A_45 : i32
    %while3A_47 = arith.addi %while3A_45, %while3A_46 : i32
    %while3A_48 = arith.constant 1 : i32
    %while3A_49 = arith.divsi %while3A_46, %while3A_48 : i32
    %while3A_50 = arith.muli %while3A_49, %while3A_48 : i32
    %while3A_51 = arith.addi %while3A_45, %while3A_50 : i32
    %while3A_52 = arith.constant 1 : i32
    scf.for %while3A_56 = %while3A_45 to %while3A_51 step %while3A_52  : i32 {
      %mul3A_57 = arith.constant 128 : i32
      %mul3A_58 = arith.muli %while3A_56, %mul3A_57 : i32
      %dma_start3A = tpu.memref_slice %arg7[%mul3A_58] : memref<11648xi32, #tpu.memory_space<vmem>> -> memref<128xi32, #tpu.memory_space<vmem>>
      %dma_start3A_59 = arith.constant 0 : i32
      %dma_start3A_60 = arith.constant 0 : i32
      %dma_start3A_61 = tpu.memref_slice %arg3[%dma_start3A_59, %dma_start3A_60] : memref<10000x64xf32, #tpu.memory_space<hbm>> -> memref<10000x64xf32, #tpu.memory_space<hbm>>
      tpu.enqueue_indirect_dma source(%dma_start3A_61 : memref<10000x64xf32, #tpu.memory_space<hbm>>) target(%arg9 : memref<128x64xf32, #tpu.memory_space<vmem>>) offsets(%dma_start3A : memref<128xi32, #tpu.memory_space<vmem>>) semaphore(%arg12 : memref<!tpu.dma_semaphore, #tpu.memory_space<semaphore_mem>>)
      %dma_wait3A = tpu.memref_slice %arg7[%mul3A_58] : memref<11648xi32, #tpu.memory_space<vmem>> -> memref<128xi32, #tpu.memory_space<vmem>>
      %dma_wait3A_62 = arith.constant 0 : i32
      %dma_wait3A_63 = arith.constant 0 : i32
      %dma_wait3A_64 = tpu.memref_slice %arg3[%dma_wait3A_62, %dma_wait3A_63] : memref<10000x64xf32, #tpu.memory_space<hbm>> -> memref<10000x64xf32, #tpu.memory_space<hbm>>
      tpu.wait_indirect_dma semaphore(%arg12 : memref<!tpu.dma_semaphore, #tpu.memory_space<semaphore_mem>>) src(%dma_wait3A_64 : memref<10000x64xf32, #tpu.memory_space<hbm>>) dst(%arg9 : memref<128x64xf32, #tpu.memory_space<vmem>>)
      %mul3A_65 = arith.constant 128 : i32
      %mul3A_66 = arith.muli %while3A_56, %mul3A_65 : i32
      "tpu.region"() ({
        %run_scoped3A_67 = tpu.sem_alloc : memref<!tpu.dma_semaphore, #tpu.memory_space<semaphore_mem>>
        %dma_start3A_68 = tpu.memref_slice %arg8[%mul3A_66] : memref<11648xi32, #tpu.memory_space<vmem>> -> memref<128xi32, #tpu.memory_space<vmem>>
        %dma_start3A_69 = arith.constant 0 : i32
        %dma_start3A_70 = arith.constant 0 : i32
        %dma_start3A_71 = tpu.memref_slice %arg11[%dma_start3A_69, %dma_start3A_70] : memref<10240x64xf32, #tpu.memory_space<vmem_shared>> -> memref<10240x64xf32, #tpu.memory_space<vmem_shared>>
        tpu.enqueue_indirect_dma source(%arg9 : memref<128x64xf32, #tpu.memory_space<vmem>>) target(%dma_start3A_71 : memref<10240x64xf32, #tpu.memory_space<vmem_shared>>) offsets(%dma_start3A_68 : memref<128xi32, #tpu.memory_space<vmem>>) semaphore(%run_scoped3A_67 : memref<!tpu.dma_semaphore, #tpu.memory_space<semaphore_mem>>) {add = true}
        %dma_wait3A_72 = tpu.memref_slice %arg8[%mul3A_66] : memref<11648xi32, #tpu.memory_space<vmem>> -> memref<128xi32, #tpu.memory_space<vmem>>
        %dma_wait3A_73 = arith.constant 0 : i32
        %dma_wait3A_74 = arith.constant 0 : i32
        %dma_wait3A_75 = tpu.memref_slice %arg11[%dma_wait3A_73, %dma_wait3A_74] : memref<10240x64xf32, #tpu.memory_space<vmem_shared>> -> memref<10240x64xf32, #tpu.memory_space<vmem_shared>>
        tpu.wait_indirect_dma semaphore(%run_scoped3A_67 : memref<!tpu.dma_semaphore, #tpu.memory_space<semaphore_mem>>) src(%arg9 : memref<128x64xf32, #tpu.memory_space<vmem>>) dst(%dma_wait3A_75 : memref<10240x64xf32, #tpu.memory_space<vmem_shared>>)
        tpu.yield
      }) : () -> ()
    }
    %while3A_53 = arith.constant 1 : i32
    scf.for %while3A_56 = %while3A_51 to %while3A_47 step %while3A_53  : i32 {
      %mul3A_57 = arith.constant 128 : i32
      %mul3A_58 = arith.muli %while3A_56, %mul3A_57 : i32
      %dma_start3A = tpu.memref_slice %arg7[%mul3A_58] : memref<11648xi32, #tpu.memory_space<vmem>> -> memref<128xi32, #tpu.memory_space<vmem>>
      %dma_start3A_59 = arith.constant 0 : i32
      %dma_start3A_60 = arith.constant 0 : i32
      %dma_start3A_61 = tpu.memref_slice %arg3[%dma_start3A_59, %dma_start3A_60] : memref<10000x64xf32, #tpu.memory_space<hbm>> -> memref<10000x64xf32, #tpu.memory_space<hbm>>
      tpu.enqueue_indirect_dma source(%dma_start3A_61 : memref<10000x64xf32, #tpu.memory_space<hbm>>) target(%arg9 : memref<128x64xf32, #tpu.memory_space<vmem>>) offsets(%dma_start3A : memref<128xi32, #tpu.memory_space<vmem>>) semaphore(%arg12 : memref<!tpu.dma_semaphore, #tpu.memory_space<semaphore_mem>>)
      %dma_wait3A = tpu.memref_slice %arg7[%mul3A_58] : memref<11648xi32, #tpu.memory_space<vmem>> -> memref<128xi32, #tpu.memory_space<vmem>>
      %dma_wait3A_62 = arith.constant 0 : i32
      %dma_wait3A_63 = arith.constant 0 : i32
      %dma_wait3A_64 = tpu.memref_slice %arg3[%dma_wait3A_62, %dma_wait3A_63] : memref<10000x64xf32, #tpu.memory_space<hbm>> -> memref<10000x64xf32, #tpu.memory_space<hbm>>
      tpu.wait_indirect_dma semaphore(%arg12 : memref<!tpu.dma_semaphore, #tpu.memory_space<semaphore_mem>>) src(%dma_wait3A_64 : memref<10000x64xf32, #tpu.memory_space<hbm>>) dst(%arg9 : memref<128x64xf32, #tpu.memory_space<vmem>>)
      %mul3A_65 = arith.constant 128 : i32
      %mul3A_66 = arith.muli %while3A_56, %mul3A_65 : i32
      "tpu.region"() ({
        %run_scoped3A_67 = tpu.sem_alloc : memref<!tpu.dma_semaphore, #tpu.memory_space<semaphore_mem>>
        %dma_start3A_68 = tpu.memref_slice %arg8[%mul3A_66] : memref<11648xi32, #tpu.memory_space<vmem>> -> memref<128xi32, #tpu.memory_space<vmem>>
        %dma_start3A_69 = arith.constant 0 : i32
        %dma_start3A_70 = arith.constant 0 : i32
        %dma_start3A_71 = tpu.memref_slice %arg11[%dma_start3A_69, %dma_start3A_70] : memref<10240x64xf32, #tpu.memory_space<vmem_shared>> -> memref<10240x64xf32, #tpu.memory_space<vmem_shared>>
        tpu.enqueue_indirect_dma source(%arg9 : memref<128x64xf32, #tpu.memory_space<vmem>>) target(%dma_start3A_71 : memref<10240x64xf32, #tpu.memory_space<vmem_shared>>) offsets(%dma_start3A_68 : memref<128xi32, #tpu.memory_space<vmem>>) semaphore(%run_scoped3A_67 : memref<!tpu.dma_semaphore, #tpu.memory_space<semaphore_mem>>) {add = true}
        %dma_wait3A_72 = tpu.memref_slice %arg8[%mul3A_66] : memref<11648xi32, #tpu.memory_space<vmem>> -> memref<128xi32, #tpu.memory_space<vmem>>
        %dma_wait3A_73 = arith.constant 0 : i32
        %dma_wait3A_74 = arith.constant 0 : i32
        %dma_wait3A_75 = tpu.memref_slice %arg11[%dma_wait3A_73, %dma_wait3A_74] : memref<10240x64xf32, #tpu.memory_space<vmem_shared>> -> memref<10240x64xf32, #tpu.memory_space<vmem_shared>>
        tpu.wait_indirect_dma semaphore(%run_scoped3A_67 : memref<!tpu.dma_semaphore, #tpu.memory_space<semaphore_mem>>) src(%arg9 : memref<128x64xf32, #tpu.memory_space<vmem>>) dst(%dma_wait3A_75 : memref<10240x64xf32, #tpu.memory_space<vmem_shared>>)
        tpu.yield
      }) : () -> ()
    }
    %barrier3A_54 = arith.constant 0 : index
    tpu.barrier barrier_id(%barrier3A_54)
    %run_scoped3A_55 = arith.constant 1 : i32
    "tpu.region"() ({
      %run_scoped3A_56 = tpu.sem_alloc : memref<!tpu.dma_semaphore, #tpu.memory_space<semaphore_mem>>
      %dma_start3A = arith.constant 0 : i32
      %dma_start3A_57 = tpu.memref_slice %arg6[%run_scoped3A_55, %arg0, %mul3A_0, %dma_start3A] : memref<2x2x10240x64xf32, #tpu.memory_space<hbm>> -> memref<1x1x640x64xf32, #tpu.memory_space<hbm>>
      %dma_start3A_58 = tpu.memref_squeeze %dma_start3A_57 : memref<1x1x640x64xf32, #tpu.memory_space<hbm>> -> memref<640x64xf32, #tpu.memory_space<hbm>>
      %dma_start3A_59 = arith.constant 0 : i32
      %dma_start3A_60 = tpu.memref_slice %arg11[%mul3A_0, %dma_start3A_59] : memref<10240x64xf32, #tpu.memory_space<vmem_shared>> -> memref<640x64xf32, #tpu.memory_space<vmem_shared>>
      tpu.enqueue_dma source(%dma_start3A_60 : memref<640x64xf32, #tpu.memory_space<vmem_shared>>) target(%dma_start3A_58 : memref<640x64xf32, #tpu.memory_space<hbm>>) target_semaphore(%run_scoped3A_56 : memref<!tpu.dma_semaphore, #tpu.memory_space<semaphore_mem>>)
      %dma_wait3A = arith.constant 0 : i32
      %dma_wait3A_61 = tpu.memref_slice %arg6[%run_scoped3A_55, %arg0, %mul3A_0, %dma_wait3A] : memref<2x2x10240x64xf32, #tpu.memory_space<hbm>> -> memref<1x1x640x64xf32, #tpu.memory_space<hbm>>
      %dma_wait3A_62 = tpu.memref_squeeze %dma_wait3A_61 : memref<1x1x640x64xf32, #tpu.memory_space<hbm>> -> memref<640x64xf32, #tpu.memory_space<hbm>>
      %dma_wait3A_63 = arith.constant 0 : i32
      %dma_wait3A_64 = tpu.memref_slice %arg11[%mul3A_0, %dma_wait3A_63] : memref<10240x64xf32, #tpu.memory_space<vmem_shared>> -> memref<640x64xf32, #tpu.memory_space<vmem_shared>>
      tpu.wait_dma2 semaphore(%run_scoped3A_56 : memref<!tpu.dma_semaphore, #tpu.memory_space<semaphore_mem>>) src(%dma_wait3A_64 : memref<640x64xf32, #tpu.memory_space<vmem_shared>>) dst(%dma_wait3A_62 : memref<640x64xf32, #tpu.memory_space<hbm>>)
      tpu.yield
    }) : () -> ()
    return
  }
}

#map = affine_map<(d0, d1) -> (0, 0)>
#map1 = affine_map<(d0, d1) -> (0)>
#map2 = affine_map<(d0, d1) -> (0, 0, 0, 0)>
module attributes {stable_mosaic.version = 14 : i64} {
  func.func @body(%arg0: i32, %arg1: i32, %arg2: memref<10000x64xf32, #tpu.memory_space<hbm>>, %arg3: memref<10000x64xf32, #tpu.memory_space<hbm>>, %arg4: memref<333184xi32, #tpu.memory_space<hbm>>, %arg5: memref<333184xi32, #tpu.memory_space<hbm>>, %arg6: memref<2x2x10240x64xf32, #tpu.memory_space<hbm>>, %arg7: memref<11648xi32, #tpu.memory_space<vmem>>, %arg8: memref<11648xi32, #tpu.memory_space<vmem>>, %arg9: memref<128x64xf32, #tpu.memory_space<vmem>>, %arg10: memref<128x64xf32, #tpu.memory_space<vmem>>, %arg11: memref<10240x64xf32, #tpu.memory_space<vmem_shared>>, %arg12: memref<!tpu.dma_semaphore, #tpu.memory_space<semaphore_mem>>) attributes {dimension_semantics = [#tpu.dimension_semantics<core_parallel>, #tpu.dimension_semantics<subcore_parallel>], iteration_bounds = array<i64: 2, 16>, scalar_prefetch = 0 : i64, scratch_operands = 6 : i64, tpu.core_type = #tpu.core_type<sc_vector_subcore>, window_params = [{transform_indices = #map}, {transform_indices = #map}, {transform_indices = #map1}, {transform_indices = #map1}, {transform_indices = #map2}]} {
    %mul3A = arith.constant 640 : i32
    %mul3A_0 = arith.muli %arg1, %mul3A : i32
    %eq3A = arith.constant 0 : i32
    %eq3A_1 = arith.cmpi eq, %arg0, %eq3A : i32
    %jit3A = arith.constant 91 : i32
    %jit3A_2 = arith.constant 66 : i32
    %select_n3A = arith.select %eq3A_1, %jit3A, %jit3A_2 : i32
    %mul3A_3 = arith.constant 186368 : i32
    %mul3A_4 = arith.muli %arg0, %mul3A_3 : i32
    %mul3A_5 = arith.muli %arg1, %select_n3A : i32
    %mul3A_6 = arith.constant 128 : i32
    %mul3A_7 = arith.muli %mul3A_5, %mul3A_6 : i32
    %add3A = arith.addi %mul3A_4, %mul3A_7 : i32
    %scan3A = arith.constant 0 : i32
    %scan3A_8 = arith.constant 0 : i32
    %scan3A_9 = arith.constant 512 : i32
    %scan3A_10 = arith.addi %scan3A_8, %scan3A_9 : i32
    %scan3A_11 = arith.constant 1 : i32
    scf.for %scan3A_56 = %scan3A_8 to %scan3A_10 step %scan3A_11  : i32 {
      %broadcast_in_dim3A = arith.constant 0.000000e+00 : f32
      %broadcast_in_dim3A_57 = vector.broadcast %broadcast_in_dim3A : f32 to vector<16xf32>
      %jit3A_58 = arith.constant 4 : i32
      %div3A = arith.divsi %scan3A_56, %jit3A_58 : i32
      %sign3A = arith.constant 0 : i32
      %sign3A_59 = arith.cmpi sgt, %scan3A_56, %sign3A : i32
      %sign3A_60 = arith.extui %sign3A_59 : i1 to i32
      %sign3A_61 = arith.constant 0 : i32
      %sign3A_62 = arith.cmpi slt, %scan3A_56, %sign3A_61 : i32
      %sign3A_63 = arith.extui %sign3A_62 : i1 to i32
      %sign3A_64 = arith.subi %sign3A_60, %sign3A_63 : i32
      %sign3A_65 = arith.constant 0 : i32
      %sign3A_66 = arith.cmpi sgt, %jit3A_58, %sign3A_65 : i32
      %sign3A_67 = arith.extui %sign3A_66 : i1 to i32
      %sign3A_68 = arith.constant 0 : i32
      %sign3A_69 = arith.cmpi slt, %jit3A_58, %sign3A_68 : i32
      %sign3A_70 = arith.extui %sign3A_69 : i1 to i32
      %sign3A_71 = arith.subi %sign3A_67, %sign3A_70 : i32
      %ne3A = arith.cmpi ne, %sign3A_64, %sign3A_71 : i32
      %rem3A = arith.remsi %scan3A_56, %jit3A_58 : i32
      %ne3A_72 = arith.constant 0 : i32
      %ne3A_73 = arith.cmpi ne, %rem3A, %ne3A_72 : i32
      %and3A = arith.andi %ne3A, %ne3A_73 : i1
      %sub3A = arith.constant 1 : i32
      %sub3A_74 = arith.subi %div3A, %sub3A : i32
      %select_n3A_75 = arith.select %and3A, %sub3A_74, %div3A : i32
      %jit3A_76 = arith.constant 4 : i32
      %eq3A_77 = arith.constant 0 : i32
      %eq3A_78 = arith.cmpi eq, %jit3A_76, %eq3A_77 : i32
      %jit3A_79 = arith.constant 1 : i32
      %select_n3A_80 = arith.select %eq3A_78, %jit3A_79, %jit3A_76 : i32
      %rem3A_81 = arith.remsi %scan3A_56, %select_n3A_80 : i32
      %ne3A_82 = arith.constant 0 : i32
      %ne3A_83 = arith.cmpi ne, %rem3A_81, %ne3A_82 : i32
      %lt3A = arith.constant 0 : i32
      %lt3A_84 = arith.cmpi slt, %rem3A_81, %lt3A : i32
      %lt3A_85 = arith.constant 0 : i32
      %lt3A_86 = arith.cmpi slt, %select_n3A_80, %lt3A_85 : i32
      %ne3A_87 = arith.xori %lt3A_84, %lt3A_86 : i1
      %and3A_88 = arith.andi %ne3A_87, %ne3A_83 : i1
      %add3A_89 = arith.addi %rem3A_81, %select_n3A_80 : i32
      %select_n3A_90 = arith.select %and3A_88, %add3A_89, %rem3A_81 : i32
      %mul3A_91 = arith.constant 16 : i32
      %mul3A_92 = arith.muli %select_n3A_90, %mul3A_91 : i32
      %swap3A = arith.index_cast %select_n3A_75 : i32 to index
      %swap3A_93 = arith.index_cast %mul3A_92 : i32 to index
      %swap3A_94 = tpu.vector_load %arg10[%swap3A, %swap3A_93] {strides = array<i32>} : memref<128x64xf32, #tpu.memory_space<vmem>>, vector<1x16xf32>,
      %swap3A_95 = vector.shape_cast %swap3A_94 : vector<1x16xf32> to vector<16xf32>
      %swap3A_96 = vector.shape_cast %broadcast_in_dim3A_57 : vector<16xf32> to vector<1x16xf32>
      tpu.vector_store %arg10[%swap3A, %swap3A_93], %swap3A_96 {strides = array<i32>} : memref<128x64xf32, #tpu.memory_space<vmem>>, vector<1x16xf32>,
    }
    %scan3A_12 = arith.constant 512 : i32
    "tpu.region"() ({
      %run_scoped3A_56 = tpu.sem_alloc : memref<!tpu.dma_semaphore, #tpu.memory_space<semaphore_mem>>
      %dma_start3A = tpu.memref_slice %arg4[%add3A] : memref<333184xi32, #tpu.memory_space<hbm>> -> memref<11648xi32, #tpu.memory_space<hbm>>
      %dma_start3A_57 = tpu.memref_slice %arg4[%add3A] : memref<333184xi32, #tpu.memory_space<hbm>> -> memref<11648xi32, #tpu.memory_space<hbm>>
      tpu.enqueue_dma source(%dma_start3A_57 : memref<11648xi32, #tpu.memory_space<hbm>>) target(%arg7 : memref<11648xi32, #tpu.memory_space<vmem>>) target_semaphore(%run_scoped3A_56 : memref<!tpu.dma_semaphore, #tpu.memory_space<semaphore_mem>>)
      %dma_wait3A = tpu.memref_slice %arg4[%add3A] : memref<333184xi32, #tpu.memory_space<hbm>> -> memref<11648xi32, #tpu.memory_space<hbm>>
      %dma_wait3A_58 = tpu.memref_slice %arg4[%add3A] : memref<333184xi32, #tpu.memory_space<hbm>> -> memref<11648xi32, #tpu.memory_space<hbm>>
      tpu.wait_dma2 semaphore(%run_scoped3A_56 : memref<!tpu.dma_semaphore, #tpu.memory_space<semaphore_mem>>) src(%dma_wait3A_58 : memref<11648xi32, #tpu.memory_space<hbm>>) dst(%arg7 : memref<11648xi32, #tpu.memory_space<vmem>>)
      tpu.yield
    }) : () -> ()
    "tpu.region"() ({
      %run_scoped3A_56 = tpu.sem_alloc : memref<!tpu.dma_semaphore, #tpu.memory_space<semaphore_mem>>
      %dma_start3A = tpu.memref_slice %arg5[%add3A] : memref<333184xi32, #tpu.memory_space<hbm>> -> memref<11648xi32, #tpu.memory_space<hbm>>
      %dma_start3A_57 = tpu.memref_slice %arg5[%add3A] : memref<333184xi32, #tpu.memory_space<hbm>> -> memref<11648xi32, #tpu.memory_space<hbm>>
      tpu.enqueue_dma source(%dma_start3A_57 : memref<11648xi32, #tpu.memory_space<hbm>>) target(%arg8 : memref<11648xi32, #tpu.memory_space<vmem>>) target_semaphore(%run_scoped3A_56 : memref<!tpu.dma_semaphore, #tpu.memory_space<semaphore_mem>>)
      %dma_wait3A = tpu.memref_slice %arg5[%add3A] : memref<333184xi32, #tpu.memory_space<hbm>> -> memref<11648xi32, #tpu.memory_space<hbm>>
      %dma_wait3A_58 = tpu.memref_slice %arg5[%add3A] : memref<333184xi32, #tpu.memory_space<hbm>> -> memref<11648xi32, #tpu.memory_space<hbm>>
      tpu.wait_dma2 semaphore(%run_scoped3A_56 : memref<!tpu.dma_semaphore, #tpu.memory_space<semaphore_mem>>) src(%dma_wait3A_58 : memref<11648xi32, #tpu.memory_space<hbm>>) dst(%arg8 : memref<11648xi32, #tpu.memory_space<vmem>>)
      tpu.yield
    }) : () -> ()
    %add3A_13 = arith.constant 0 : i32
    %add3A_14 = arith.addi %mul3A_0, %add3A_13 : i32
    "tpu.region"() ({
      %run_scoped3A_56 = tpu.sem_alloc : memref<!tpu.dma_semaphore, #tpu.memory_space<semaphore_mem>>
      %dma_start3A = arith.constant 0 : i32
      %dma_start3A_57 = tpu.memref_slice %arg11[%add3A_14, %dma_start3A] : memref<10240x64xf32, #tpu.memory_space<vmem_shared>> -> memref<128x64xf32, #tpu.memory_space<vmem_shared>>
      %dma_start3A_58 = arith.constant 0 : i32
      %dma_start3A_59 = tpu.memref_slice %arg11[%add3A_14, %dma_start3A_58] : memref<10240x64xf32, #tpu.memory_space<vmem_shared>> -> memref<128x64xf32, #tpu.memory_space<vmem_shared>>
      tpu.enqueue_dma source(%arg10 : memref<128x64xf32, #tpu.memory_space<vmem>>) target(%dma_start3A_59 : memref<128x64xf32, #tpu.memory_space<vmem_shared>>) target_semaphore(%run_scoped3A_56 : memref<!tpu.dma_semaphore, #tpu.memory_space<semaphore_mem>>)
      %dma_wait3A = arith.constant 0 : i32
      %dma_wait3A_60 = tpu.memref_slice %arg11[%add3A_14, %dma_wait3A] : memref<10240x64xf32, #tpu.memory_space<vmem_shared>> -> memref<128x64xf32, #tpu.memory_space<vmem_shared>>
      %dma_wait3A_61 = arith.constant 0 : i32
      %dma_wait3A_62 = tpu.memref_slice %arg11[%add3A_14, %dma_wait3A_61] : memref<10240x64xf32, #tpu.memory_space<vmem_shared>> -> memref<128x64xf32, #tpu.memory_space<vmem_shared>>
      tpu.wait_dma2 semaphore(%run_scoped3A_56 : memref<!tpu.dma_semaphore, #tpu.memory_space<semaphore_mem>>) src(%arg10 : memref<128x64xf32, #tpu.memory_space<vmem>>) dst(%dma_wait3A_62 : memref<128x64xf32, #tpu.memory_space<vmem_shared>>)
      tpu.yield
    }) : () -> ()
    %add3A_15 = arith.constant 128 : i32
    %add3A_16 = arith.addi %mul3A_0, %add3A_15 : i32
    "tpu.region"() ({
      %run_scoped3A_56 = tpu.sem_alloc : memref<!tpu.dma_semaphore, #tpu.memory_space<semaphore_mem>>
      %dma_start3A = arith.constant 0 : i32
      %dma_start3A_57 = tpu.memref_slice %arg11[%add3A_16, %dma_start3A] : memref<10240x64xf32, #tpu.memory_space<vmem_shared>> -> memref<128x64xf32, #tpu.memory_space<vmem_shared>>
      %dma_start3A_58 = arith.constant 0 : i32
      %dma_start3A_59 = tpu.memref_slice %arg11[%add3A_16, %dma_start3A_58] : memref<10240x64xf32, #tpu.memory_space<vmem_shared>> -> memref<128x64xf32, #tpu.memory_space<vmem_shared>>
      tpu.enqueue_dma source(%arg10 : memref<128x64xf32, #tpu.memory_space<vmem>>) target(%dma_start3A_59 : memref<128x64xf32, #tpu.memory_space<vmem_shared>>) target_semaphore(%run_scoped3A_56 : memref<!tpu.dma_semaphore, #tpu.memory_space<semaphore_mem>>)
      %dma_wait3A = arith.constant 0 : i32
      %dma_wait3A_60 = tpu.memref_slice %arg11[%add3A_16, %dma_wait3A] : memref<10240x64xf32, #tpu.memory_space<vmem_shared>> -> memref<128x64xf32, #tpu.memory_space<vmem_shared>>
      %dma_wait3A_61 = arith.constant 0 : i32
      %dma_wait3A_62 = tpu.memref_slice %arg11[%add3A_16, %dma_wait3A_61] : memref<10240x64xf32, #tpu.memory_space<vmem_shared>> -> memref<128x64xf32, #tpu.memory_space<vmem_shared>>
      tpu.wait_dma2 semaphore(%run_scoped3A_56 : memref<!tpu.dma_semaphore, #tpu.memory_space<semaphore_mem>>) src(%arg10 : memref<128x64xf32, #tpu.memory_space<vmem>>) dst(%dma_wait3A_62 : memref<128x64xf32, #tpu.memory_space<vmem_shared>>)
      tpu.yield
    }) : () -> ()
    %add3A_17 = arith.constant 256 : i32
    %add3A_18 = arith.addi %mul3A_0, %add3A_17 : i32
    "tpu.region"() ({
      %run_scoped3A_56 = tpu.sem_alloc : memref<!tpu.dma_semaphore, #tpu.memory_space<semaphore_mem>>
      %dma_start3A = arith.constant 0 : i32
      %dma_start3A_57 = tpu.memref_slice %arg11[%add3A_18, %dma_start3A] : memref<10240x64xf32, #tpu.memory_space<vmem_shared>> -> memref<128x64xf32, #tpu.memory_space<vmem_shared>>
      %dma_start3A_58 = arith.constant 0 : i32
      %dma_start3A_59 = tpu.memref_slice %arg11[%add3A_18, %dma_start3A_58] : memref<10240x64xf32, #tpu.memory_space<vmem_shared>> -> memref<128x64xf32, #tpu.memory_space<vmem_shared>>
      tpu.enqueue_dma source(%arg10 : memref<128x64xf32, #tpu.memory_space<vmem>>) target(%dma_start3A_59 : memref<128x64xf32, #tpu.memory_space<vmem_shared>>) target_semaphore(%run_scoped3A_56 : memref<!tpu.dma_semaphore, #tpu.memory_space<semaphore_mem>>)
      %dma_wait3A = arith.constant 0 : i32
      %dma_wait3A_60 = tpu.memref_slice %arg11[%add3A_18, %dma_wait3A] : memref<10240x64xf32, #tpu.memory_space<vmem_shared>> -> memref<128x64xf32, #tpu.memory_space<vmem_shared>>
      %dma_wait3A_61 = arith.constant 0 : i32
      %dma_wait3A_62 = tpu.memref_slice %arg11[%add3A_18, %dma_wait3A_61] : memref<10240x64xf32, #tpu.memory_space<vmem_shared>> -> memref<128x64xf32, #tpu.memory_space<vmem_shared>>
      tpu.wait_dma2 semaphore(%run_scoped3A_56 : memref<!tpu.dma_semaphore, #tpu.memory_space<semaphore_mem>>) src(%arg10 : memref<128x64xf32, #tpu.memory_space<vmem>>) dst(%dma_wait3A_62 : memref<128x64xf32, #tpu.memory_space<vmem_shared>>)
      tpu.yield
    }) : () -> ()
    %add3A_19 = arith.constant 384 : i32
    %add3A_20 = arith.addi %mul3A_0, %add3A_19 : i32
    "tpu.region"() ({
      %run_scoped3A_56 = tpu.sem_alloc : memref<!tpu.dma_semaphore, #tpu.memory_space<semaphore_mem>>
      %dma_start3A = arith.constant 0 : i32
      %dma_start3A_57 = tpu.memref_slice %arg11[%add3A_20, %dma_start3A] : memref<10240x64xf32, #tpu.memory_space<vmem_shared>> -> memref<128x64xf32, #tpu.memory_space<vmem_shared>>
      %dma_start3A_58 = arith.constant 0 : i32
      %dma_start3A_59 = tpu.memref_slice %arg11[%add3A_20, %dma_start3A_58] : memref<10240x64xf32, #tpu.memory_space<vmem_shared>> -> memref<128x64xf32, #tpu.memory_space<vmem_shared>>
      tpu.enqueue_dma source(%arg10 : memref<128x64xf32, #tpu.memory_space<vmem>>) target(%dma_start3A_59 : memref<128x64xf32, #tpu.memory_space<vmem_shared>>) target_semaphore(%run_scoped3A_56 : memref<!tpu.dma_semaphore, #tpu.memory_space<semaphore_mem>>)
      %dma_wait3A = arith.constant 0 : i32
      %dma_wait3A_60 = tpu.memref_slice %arg11[%add3A_20, %dma_wait3A] : memref<10240x64xf32, #tpu.memory_space<vmem_shared>> -> memref<128x64xf32, #tpu.memory_space<vmem_shared>>
      %dma_wait3A_61 = arith.constant 0 : i32
      %dma_wait3A_62 = tpu.memref_slice %arg11[%add3A_20, %dma_wait3A_61] : memref<10240x64xf32, #tpu.memory_space<vmem_shared>> -> memref<128x64xf32, #tpu.memory_space<vmem_shared>>
      tpu.wait_dma2 semaphore(%run_scoped3A_56 : memref<!tpu.dma_semaphore, #tpu.memory_space<semaphore_mem>>) src(%arg10 : memref<128x64xf32, #tpu.memory_space<vmem>>) dst(%dma_wait3A_62 : memref<128x64xf32, #tpu.memory_space<vmem_shared>>)
      tpu.yield
    }) : () -> ()
    %add3A_21 = arith.constant 512 : i32
    %add3A_22 = arith.addi %mul3A_0, %add3A_21 : i32
    "tpu.region"() ({
      %run_scoped3A_56 = tpu.sem_alloc : memref<!tpu.dma_semaphore, #tpu.memory_space<semaphore_mem>>
      %dma_start3A = arith.constant 0 : i32
      %dma_start3A_57 = tpu.memref_slice %arg11[%add3A_22, %dma_start3A] : memref<10240x64xf32, #tpu.memory_space<vmem_shared>> -> memref<128x64xf32, #tpu.memory_space<vmem_shared>>
      %dma_start3A_58 = arith.constant 0 : i32
      %dma_start3A_59 = tpu.memref_slice %arg11[%add3A_22, %dma_start3A_58] : memref<10240x64xf32, #tpu.memory_space<vmem_shared>> -> memref<128x64xf32, #tpu.memory_space<vmem_shared>>
      tpu.enqueue_dma source(%arg10 : memref<128x64xf32, #tpu.memory_space<vmem>>) target(%dma_start3A_59 : memref<128x64xf32, #tpu.memory_space<vmem_shared>>) target_semaphore(%run_scoped3A_56 : memref<!tpu.dma_semaphore, #tpu.memory_space<semaphore_mem>>)
      %dma_wait3A = arith.constant 0 : i32
      %dma_wait3A_60 = tpu.memref_slice %arg11[%add3A_22, %dma_wait3A] : memref<10240x64xf32, #tpu.memory_space<vmem_shared>> -> memref<128x64xf32, #tpu.memory_space<vmem_shared>>
      %dma_wait3A_61 = arith.constant 0 : i32
      %dma_wait3A_62 = tpu.memref_slice %arg11[%add3A_22, %dma_wait3A_61] : memref<10240x64xf32, #tpu.memory_space<vmem_shared>> -> memref<128x64xf32, #tpu.memory_space<vmem_shared>>
      tpu.wait_dma2 semaphore(%run_scoped3A_56 : memref<!tpu.dma_semaphore, #tpu.memory_space<semaphore_mem>>) src(%arg10 : memref<128x64xf32, #tpu.memory_space<vmem>>) dst(%dma_wait3A_62 : memref<128x64xf32, #tpu.memory_space<vmem_shared>>)
      tpu.yield
    }) : () -> ()
    %barrier3A = arith.constant 0 : index
    tpu.barrier barrier_id(%barrier3A)
    %while3A = arith.constant 0 : i32
    %while3A_23 = arith.constant 0 : i32
    %while3A_24 = arith.subi %select_n3A, %while3A_23 : i32
    %while3A_25 = arith.addi %while3A_23, %while3A_24 : i32
    %while3A_26 = arith.constant 1 : i32
    %while3A_27 = arith.divsi %while3A_24, %while3A_26 : i32
    %while3A_28 = arith.muli %while3A_27, %while3A_26 : i32
    %while3A_29 = arith.addi %while3A_23, %while3A_28 : i32
    %while3A_30 = arith.constant 1 : i32
    scf.for %while3A_56 = %while3A_23 to %while3A_29 step %while3A_30  : i32 {
      %mul3A_57 = arith.constant 128 : i32
      %mul3A_58 = arith.muli %while3A_56, %mul3A_57 : i32
      %dma_start3A = tpu.memref_slice %arg7[%mul3A_58] : memref<11648xi32, #tpu.memory_space<vmem>> -> memref<128xi32, #tpu.memory_space<vmem>>
      %dma_start3A_59 = arith.constant 0 : i32
      %dma_start3A_60 = arith.constant 0 : i32
      %dma_start3A_61 = tpu.memref_slice %arg2[%dma_start3A_59, %dma_start3A_60] : memref<10000x64xf32, #tpu.memory_space<hbm>> -> memref<10000x64xf32, #tpu.memory_space<hbm>>
      tpu.enqueue_indirect_dma source(%dma_start3A_61 : memref<10000x64xf32, #tpu.memory_space<hbm>>) target(%arg9 : memref<128x64xf32, #tpu.memory_space<vmem>>) offsets(%dma_start3A : memref<128xi32, #tpu.memory_space<vmem>>) semaphore(%arg12 : memref<!tpu.dma_semaphore, #tpu.memory_space<semaphore_mem>>)
      %dma_wait3A = tpu.memref_slice %arg7[%mul3A_58] : memref<11648xi32, #tpu.memory_space<vmem>> -> memref<128xi32, #tpu.memory_space<vmem>>
      %dma_wait3A_62 = arith.constant 0 : i32
      %dma_wait3A_63 = arith.constant 0 : i32
      %dma_wait3A_64 = tpu.memref_slice %arg2[%dma_wait3A_62, %dma_wait3A_63] : memref<10000x64xf32, #tpu.memory_space<hbm>> -> memref<10000x64xf32, #tpu.memory_space<hbm>>
      tpu.wait_indirect_dma semaphore(%arg12 : memref<!tpu.dma_semaphore, #tpu.memory_space<semaphore_mem>>) src(%dma_wait3A_64 : memref<10000x64xf32, #tpu.memory_space<hbm>>) dst(%arg9 : memref<128x64xf32, #tpu.memory_space<vmem>>)
      %mul3A_65 = arith.constant 128 : i32
      %mul3A_66 = arith.muli %while3A_56, %mul3A_65 : i32
      "tpu.region"() ({
        %run_scoped3A_67 = tpu.sem_alloc : memref<!tpu.dma_semaphore, #tpu.memory_space<semaphore_mem>>
        %dma_start3A_68 = tpu.memref_slice %arg8[%mul3A_66] : memref<11648xi32, #tpu.memory_space<vmem>> -> memref<128xi32, #tpu.memory_space<vmem>>
        %dma_start3A_69 = arith.constant 0 : i32
        %dma_start3A_70 = arith.constant 0 : i32
        %dma_start3A_71 = tpu.memref_slice %arg11[%dma_start3A_69, %dma_start3A_70] : memref<10240x64xf32, #tpu.memory_space<vmem_shared>> -> memref<10240x64xf32, #tpu.memory_space<vmem_shared>>
        tpu.enqueue_indirect_dma source(%arg9 : memref<128x64xf32, #tpu.memory_space<vmem>>) target(%dma_start3A_71 : memref<10240x64xf32, #tpu.memory_space<vmem_shared>>) offsets(%dma_start3A_68 : memref<128xi32, #tpu.memory_space<vmem>>) semaphore(%run_scoped3A_67 : memref<!tpu.dma_semaphore, #tpu.memory_space<semaphore_mem>>) {add = true}
        %dma_wait3A_72 = tpu.memref_slice %arg8[%mul3A_66] : memref<11648xi32, #tpu.memory_space<vmem>> -> memref<128xi32, #tpu.memory_space<vmem>>
        %dma_wait3A_73 = arith.constant 0 : i32
        %dma_wait3A_74 = arith.constant 0 : i32
        %dma_wait3A_75 = tpu.memref_slice %arg11[%dma_wait3A_73, %dma_wait3A_74] : memref<10240x64xf32, #tpu.memory_space<vmem_shared>> -> memref<10240x64xf32, #tpu.memory_space<vmem_shared>>
        tpu.wait_indirect_dma semaphore(%run_scoped3A_67 : memref<!tpu.dma_semaphore, #tpu.memory_space<semaphore_mem>>) src(%arg9 : memref<128x64xf32, #tpu.memory_space<vmem>>) dst(%dma_wait3A_75 : memref<10240x64xf32, #tpu.memory_space<vmem_shared>>)
        tpu.yield
      }) : () -> ()
    }
    %while3A_31 = arith.constant 1 : i32
    scf.for %while3A_56 = %while3A_29 to %while3A_25 step %while3A_31  : i32 {
      %mul3A_57 = arith.constant 128 : i32
      %mul3A_58 = arith.muli %while3A_56, %mul3A_57 : i32
      %dma_start3A = tpu.memref_slice %arg7[%mul3A_58] : memref<11648xi32, #tpu.memory_space<vmem>> -> memref<128xi32, #tpu.memory_space<vmem>>
      %dma_start3A_59 = arith.constant 0 : i32
      %dma_start3A_60 = arith.constant 0 : i32
      %dma_start3A_61 = tpu.memref_slice %arg2[%dma_start3A_59, %dma_start3A_60] : memref<10000x64xf32, #tpu.memory_space<hbm>> -> memref<10000x64xf32, #tpu.memory_space<hbm>>
      tpu.enqueue_indirect_dma source(%dma_start3A_61 : memref<10000x64xf32, #tpu.memory_space<hbm>>) target(%arg9 : memref<128x64xf32, #tpu.memory_space<vmem>>) offsets(%dma_start3A : memref<128xi32, #tpu.memory_space<vmem>>) semaphore(%arg12 : memref<!tpu.dma_semaphore, #tpu.memory_space<semaphore_mem>>)
      %dma_wait3A = tpu.memref_slice %arg7[%mul3A_58] : memref<11648xi32, #tpu.memory_space<vmem>> -> memref<128xi32, #tpu.memory_space<vmem>>
      %dma_wait3A_62 = arith.constant 0 : i32
      %dma_wait3A_63 = arith.constant 0 : i32
      %dma_wait3A_64 = tpu.memref_slice %arg2[%dma_wait3A_62, %dma_wait3A_63] : memref<10000x64xf32, #tpu.memory_space<hbm>> -> memref<10000x64xf32, #tpu.memory_space<hbm>>
      tpu.wait_indirect_dma semaphore(%arg12 : memref<!tpu.dma_semaphore, #tpu.memory_space<semaphore_mem>>) src(%dma_wait3A_64 : memref<10000x64xf32, #tpu.memory_space<hbm>>) dst(%arg9 : memref<128x64xf32, #tpu.memory_space<vmem>>)
      %mul3A_65 = arith.constant 128 : i32
      %mul3A_66 = arith.muli %while3A_56, %mul3A_65 : i32
      "tpu.region"() ({
        %run_scoped3A_67 = tpu.sem_alloc : memref<!tpu.dma_semaphore, #tpu.memory_space<semaphore_mem>>
        %dma_start3A_68 = tpu.memref_slice %arg8[%mul3A_66] : memref<11648xi32, #tpu.memory_space<vmem>> -> memref<128xi32, #tpu.memory_space<vmem>>
        %dma_start3A_69 = arith.constant 0 : i32
        %dma_start3A_70 = arith.constant 0 : i32
        %dma_start3A_71 = tpu.memref_slice %arg11[%dma_start3A_69, %dma_start3A_70] : memref<10240x64xf32, #tpu.memory_space<vmem_shared>> -> memref<10240x64xf32, #tpu.memory_space<vmem_shared>>
        tpu.enqueue_indirect_dma source(%arg9 : memref<128x64xf32, #tpu.memory_space<vmem>>) target(%dma_start3A_71 : memref<10240x64xf32, #tpu.memory_space<vmem_shared>>) offsets(%dma_start3A_68 : memref<128xi32, #tpu.memory_space<vmem>>) semaphore(%run_scoped3A_67 : memref<!tpu.dma_semaphore, #tpu.memory_space<semaphore_mem>>) {add = true}
        %dma_wait3A_72 = tpu.memref_slice %arg8[%mul3A_66] : memref<11648xi32, #tpu.memory_space<vmem>> -> memref<128xi32, #tpu.memory_space<vmem>>
        %dma_wait3A_73 = arith.constant 0 : i32
        %dma_wait3A_74 = arith.constant 0 : i32
        %dma_wait3A_75 = tpu.memref_slice %arg11[%dma_wait3A_73, %dma_wait3A_74] : memref<10240x64xf32, #tpu.memory_space<vmem_shared>> -> memref<10240x64xf32, #tpu.memory_space<vmem_shared>>
        tpu.wait_indirect_dma semaphore(%run_scoped3A_67 : memref<!tpu.dma_semaphore, #tpu.memory_space<semaphore_mem>>) src(%arg9 : memref<128x64xf32, #tpu.memory_space<vmem>>) dst(%dma_wait3A_75 : memref<10240x64xf32, #tpu.memory_space<vmem_shared>>)
        tpu.yield
      }) : () -> ()
    }
    %barrier3A_32 = arith.constant 0 : index
    tpu.barrier barrier_id(%barrier3A_32)
    %run_scoped3A = arith.constant 0 : i32
    "tpu.region"() ({
      %run_scoped3A_56 = tpu.sem_alloc : memref<!tpu.dma_semaphore, #tpu.memory_space<semaphore_mem>>
      %dma_start3A = arith.constant 0 : i32
      %dma_start3A_57 = tpu.memref_slice %arg6[%run_scoped3A, %arg0, %mul3A_0, %dma_start3A] : memref<2x2x10240x64xf32, #tpu.memory_space<hbm>> -> memref<1x1x640x64xf32, #tpu.memory_space<hbm>>
      %dma_start3A_58 = tpu.memref_squeeze %dma_start3A_57 : memref<1x1x640x64xf32, #tpu.memory_space<hbm>> -> memref<640x64xf32, #tpu.memory_space<hbm>>
      %dma_start3A_59 = arith.constant 0 : i32
      %dma_start3A_60 = tpu.memref_slice %arg11[%mul3A_0, %dma_start3A_59] : memref<10240x64xf32, #tpu.memory_space<vmem_shared>> -> memref<640x64xf32, #tpu.memory_space<vmem_shared>>
      tpu.enqueue_dma source(%dma_start3A_60 : memref<640x64xf32, #tpu.memory_space<vmem_shared>>) target(%dma_start3A_58 : memref<640x64xf32, #tpu.memory_space<hbm>>) target_semaphore(%run_scoped3A_56 : memref<!tpu.dma_semaphore, #tpu.memory_space<semaphore_mem>>)
      %dma_wait3A = arith.constant 0 : i32
      %dma_wait3A_61 = tpu.memref_slice %arg6[%run_scoped3A, %arg0, %mul3A_0, %dma_wait3A] : memref<2x2x10240x64xf32, #tpu.memory_space<hbm>> -> memref<1x1x640x64xf32, #tpu.memory_space<hbm>>
      %dma_wait3A_62 = tpu.memref_squeeze %dma_wait3A_61 : memref<1x1x640x64xf32, #tpu.memory_space<hbm>> -> memref<640x64xf32, #tpu.memory_space<hbm>>
      %dma_wait3A_63 = arith.constant 0 : i32
      %dma_wait3A_64 = tpu.memref_slice %arg11[%mul3A_0, %dma_wait3A_63] : memref<10240x64xf32, #tpu.memory_space<vmem_shared>> -> memref<640x64xf32, #tpu.memory_space<vmem_shared>>
      tpu.wait_dma2 semaphore(%run_scoped3A_56 : memref<!tpu.dma_semaphore, #tpu.memory_space<semaphore_mem>>) src(%dma_wait3A_64 : memref<640x64xf32, #tpu.memory_space<vmem_shared>>) dst(%dma_wait3A_62 : memref<640x64xf32, #tpu.memory_space<hbm>>)
      tpu.yield
    }) : () -> ()
    %add3A_33 = arith.constant 0 : i32
    %add3A_34 = arith.addi %mul3A_0, %add3A_33 : i32
    "tpu.region"() ({
      %run_scoped3A_56 = tpu.sem_alloc : memref<!tpu.dma_semaphore, #tpu.memory_space<semaphore_mem>>
      %dma_start3A = arith.constant 0 : i32
      %dma_start3A_57 = tpu.memref_slice %arg11[%add3A_34, %dma_start3A] : memref<10240x64xf32, #tpu.memory_space<vmem_shared>> -> memref<128x64xf32, #tpu.memory_space<vmem_shared>>
      %dma_start3A_58 = arith.constant 0 : i32
      %dma_start3A_59 = tpu.memref_slice %arg11[%add3A_34, %dma_start3A_58] : memref<10240x64xf32, #tpu.memory_space<vmem_shared>> -> memref<128x64xf32, #tpu.memory_space<vmem_shared>>
      tpu.enqueue_dma source(%arg10 : memref<128x64xf32, #tpu.memory_space<vmem>>) target(%dma_start3A_59 : memref<128x64xf32, #tpu.memory_space<vmem_shared>>) target_semaphore(%run_scoped3A_56 : memref<!tpu.dma_semaphore, #tpu.memory_space<semaphore_mem>>)
      %dma_wait3A = arith.constant 0 : i32
      %dma_wait3A_60 = tpu.memref_slice %arg11[%add3A_34, %dma_wait3A] : memref<10240x64xf32, #tpu.memory_space<vmem_shared>> -> memref<128x64xf32, #tpu.memory_space<vmem_shared>>
      %dma_wait3A_61 = arith.constant 0 : i32
      %dma_wait3A_62 = tpu.memref_slice %arg11[%add3A_34, %dma_wait3A_61] : memref<10240x64xf32, #tpu.memory_space<vmem_shared>> -> memref<128x64xf32, #tpu.memory_space<vmem_shared>>
      tpu.wait_dma2 semaphore(%run_scoped3A_56 : memref<!tpu.dma_semaphore, #tpu.memory_space<semaphore_mem>>) src(%arg10 : memref<128x64xf32, #tpu.memory_space<vmem>>) dst(%dma_wait3A_62 : memref<128x64xf32, #tpu.memory_space<vmem_shared>>)
      tpu.yield
    }) : () -> ()
    %add3A_35 = arith.constant 128 : i32
    %add3A_36 = arith.addi %mul3A_0, %add3A_35 : i32
    "tpu.region"() ({
      %run_scoped3A_56 = tpu.sem_alloc : memref<!tpu.dma_semaphore, #tpu.memory_space<semaphore_mem>>
      %dma_start3A = arith.constant 0 : i32
      %dma_start3A_57 = tpu.memref_slice %arg11[%add3A_36, %dma_start3A] : memref<10240x64xf32, #tpu.memory_space<vmem_shared>> -> memref<128x64xf32, #tpu.memory_space<vmem_shared>>
      %dma_start3A_58 = arith.constant 0 : i32
      %dma_start3A_59 = tpu.memref_slice %arg11[%add3A_36, %dma_start3A_58] : memref<10240x64xf32, #tpu.memory_space<vmem_shared>> -> memref<128x64xf32, #tpu.memory_space<vmem_shared>>
      tpu.enqueue_dma source(%arg10 : memref<128x64xf32, #tpu.memory_space<vmem>>) target(%dma_start3A_59 : memref<128x64xf32, #tpu.memory_space<vmem_shared>>) target_semaphore(%run_scoped3A_56 : memref<!tpu.dma_semaphore, #tpu.memory_space<semaphore_mem>>)
      %dma_wait3A = arith.constant 0 : i32
      %dma_wait3A_60 = tpu.memref_slice %arg11[%add3A_36, %dma_wait3A] : memref<10240x64xf32, #tpu.memory_space<vmem_shared>> -> memref<128x64xf32, #tpu.memory_space<vmem_shared>>
      %dma_wait3A_61 = arith.constant 0 : i32
      %dma_wait3A_62 = tpu.memref_slice %arg11[%add3A_36, %dma_wait3A_61] : memref<10240x64xf32, #tpu.memory_space<vmem_shared>> -> memref<128x64xf32, #tpu.memory_space<vmem_shared>>
      tpu.wait_dma2 semaphore(%run_scoped3A_56 : memref<!tpu.dma_semaphore, #tpu.memory_space<semaphore_mem>>) src(%arg10 : memref<128x64xf32, #tpu.memory_space<vmem>>) dst(%dma_wait3A_62 : memref<128x64xf32, #tpu.memory_space<vmem_shared>>)
      tpu.yield
    }) : () -> ()
    %add3A_37 = arith.constant 256 : i32
    %add3A_38 = arith.addi %mul3A_0, %add3A_37 : i32
    "tpu.region"() ({
      %run_scoped3A_56 = tpu.sem_alloc : memref<!tpu.dma_semaphore, #tpu.memory_space<semaphore_mem>>
      %dma_start3A = arith.constant 0 : i32
      %dma_start3A_57 = tpu.memref_slice %arg11[%add3A_38, %dma_start3A] : memref<10240x64xf32, #tpu.memory_space<vmem_shared>> -> memref<128x64xf32, #tpu.memory_space<vmem_shared>>
      %dma_start3A_58 = arith.constant 0 : i32
      %dma_start3A_59 = tpu.memref_slice %arg11[%add3A_38, %dma_start3A_58] : memref<10240x64xf32, #tpu.memory_space<vmem_shared>> -> memref<128x64xf32, #tpu.memory_space<vmem_shared>>
      tpu.enqueue_dma source(%arg10 : memref<128x64xf32, #tpu.memory_space<vmem>>) target(%dma_start3A_59 : memref<128x64xf32, #tpu.memory_space<vmem_shared>>) target_semaphore(%run_scoped3A_56 : memref<!tpu.dma_semaphore, #tpu.memory_space<semaphore_mem>>)
      %dma_wait3A = arith.constant 0 : i32
      %dma_wait3A_60 = tpu.memref_slice %arg11[%add3A_38, %dma_wait3A] : memref<10240x64xf32, #tpu.memory_space<vmem_shared>> -> memref<128x64xf32, #tpu.memory_space<vmem_shared>>
      %dma_wait3A_61 = arith.constant 0 : i32
      %dma_wait3A_62 = tpu.memref_slice %arg11[%add3A_38, %dma_wait3A_61] : memref<10240x64xf32, #tpu.memory_space<vmem_shared>> -> memref<128x64xf32, #tpu.memory_space<vmem_shared>>
      tpu.wait_dma2 semaphore(%run_scoped3A_56 : memref<!tpu.dma_semaphore, #tpu.memory_space<semaphore_mem>>) src(%arg10 : memref<128x64xf32, #tpu.memory_space<vmem>>) dst(%dma_wait3A_62 : memref<128x64xf32, #tpu.memory_space<vmem_shared>>)
      tpu.yield
    }) : () -> ()
    %add3A_39 = arith.constant 384 : i32
    %add3A_40 = arith.addi %mul3A_0, %add3A_39 : i32
    "tpu.region"() ({
      %run_scoped3A_56 = tpu.sem_alloc : memref<!tpu.dma_semaphore, #tpu.memory_space<semaphore_mem>>
      %dma_start3A = arith.constant 0 : i32
      %dma_start3A_57 = tpu.memref_slice %arg11[%add3A_40, %dma_start3A] : memref<10240x64xf32, #tpu.memory_space<vmem_shared>> -> memref<128x64xf32, #tpu.memory_space<vmem_shared>>
      %dma_start3A_58 = arith.constant 0 : i32
      %dma_start3A_59 = tpu.memref_slice %arg11[%add3A_40, %dma_start3A_58] : memref<10240x64xf32, #tpu.memory_space<vmem_shared>> -> memref<128x64xf32, #tpu.memory_space<vmem_shared>>
      tpu.enqueue_dma source(%arg10 : memref<128x64xf32, #tpu.memory_space<vmem>>) target(%dma_start3A_59 : memref<128x64xf32, #tpu.memory_space<vmem_shared>>) target_semaphore(%run_scoped3A_56 : memref<!tpu.dma_semaphore, #tpu.memory_space<semaphore_mem>>)
      %dma_wait3A = arith.constant 0 : i32
      %dma_wait3A_60 = tpu.memref_slice %arg11[%add3A_40, %dma_wait3A] : memref<10240x64xf32, #tpu.memory_space<vmem_shared>> -> memref<128x64xf32, #tpu.memory_space<vmem_shared>>
      %dma_wait3A_61 = arith.constant 0 : i32
      %dma_wait3A_62 = tpu.memref_slice %arg11[%add3A_40, %dma_wait3A_61] : memref<10240x64xf32, #tpu.memory_space<vmem_shared>> -> memref<128x64xf32, #tpu.memory_space<vmem_shared>>
      tpu.wait_dma2 semaphore(%run_scoped3A_56 : memref<!tpu.dma_semaphore, #tpu.memory_space<semaphore_mem>>) src(%arg10 : memref<128x64xf32, #tpu.memory_space<vmem>>) dst(%dma_wait3A_62 : memref<128x64xf32, #tpu.memory_space<vmem_shared>>)
      tpu.yield
    }) : () -> ()
    %add3A_41 = arith.constant 512 : i32
    %add3A_42 = arith.addi %mul3A_0, %add3A_41 : i32
    "tpu.region"() ({
      %run_scoped3A_56 = tpu.sem_alloc : memref<!tpu.dma_semaphore, #tpu.memory_space<semaphore_mem>>
      %dma_start3A = arith.constant 0 : i32
      %dma_start3A_57 = tpu.memref_slice %arg11[%add3A_42, %dma_start3A] : memref<10240x64xf32, #tpu.memory_space<vmem_shared>> -> memref<128x64xf32, #tpu.memory_space<vmem_shared>>
      %dma_start3A_58 = arith.constant 0 : i32
      %dma_start3A_59 = tpu.memref_slice %arg11[%add3A_42, %dma_start3A_58] : memref<10240x64xf32, #tpu.memory_space<vmem_shared>> -> memref<128x64xf32, #tpu.memory_space<vmem_shared>>
      tpu.enqueue_dma source(%arg10 : memref<128x64xf32, #tpu.memory_space<vmem>>) target(%dma_start3A_59 : memref<128x64xf32, #tpu.memory_space<vmem_shared>>) target_semaphore(%run_scoped3A_56 : memref<!tpu.dma_semaphore, #tpu.memory_space<semaphore_mem>>)
      %dma_wait3A = arith.constant 0 : i32
      %dma_wait3A_60 = tpu.memref_slice %arg11[%add3A_42, %dma_wait3A] : memref<10240x64xf32, #tpu.memory_space<vmem_shared>> -> memref<128x64xf32, #tpu.memory_space<vmem_shared>>
      %dma_wait3A_61 = arith.constant 0 : i32
      %dma_wait3A_62 = tpu.memref_slice %arg11[%add3A_42, %dma_wait3A_61] : memref<10240x64xf32, #tpu.memory_space<vmem_shared>> -> memref<128x64xf32, #tpu.memory_space<vmem_shared>>
      tpu.wait_dma2 semaphore(%run_scoped3A_56 : memref<!tpu.dma_semaphore, #tpu.memory_space<semaphore_mem>>) src(%arg10 : memref<128x64xf32, #tpu.memory_space<vmem>>) dst(%dma_wait3A_62 : memref<128x64xf32, #tpu.memory_space<vmem_shared>>)
      tpu.yield
    }) : () -> ()
    %barrier3A_43 = arith.constant 0 : index
    tpu.barrier barrier_id(%barrier3A_43)
    %while3A_44 = arith.constant 0 : i32
    %while3A_45 = arith.constant 0 : i32
    %while3A_46 = arith.subi %select_n3A, %while3A_45 : i32
    %while3A_47 = arith.addi %while3A_45, %while3A_46 : i32
    %while3A_48 = arith.constant 1 : i32
    %while3A_49 = arith.divsi %while3A_46, %while3A_48 : i32
    %while3A_50 = arith.muli %while3A_49, %while3A_48 : i32
    %while3A_51 = arith.addi %while3A_45, %while3A_50 : i32
    %while3A_52 = arith.constant 1 : i32
    scf.for %while3A_56 = %while3A_45 to %while3A_51 step %while3A_52  : i32 {
      %mul3A_57 = arith.constant 128 : i32
      %mul3A_58 = arith.muli %while3A_56, %mul3A_57 : i32
      %dma_start3A = tpu.memref_slice %arg7[%mul3A_58] : memref<11648xi32, #tpu.memory_space<vmem>> -> memref<128xi32, #tpu.memory_space<vmem>>
      %dma_start3A_59 = arith.constant 0 : i32
      %dma_start3A_60 = arith.constant 0 : i32
      %dma_start3A_61 = tpu.memref_slice %arg3[%dma_start3A_59, %dma_start3A_60] : memref<10000x64xf32, #tpu.memory_space<hbm>> -> memref<10000x64xf32, #tpu.memory_space<hbm>>
      tpu.enqueue_indirect_dma source(%dma_start3A_61 : memref<10000x64xf32, #tpu.memory_space<hbm>>) target(%arg9 : memref<128x64xf32, #tpu.memory_space<vmem>>) offsets(%dma_start3A : memref<128xi32, #tpu.memory_space<vmem>>) semaphore(%arg12 : memref<!tpu.dma_semaphore, #tpu.memory_space<semaphore_mem>>)
      %dma_wait3A = tpu.memref_slice %arg7[%mul3A_58] : memref<11648xi32, #tpu.memory_space<vmem>> -> memref<128xi32, #tpu.memory_space<vmem>>
      %dma_wait3A_62 = arith.constant 0 : i32
      %dma_wait3A_63 = arith.constant 0 : i32
      %dma_wait3A_64 = tpu.memref_slice %arg3[%dma_wait3A_62, %dma_wait3A_63] : memref<10000x64xf32, #tpu.memory_space<hbm>> -> memref<10000x64xf32, #tpu.memory_space<hbm>>
      tpu.wait_indirect_dma semaphore(%arg12 : memref<!tpu.dma_semaphore, #tpu.memory_space<semaphore_mem>>) src(%dma_wait3A_64 : memref<10000x64xf32, #tpu.memory_space<hbm>>) dst(%arg9 : memref<128x64xf32, #tpu.memory_space<vmem>>)
      %mul3A_65 = arith.constant 128 : i32
      %mul3A_66 = arith.muli %while3A_56, %mul3A_65 : i32
      "tpu.region"() ({
        %run_scoped3A_67 = tpu.sem_alloc : memref<!tpu.dma_semaphore, #tpu.memory_space<semaphore_mem>>
        %dma_start3A_68 = tpu.memref_slice %arg8[%mul3A_66] : memref<11648xi32, #tpu.memory_space<vmem>> -> memref<128xi32, #tpu.memory_space<vmem>>
        %dma_start3A_69 = arith.constant 0 : i32
        %dma_start3A_70 = arith.constant 0 : i32
        %dma_start3A_71 = tpu.memref_slice %arg11[%dma_start3A_69, %dma_start3A_70] : memref<10240x64xf32, #tpu.memory_space<vmem_shared>> -> memref<10240x64xf32, #tpu.memory_space<vmem_shared>>
        tpu.enqueue_indirect_dma source(%arg9 : memref<128x64xf32, #tpu.memory_space<vmem>>) target(%dma_start3A_71 : memref<10240x64xf32, #tpu.memory_space<vmem_shared>>) offsets(%dma_start3A_68 : memref<128xi32, #tpu.memory_space<vmem>>) semaphore(%run_scoped3A_67 : memref<!tpu.dma_semaphore, #tpu.memory_space<semaphore_mem>>) {add = true}
        %dma_wait3A_72 = tpu.memref_slice %arg8[%mul3A_66] : memref<11648xi32, #tpu.memory_space<vmem>> -> memref<128xi32, #tpu.memory_space<vmem>>
        %dma_wait3A_73 = arith.constant 0 : i32
        %dma_wait3A_74 = arith.constant 0 : i32
        %dma_wait3A_75 = tpu.memref_slice %arg11[%dma_wait3A_73, %dma_wait3A_74] : memref<10240x64xf32, #tpu.memory_space<vmem_shared>> -> memref<10240x64xf32, #tpu.memory_space<vmem_shared>>
        tpu.wait_indirect_dma semaphore(%run_scoped3A_67 : memref<!tpu.dma_semaphore, #tpu.memory_space<semaphore_mem>>) src(%arg9 : memref<128x64xf32, #tpu.memory_space<vmem>>) dst(%dma_wait3A_75 : memref<10240x64xf32, #tpu.memory_space<vmem_shared>>)
        tpu.yield
      }) : () -> ()
    }
    %while3A_53 = arith.constant 1 : i32
    scf.for %while3A_56 = %while3A_51 to %while3A_47 step %while3A_53  : i32 {
      %mul3A_57 = arith.constant 128 : i32
      %mul3A_58 = arith.muli %while3A_56, %mul3A_57 : i32
      %dma_start3A = tpu.memref_slice %arg7[%mul3A_58] : memref<11648xi32, #tpu.memory_space<vmem>> -> memref<128xi32, #tpu.memory_space<vmem>>
      %dma_start3A_59 = arith.constant 0 : i32
      %dma_start3A_60 = arith.constant 0 : i32
      %dma_start3A_61 = tpu.memref_slice %arg3[%dma_start3A_59, %dma_start3A_60] : memref<10000x64xf32, #tpu.memory_space<hbm>> -> memref<10000x64xf32, #tpu.memory_space<hbm>>
      tpu.enqueue_indirect_dma source(%dma_start3A_61 : memref<10000x64xf32, #tpu.memory_space<hbm>>) target(%arg9 : memref<128x64xf32, #tpu.memory_space<vmem>>) offsets(%dma_start3A : memref<128xi32, #tpu.memory_space<vmem>>) semaphore(%arg12 : memref<!tpu.dma_semaphore, #tpu.memory_space<semaphore_mem>>)
      %dma_wait3A = tpu.memref_slice %arg7[%mul3A_58] : memref<11648xi32, #tpu.memory_space<vmem>> -> memref<128xi32, #tpu.memory_space<vmem>>
      %dma_wait3A_62 = arith.constant 0 : i32
      %dma_wait3A_63 = arith.constant 0 : i32
      %dma_wait3A_64 = tpu.memref_slice %arg3[%dma_wait3A_62, %dma_wait3A_63] : memref<10000x64xf32, #tpu.memory_space<hbm>> -> memref<10000x64xf32, #tpu.memory_space<hbm>>
      tpu.wait_indirect_dma semaphore(%arg12 : memref<!tpu.dma_semaphore, #tpu.memory_space<semaphore_mem>>) src(%dma_wait3A_64 : memref<10000x64xf32, #tpu.memory_space<hbm>>) dst(%arg9 : memref<128x64xf32, #tpu.memory_space<vmem>>)
      %mul3A_65 = arith.constant 128 : i32
      %mul3A_66 = arith.muli %while3A_56, %mul3A_65 : i32
      "tpu.region"() ({
        %run_scoped3A_67 = tpu.sem_alloc : memref<!tpu.dma_semaphore, #tpu.memory_space<semaphore_mem>>
        %dma_start3A_68 = tpu.memref_slice %arg8[%mul3A_66] : memref<11648xi32, #tpu.memory_space<vmem>> -> memref<128xi32, #tpu.memory_space<vmem>>
        %dma_start3A_69 = arith.constant 0 : i32
        %dma_start3A_70 = arith.constant 0 : i32
        %dma_start3A_71 = tpu.memref_slice %arg11[%dma_start3A_69, %dma_start3A_70] : memref<10240x64xf32, #tpu.memory_space<vmem_shared>> -> memref<10240x64xf32, #tpu.memory_space<vmem_shared>>
        tpu.enqueue_indirect_dma source(%arg9 : memref<128x64xf32, #tpu.memory_space<vmem>>) target(%dma_start3A_71 : memref<10240x64xf32, #tpu.memory_space<vmem_shared>>) offsets(%dma_start3A_68 : memref<128xi32, #tpu.memory_space<vmem>>) semaphore(%run_scoped3A_67 : memref<!tpu.dma_semaphore, #tpu.memory_space<semaphore_mem>>) {add = true}
        %dma_wait3A_72 = tpu.memref_slice %arg8[%mul3A_66] : memref<11648xi32, #tpu.memory_space<vmem>> -> memref<128xi32, #tpu.memory_space<vmem>>
        %dma_wait3A_73 = arith.constant 0 : i32
        %dma_wait3A_74 = arith.constant 0 : i32
        %dma_wait3A_75 = tpu.memref_slice %arg11[%dma_wait3A_73, %dma_wait3A_74] : memref<10240x64xf32, #tpu.memory_space<vmem_shared>> -> memref<10240x64xf32, #tpu.memory_space<vmem_shared>>
        tpu.wait_indirect_dma semaphore(%run_scoped3A_67 : memref<!tpu.dma_semaphore, #tpu.memory_space<semaphore_mem>>) src(%arg9 : memref<128x64xf32, #tpu.memory_space<vmem>>) dst(%dma_wait3A_75 : memref<10240x64xf32, #tpu.memory_space<vmem_shared>>)
        tpu.yield
      }) : () -> ()
    }
    %barrier3A_54 = arith.constant 0 : index
    tpu.barrier barrier_id(%barrier3A_54)
    %run_scoped3A_55 = arith.constant 1 : i32
    "tpu.region"() ({
      %run_scoped3A_56 = tpu.sem_alloc : memref<!tpu.dma_semaphore, #tpu.memory_space<semaphore_mem>>
      %dma_start3A = arith.constant 0 : i32
      %dma_start3A_57 = tpu.memref_slice %arg6[%run_scoped3A_55, %arg0, %mul3A_0, %dma_start3A] : memref<2x2x10240x64xf32, #tpu.memory_space<hbm>> -> memref<1x1x640x64xf32, #tpu.memory_space<hbm>>
      %dma_start3A_58 = tpu.memref_squeeze %dma_start3A_57 : memref<1x1x640x64xf32, #tpu.memory_space<hbm>> -> memref<640x64xf32, #tpu.memory_space<hbm>>
      %dma_start3A_59 = arith.constant 0 : i32
      %dma_start3A_60 = tpu.memref_slice %arg11[%mul3A_0, %dma_start3A_59] : memref<10240x64xf32, #tpu.memory_space<vmem_shared>> -> memref<640x64xf32, #tpu.memory_space<vmem_shared>>
      tpu.enqueue_dma source(%dma_start3A_60 : memref<640x64xf32, #tpu.memory_space<vmem_shared>>) target(%dma_start3A_58 : memref<640x64xf32, #tpu.memory_space<hbm>>) target_semaphore(%run_scoped3A_56 : memref<!tpu.dma_semaphore, #tpu.memory_space<semaphore_mem>>)
      %dma_wait3A = arith.constant 0 : i32
      %dma_wait3A_61 = tpu.memref_slice %arg6[%run_scoped3A_55, %arg0, %mul3A_0, %dma_wait3A] : memref<2x2x10240x64xf32, #tpu.memory_space<hbm>> -> memref<1x1x640x64xf32, #tpu.memory_space<hbm>>
      %dma_wait3A_62 = tpu.memref_squeeze %dma_wait3A_61 : memref<1x1x640x64xf32, #tpu.memory_space<hbm>> -> memref<640x64xf32, #tpu.memory_space<hbm>>
      %dma_wait3A_63 = arith.constant 0 : i32
      %dma_wait3A_64 = tpu.memref_slice %arg11[%mul3A_0, %dma_wait3A_63] : memref<10240x64xf32, #tpu.memory_space<vmem_shared>> -> memref<640x64xf32, #tpu.memory_space<vmem_shared>>
      tpu.wait_dma2 semaphore(%run_scoped3A_56 : memref<!tpu.dma_semaphore, #tpu.memory_space<semaphore_mem>>) src(%dma_wait3A_64 : memref<640x64xf32, #tpu.memory_space<vmem_shared>>) dst(%dma_wait3A_62 : memref<640x64xf32, #tpu.memory_space<hbm>>)
      tpu.yield
    }) : () -> ()
    return
  }
}

#map = affine_map<(d0, d1) -> (0, 0)>
#map1 = affine_map<(d0, d1) -> (0)>
#map2 = affine_map<(d0, d1) -> (0, 0, 0, 0)>
module attributes {stable_mosaic.version = 14 : i64} {
  func.func @body(%arg0: i32, %arg1: i32, %arg2: memref<10000x64xf32, #tpu.memory_space<hbm>>, %arg3: memref<10000x64xf32, #tpu.memory_space<hbm>>, %arg4: memref<333184xi32, #tpu.memory_space<hbm>>, %arg5: memref<333184xi32, #tpu.memory_space<hbm>>, %arg6: memref<2x2x10240x64xf32, #tpu.memory_space<hbm>>, %arg7: memref<11648xi32, #tpu.memory_space<vmem>>, %arg8: memref<11648xi32, #tpu.memory_space<vmem>>, %arg9: memref<128x64xf32, #tpu.memory_space<vmem>>, %arg10: memref<128x64xf32, #tpu.memory_space<vmem>>, %arg11: memref<10240x64xf32, #tpu.memory_space<vmem_shared>>, %arg12: memref<!tpu.dma_semaphore, #tpu.memory_space<semaphore_mem>>) attributes {dimension_semantics = [#tpu.dimension_semantics<core_parallel>, #tpu.dimension_semantics<subcore_parallel>], iteration_bounds = array<i64: 2, 16>, scalar_prefetch = 0 : i64, scratch_operands = 6 : i64, tpu.core_type = #tpu.core_type<sc_vector_subcore>, window_params = [{transform_indices = #map}, {transform_indices = #map}, {transform_indices = #map1}, {transform_indices = #map1}, {transform_indices = #map2}]} {
    %mul3A = arith.constant 640 : i32
    %mul3A_0 = arith.muli %arg1, %mul3A : i32
    %eq3A = arith.constant 0 : i32
    %eq3A_1 = arith.cmpi eq, %arg0, %eq3A : i32
    %jit3A = arith.constant 91 : i32
    %jit3A_2 = arith.constant 66 : i32
    %select_n3A = arith.select %eq3A_1, %jit3A, %jit3A_2 : i32
    %mul3A_3 = arith.constant 186368 : i32
    %mul3A_4 = arith.muli %arg0, %mul3A_3 : i32
    %mul3A_5 = arith.muli %arg1, %select_n3A : i32
    %mul3A_6 = arith.constant 128 : i32
    %mul3A_7 = arith.muli %mul3A_5, %mul3A_6 : i32
    %add3A = arith.addi %mul3A_4, %mul3A_7 : i32
    %scan3A = arith.constant 0 : i32
    %scan3A_8 = arith.constant 0 : i32
    %scan3A_9 = arith.constant 512 : i32
    %scan3A_10 = arith.addi %scan3A_8, %scan3A_9 : i32
    %scan3A_11 = arith.constant 1 : i32
    scf.for %scan3A_56 = %scan3A_8 to %scan3A_10 step %scan3A_11  : i32 {
      %broadcast_in_dim3A = arith.constant 0.000000e+00 : f32
      %broadcast_in_dim3A_57 = vector.broadcast %broadcast_in_dim3A : f32 to vector<16xf32>
      %jit3A_58 = arith.constant 4 : i32
      %div3A = arith.divsi %scan3A_56, %jit3A_58 : i32
      %sign3A = arith.constant 0 : i32
      %sign3A_59 = arith.cmpi sgt, %scan3A_56, %sign3A : i32
      %sign3A_60 = arith.extui %sign3A_59 : i1 to i32
      %sign3A_61 = arith.constant 0 : i32
      %sign3A_62 = arith.cmpi slt, %scan3A_56, %sign3A_61 : i32
      %sign3A_63 = arith.extui %sign3A_62 : i1 to i32
      %sign3A_64 = arith.subi %sign3A_60, %sign3A_63 : i32
      %sign3A_65 = arith.constant 0 : i32
      %sign3A_66 = arith.cmpi sgt, %jit3A_58, %sign3A_65 : i32
      %sign3A_67 = arith.extui %sign3A_66 : i1 to i32
      %sign3A_68 = arith.constant 0 : i32
      %sign3A_69 = arith.cmpi slt, %jit3A_58, %sign3A_68 : i32
      %sign3A_70 = arith.extui %sign3A_69 : i1 to i32
      %sign3A_71 = arith.subi %sign3A_67, %sign3A_70 : i32
      %ne3A = arith.cmpi ne, %sign3A_64, %sign3A_71 : i32
      %rem3A = arith.remsi %scan3A_56, %jit3A_58 : i32
      %ne3A_72 = arith.constant 0 : i32
      %ne3A_73 = arith.cmpi ne, %rem3A, %ne3A_72 : i32
      %and3A = arith.andi %ne3A, %ne3A_73 : i1
      %sub3A = arith.constant 1 : i32
      %sub3A_74 = arith.subi %div3A, %sub3A : i32
      %select_n3A_75 = arith.select %and3A, %sub3A_74, %div3A : i32
      %jit3A_76 = arith.constant 4 : i32
      %eq3A_77 = arith.constant 0 : i32
      %eq3A_78 = arith.cmpi eq, %jit3A_76, %eq3A_77 : i32
      %jit3A_79 = arith.constant 1 : i32
      %select_n3A_80 = arith.select %eq3A_78, %jit3A_79, %jit3A_76 : i32
      %rem3A_81 = arith.remsi %scan3A_56, %select_n3A_80 : i32
      %ne3A_82 = arith.constant 0 : i32
      %ne3A_83 = arith.cmpi ne, %rem3A_81, %ne3A_82 : i32
      %lt3A = arith.constant 0 : i32
      %lt3A_84 = arith.cmpi slt, %rem3A_81, %lt3A : i32
      %lt3A_85 = arith.constant 0 : i32
      %lt3A_86 = arith.cmpi slt, %select_n3A_80, %lt3A_85 : i32
      %ne3A_87 = arith.xori %lt3A_84, %lt3A_86 : i1
      %and3A_88 = arith.andi %ne3A_87, %ne3A_83 : i1
      %add3A_89 = arith.addi %rem3A_81, %select_n3A_80 : i32
      %select_n3A_90 = arith.select %and3A_88, %add3A_89, %rem3A_81 : i32
      %mul3A_91 = arith.constant 16 : i32
      %mul3A_92 = arith.muli %select_n3A_90, %mul3A_91 : i32
      %swap3A = arith.index_cast %select_n3A_75 : i32 to index
      %swap3A_93 = arith.index_cast %mul3A_92 : i32 to index
      %swap3A_94 = tpu.vector_load %arg10[%swap3A, %swap3A_93] {strides = array<i32>} : memref<128x64xf32, #tpu.memory_space<vmem>>, vector<1x16xf32>,
      %swap3A_95 = vector.shape_cast %swap3A_94 : vector<1x16xf32> to vector<16xf32>
      %swap3A_96 = vector.shape_cast %broadcast_in_dim3A_57 : vector<16xf32> to vector<1x16xf32>
      tpu.vector_store %arg10[%swap3A, %swap3A_93], %swap3A_96 {strides = array<i32>} : memref<128x64xf32, #tpu.memory_space<vmem>>, vector<1x16xf32>,
    }
    %scan3A_12 = arith.constant 512 : i32
    "tpu.region"() ({
      %run_scoped3A_56 = tpu.sem_alloc : memref<!tpu.dma_semaphore, #tpu.memory_space<semaphore_mem>>
      %dma_start3A = tpu.memref_slice %arg4[%add3A] : memref<333184xi32, #tpu.memory_space<hbm>> -> memref<11648xi32, #tpu.memory_space<hbm>>
      %dma_start3A_57 = tpu.memref_slice %arg4[%add3A] : memref<333184xi32, #tpu.memory_space<hbm>> -> memref<11648xi32, #tpu.memory_space<hbm>>
      tpu.enqueue_dma source(%dma_start3A_57 : memref<11648xi32, #tpu.memory_space<hbm>>) target(%arg7 : memref<11648xi32, #tpu.memory_space<vmem>>) target_semaphore(%run_scoped3A_56 : memref<!tpu.dma_semaphore, #tpu.memory_space<semaphore_mem>>)
      %dma_wait3A = tpu.memref_slice %arg4[%add3A] : memref<333184xi32, #tpu.memory_space<hbm>> -> memref<11648xi32, #tpu.memory_space<hbm>>
      %dma_wait3A_58 = tpu.memref_slice %arg4[%add3A] : memref<333184xi32, #tpu.memory_space<hbm>> -> memref<11648xi32, #tpu.memory_space<hbm>>
      tpu.wait_dma2 semaphore(%run_scoped3A_56 : memref<!tpu.dma_semaphore, #tpu.memory_space<semaphore_mem>>) src(%dma_wait3A_58 : memref<11648xi32, #tpu.memory_space<hbm>>) dst(%arg7 : memref<11648xi32, #tpu.memory_space<vmem>>)
      tpu.yield
    }) : () -> ()
    "tpu.region"() ({
      %run_scoped3A_56 = tpu.sem_alloc : memref<!tpu.dma_semaphore, #tpu.memory_space<semaphore_mem>>
      %dma_start3A = tpu.memref_slice %arg5[%add3A] : memref<333184xi32, #tpu.memory_space<hbm>> -> memref<11648xi32, #tpu.memory_space<hbm>>
      %dma_start3A_57 = tpu.memref_slice %arg5[%add3A] : memref<333184xi32, #tpu.memory_space<hbm>> -> memref<11648xi32, #tpu.memory_space<hbm>>
      tpu.enqueue_dma source(%dma_start3A_57 : memref<11648xi32, #tpu.memory_space<hbm>>) target(%arg8 : memref<11648xi32, #tpu.memory_space<vmem>>) target_semaphore(%run_scoped3A_56 : memref<!tpu.dma_semaphore, #tpu.memory_space<semaphore_mem>>)
      %dma_wait3A = tpu.memref_slice %arg5[%add3A] : memref<333184xi32, #tpu.memory_space<hbm>> -> memref<11648xi32, #tpu.memory_space<hbm>>
      %dma_wait3A_58 = tpu.memref_slice %arg5[%add3A] : memref<333184xi32, #tpu.memory_space<hbm>> -> memref<11648xi32, #tpu.memory_space<hbm>>
      tpu.wait_dma2 semaphore(%run_scoped3A_56 : memref<!tpu.dma_semaphore, #tpu.memory_space<semaphore_mem>>) src(%dma_wait3A_58 : memref<11648xi32, #tpu.memory_space<hbm>>) dst(%arg8 : memref<11648xi32, #tpu.memory_space<vmem>>)
      tpu.yield
    }) : () -> ()
    %add3A_13 = arith.constant 0 : i32
    %add3A_14 = arith.addi %mul3A_0, %add3A_13 : i32
    "tpu.region"() ({
      %run_scoped3A_56 = tpu.sem_alloc : memref<!tpu.dma_semaphore, #tpu.memory_space<semaphore_mem>>
      %dma_start3A = arith.constant 0 : i32
      %dma_start3A_57 = tpu.memref_slice %arg11[%add3A_14, %dma_start3A] : memref<10240x64xf32, #tpu.memory_space<vmem_shared>> -> memref<128x64xf32, #tpu.memory_space<vmem_shared>>
      %dma_start3A_58 = arith.constant 0 : i32
      %dma_start3A_59 = tpu.memref_slice %arg11[%add3A_14, %dma_start3A_58] : memref<10240x64xf32, #tpu.memory_space<vmem_shared>> -> memref<128x64xf32, #tpu.memory_space<vmem_shared>>
      tpu.enqueue_dma source(%arg10 : memref<128x64xf32, #tpu.memory_space<vmem>>) target(%dma_start3A_59 : memref<128x64xf32, #tpu.memory_space<vmem_shared>>) target_semaphore(%run_scoped3A_56 : memref<!tpu.dma_semaphore, #tpu.memory_space<semaphore_mem>>)
      %dma_wait3A = arith.constant 0 : i32
      %dma_wait3A_60 = tpu.memref_slice %arg11[%add3A_14, %dma_wait3A] : memref<10240x64xf32, #tpu.memory_space<vmem_shared>> -> memref<128x64xf32, #tpu.memory_space<vmem_shared>>
      %dma_wait3A_61 = arith.constant 0 : i32
      %dma_wait3A_62 = tpu.memref_slice %arg11[%add3A_14, %dma_wait3A_61] : memref<10240x64xf32, #tpu.memory_space<vmem_shared>> -> memref<128x64xf32, #tpu.memory_space<vmem_shared>>
      tpu.wait_dma2 semaphore(%run_scoped3A_56 : memref<!tpu.dma_semaphore, #tpu.memory_space<semaphore_mem>>) src(%arg10 : memref<128x64xf32, #tpu.memory_space<vmem>>) dst(%dma_wait3A_62 : memref<128x64xf32, #tpu.memory_space<vmem_shared>>)
      tpu.yield
    }) : () -> ()
    %add3A_15 = arith.constant 128 : i32
    %add3A_16 = arith.addi %mul3A_0, %add3A_15 : i32
    "tpu.region"() ({
      %run_scoped3A_56 = tpu.sem_alloc : memref<!tpu.dma_semaphore, #tpu.memory_space<semaphore_mem>>
      %dma_start3A = arith.constant 0 : i32
      %dma_start3A_57 = tpu.memref_slice %arg11[%add3A_16, %dma_start3A] : memref<10240x64xf32, #tpu.memory_space<vmem_shared>> -> memref<128x64xf32, #tpu.memory_space<vmem_shared>>
      %dma_start3A_58 = arith.constant 0 : i32
      %dma_start3A_59 = tpu.memref_slice %arg11[%add3A_16, %dma_start3A_58] : memref<10240x64xf32, #tpu.memory_space<vmem_shared>> -> memref<128x64xf32, #tpu.memory_space<vmem_shared>>
      tpu.enqueue_dma source(%arg10 : memref<128x64xf32, #tpu.memory_space<vmem>>) target(%dma_start3A_59 : memref<128x64xf32, #tpu.memory_space<vmem_shared>>) target_semaphore(%run_scoped3A_56 : memref<!tpu.dma_semaphore, #tpu.memory_space<semaphore_mem>>)
      %dma_wait3A = arith.constant 0 : i32
      %dma_wait3A_60 = tpu.memref_slice %arg11[%add3A_16, %dma_wait3A] : memref<10240x64xf32, #tpu.memory_space<vmem_shared>> -> memref<128x64xf32, #tpu.memory_space<vmem_shared>>
      %dma_wait3A_61 = arith.constant 0 : i32
      %dma_wait3A_62 = tpu.memref_slice %arg11[%add3A_16, %dma_wait3A_61] : memref<10240x64xf32, #tpu.memory_space<vmem_shared>> -> memref<128x64xf32, #tpu.memory_space<vmem_shared>>
      tpu.wait_dma2 semaphore(%run_scoped3A_56 : memref<!tpu.dma_semaphore, #tpu.memory_space<semaphore_mem>>) src(%arg10 : memref<128x64xf32, #tpu.memory_space<vmem>>) dst(%dma_wait3A_62 : memref<128x64xf32, #tpu.memory_space<vmem_shared>>)
      tpu.yield
    }) : () -> ()
    %add3A_17 = arith.constant 256 : i32
    %add3A_18 = arith.addi %mul3A_0, %add3A_17 : i32
    "tpu.region"() ({
      %run_scoped3A_56 = tpu.sem_alloc : memref<!tpu.dma_semaphore, #tpu.memory_space<semaphore_mem>>
      %dma_start3A = arith.constant 0 : i32
      %dma_start3A_57 = tpu.memref_slice %arg11[%add3A_18, %dma_start3A] : memref<10240x64xf32, #tpu.memory_space<vmem_shared>> -> memref<128x64xf32, #tpu.memory_space<vmem_shared>>
      %dma_start3A_58 = arith.constant 0 : i32
      %dma_start3A_59 = tpu.memref_slice %arg11[%add3A_18, %dma_start3A_58] : memref<10240x64xf32, #tpu.memory_space<vmem_shared>> -> memref<128x64xf32, #tpu.memory_space<vmem_shared>>
      tpu.enqueue_dma source(%arg10 : memref<128x64xf32, #tpu.memory_space<vmem>>) target(%dma_start3A_59 : memref<128x64xf32, #tpu.memory_space<vmem_shared>>) target_semaphore(%run_scoped3A_56 : memref<!tpu.dma_semaphore, #tpu.memory_space<semaphore_mem>>)
      %dma_wait3A = arith.constant 0 : i32
      %dma_wait3A_60 = tpu.memref_slice %arg11[%add3A_18, %dma_wait3A] : memref<10240x64xf32, #tpu.memory_space<vmem_shared>> -> memref<128x64xf32, #tpu.memory_space<vmem_shared>>
      %dma_wait3A_61 = arith.constant 0 : i32
      %dma_wait3A_62 = tpu.memref_slice %arg11[%add3A_18, %dma_wait3A_61] : memref<10240x64xf32, #tpu.memory_space<vmem_shared>> -> memref<128x64xf32, #tpu.memory_space<vmem_shared>>
      tpu.wait_dma2 semaphore(%run_scoped3A_56 : memref<!tpu.dma_semaphore, #tpu.memory_space<semaphore_mem>>) src(%arg10 : memref<128x64xf32, #tpu.memory_space<vmem>>) dst(%dma_wait3A_62 : memref<128x64xf32, #tpu.memory_space<vmem_shared>>)
      tpu.yield
    }) : () -> ()
    %add3A_19 = arith.constant 384 : i32
    %add3A_20 = arith.addi %mul3A_0, %add3A_19 : i32
    "tpu.region"() ({
      %run_scoped3A_56 = tpu.sem_alloc : memref<!tpu.dma_semaphore, #tpu.memory_space<semaphore_mem>>
      %dma_start3A = arith.constant 0 : i32
      %dma_start3A_57 = tpu.memref_slice %arg11[%add3A_20, %dma_start3A] : memref<10240x64xf32, #tpu.memory_space<vmem_shared>> -> memref<128x64xf32, #tpu.memory_space<vmem_shared>>
      %dma_start3A_58 = arith.constant 0 : i32
      %dma_start3A_59 = tpu.memref_slice %arg11[%add3A_20, %dma_start3A_58] : memref<10240x64xf32, #tpu.memory_space<vmem_shared>> -> memref<128x64xf32, #tpu.memory_space<vmem_shared>>
      tpu.enqueue_dma source(%arg10 : memref<128x64xf32, #tpu.memory_space<vmem>>) target(%dma_start3A_59 : memref<128x64xf32, #tpu.memory_space<vmem_shared>>) target_semaphore(%run_scoped3A_56 : memref<!tpu.dma_semaphore, #tpu.memory_space<semaphore_mem>>)
      %dma_wait3A = arith.constant 0 : i32
      %dma_wait3A_60 = tpu.memref_slice %arg11[%add3A_20, %dma_wait3A] : memref<10240x64xf32, #tpu.memory_space<vmem_shared>> -> memref<128x64xf32, #tpu.memory_space<vmem_shared>>
      %dma_wait3A_61 = arith.constant 0 : i32
      %dma_wait3A_62 = tpu.memref_slice %arg11[%add3A_20, %dma_wait3A_61] : memref<10240x64xf32, #tpu.memory_space<vmem_shared>> -> memref<128x64xf32, #tpu.memory_space<vmem_shared>>
      tpu.wait_dma2 semaphore(%run_scoped3A_56 : memref<!tpu.dma_semaphore, #tpu.memory_space<semaphore_mem>>) src(%arg10 : memref<128x64xf32, #tpu.memory_space<vmem>>) dst(%dma_wait3A_62 : memref<128x64xf32, #tpu.memory_space<vmem_shared>>)
      tpu.yield
    }) : () -> ()
    %add3A_21 = arith.constant 512 : i32
    %add3A_22 = arith.addi %mul3A_0, %add3A_21 : i32
    "tpu.region"() ({
      %run_scoped3A_56 = tpu.sem_alloc : memref<!tpu.dma_semaphore, #tpu.memory_space<semaphore_mem>>
      %dma_start3A = arith.constant 0 : i32
      %dma_start3A_57 = tpu.memref_slice %arg11[%add3A_22, %dma_start3A] : memref<10240x64xf32, #tpu.memory_space<vmem_shared>> -> memref<128x64xf32, #tpu.memory_space<vmem_shared>>
      %dma_start3A_58 = arith.constant 0 : i32
      %dma_start3A_59 = tpu.memref_slice %arg11[%add3A_22, %dma_start3A_58] : memref<10240x64xf32, #tpu.memory_space<vmem_shared>> -> memref<128x64xf32, #tpu.memory_space<vmem_shared>>
      tpu.enqueue_dma source(%arg10 : memref<128x64xf32, #tpu.memory_space<vmem>>) target(%dma_start3A_59 : memref<128x64xf32, #tpu.memory_space<vmem_shared>>) target_semaphore(%run_scoped3A_56 : memref<!tpu.dma_semaphore, #tpu.memory_space<semaphore_mem>>)
      %dma_wait3A = arith.constant 0 : i32
      %dma_wait3A_60 = tpu.memref_slice %arg11[%add3A_22, %dma_wait3A] : memref<10240x64xf32, #tpu.memory_space<vmem_shared>> -> memref<128x64xf32, #tpu.memory_space<vmem_shared>>
      %dma_wait3A_61 = arith.constant 0 : i32
      %dma_wait3A_62 = tpu.memref_slice %arg11[%add3A_22, %dma_wait3A_61] : memref<10240x64xf32, #tpu.memory_space<vmem_shared>> -> memref<128x64xf32, #tpu.memory_space<vmem_shared>>
      tpu.wait_dma2 semaphore(%run_scoped3A_56 : memref<!tpu.dma_semaphore, #tpu.memory_space<semaphore_mem>>) src(%arg10 : memref<128x64xf32, #tpu.memory_space<vmem>>) dst(%dma_wait3A_62 : memref<128x64xf32, #tpu.memory_space<vmem_shared>>)
      tpu.yield
    }) : () -> ()
    %barrier3A = arith.constant 0 : index
    tpu.barrier barrier_id(%barrier3A)
    %while3A = arith.constant 0 : i32
    %while3A_23 = arith.constant 0 : i32
    %while3A_24 = arith.subi %select_n3A, %while3A_23 : i32
    %while3A_25 = arith.addi %while3A_23, %while3A_24 : i32
    %while3A_26 = arith.constant 1 : i32
    %while3A_27 = arith.divsi %while3A_24, %while3A_26 : i32
    %while3A_28 = arith.muli %while3A_27, %while3A_26 : i32
    %while3A_29 = arith.addi %while3A_23, %while3A_28 : i32
    %while3A_30 = arith.constant 1 : i32
    scf.for %while3A_56 = %while3A_23 to %while3A_29 step %while3A_30  : i32 {
      %mul3A_57 = arith.constant 128 : i32
      %mul3A_58 = arith.muli %while3A_56, %mul3A_57 : i32
      %dma_start3A = tpu.memref_slice %arg7[%mul3A_58] : memref<11648xi32, #tpu.memory_space<vmem>> -> memref<128xi32, #tpu.memory_space<vmem>>
      %dma_start3A_59 = arith.constant 0 : i32
      %dma_start3A_60 = arith.constant 0 : i32
      %dma_start3A_61 = tpu.memref_slice %arg2[%dma_start3A_59, %dma_start3A_60] : memref<10000x64xf32, #tpu.memory_space<hbm>> -> memref<10000x64xf32, #tpu.memory_space<hbm>>
      tpu.enqueue_indirect_dma source(%dma_start3A_61 : memref<10000x64xf32, #tpu.memory_space<hbm>>) target(%arg9 : memref<128x64xf32, #tpu.memory_space<vmem>>) offsets(%dma_start3A : memref<128xi32, #tpu.memory_space<vmem>>) semaphore(%arg12 : memref<!tpu.dma_semaphore, #tpu.memory_space<semaphore_mem>>)
      %dma_wait3A = tpu.memref_slice %arg7[%mul3A_58] : memref<11648xi32, #tpu.memory_space<vmem>> -> memref<128xi32, #tpu.memory_space<vmem>>
      %dma_wait3A_62 = arith.constant 0 : i32
      %dma_wait3A_63 = arith.constant 0 : i32
      %dma_wait3A_64 = tpu.memref_slice %arg2[%dma_wait3A_62, %dma_wait3A_63] : memref<10000x64xf32, #tpu.memory_space<hbm>> -> memref<10000x64xf32, #tpu.memory_space<hbm>>
      tpu.wait_indirect_dma semaphore(%arg12 : memref<!tpu.dma_semaphore, #tpu.memory_space<semaphore_mem>>) src(%dma_wait3A_64 : memref<10000x64xf32, #tpu.memory_space<hbm>>) dst(%arg9 : memref<128x64xf32, #tpu.memory_space<vmem>>)
      %mul3A_65 = arith.constant 128 : i32
      %mul3A_66 = arith.muli %while3A_56, %mul3A_65 : i32
      "tpu.region"() ({
        %run_scoped3A_67 = tpu.sem_alloc : memref<!tpu.dma_semaphore, #tpu.memory_space<semaphore_mem>>
        %dma_start3A_68 = tpu.memref_slice %arg8[%mul3A_66] : memref<11648xi32, #tpu.memory_space<vmem>> -> memref<128xi32, #tpu.memory_space<vmem>>
        %dma_start3A_69 = arith.constant 0 : i32
        %dma_start3A_70 = arith.constant 0 : i32
        %dma_start3A_71 = tpu.memref_slice %arg11[%dma_start3A_69, %dma_start3A_70] : memref<10240x64xf32, #tpu.memory_space<vmem_shared>> -> memref<10240x64xf32, #tpu.memory_space<vmem_shared>>
        tpu.enqueue_indirect_dma source(%arg9 : memref<128x64xf32, #tpu.memory_space<vmem>>) target(%dma_start3A_71 : memref<10240x64xf32, #tpu.memory_space<vmem_shared>>) offsets(%dma_start3A_68 : memref<128xi32, #tpu.memory_space<vmem>>) semaphore(%run_scoped3A_67 : memref<!tpu.dma_semaphore, #tpu.memory_space<semaphore_mem>>) {add = true}
        %dma_wait3A_72 = tpu.memref_slice %arg8[%mul3A_66] : memref<11648xi32, #tpu.memory_space<vmem>> -> memref<128xi32, #tpu.memory_space<vmem>>
        %dma_wait3A_73 = arith.constant 0 : i32
        %dma_wait3A_74 = arith.constant 0 : i32
        %dma_wait3A_75 = tpu.memref_slice %arg11[%dma_wait3A_73, %dma_wait3A_74] : memref<10240x64xf32, #tpu.memory_space<vmem_shared>> -> memref<10240x64xf32, #tpu.memory_space<vmem_shared>>
        tpu.wait_indirect_dma semaphore(%run_scoped3A_67 : memref<!tpu.dma_semaphore, #tpu.memory_space<semaphore_mem>>) src(%arg9 : memref<128x64xf32, #tpu.memory_space<vmem>>) dst(%dma_wait3A_75 : memref<10240x64xf32, #tpu.memory_space<vmem_shared>>)
        tpu.yield
      }) : () -> ()
    }
    %while3A_31 = arith.constant 1 : i32
    scf.for %while3A_56 = %while3A_29 to %while3A_25 step %while3A_31  : i32 {
      %mul3A_57 = arith.constant 128 : i32
      %mul3A_58 = arith.muli %while3A_56, %mul3A_57 : i32
      %dma_start3A = tpu.memref_slice %arg7[%mul3A_58] : memref<11648xi32, #tpu.memory_space<vmem>> -> memref<128xi32, #tpu.memory_space<vmem>>
      %dma_start3A_59 = arith.constant 0 : i32
      %dma_start3A_60 = arith.constant 0 : i32
      %dma_start3A_61 = tpu.memref_slice %arg2[%dma_start3A_59, %dma_start3A_60] : memref<10000x64xf32, #tpu.memory_space<hbm>> -> memref<10000x64xf32, #tpu.memory_space<hbm>>
      tpu.enqueue_indirect_dma source(%dma_start3A_61 : memref<10000x64xf32, #tpu.memory_space<hbm>>) target(%arg9 : memref<128x64xf32, #tpu.memory_space<vmem>>) offsets(%dma_start3A : memref<128xi32, #tpu.memory_space<vmem>>) semaphore(%arg12 : memref<!tpu.dma_semaphore, #tpu.memory_space<semaphore_mem>>)
      %dma_wait3A = tpu.memref_slice %arg7[%mul3A_58] : memref<11648xi32, #tpu.memory_space<vmem>> -> memref<128xi32, #tpu.memory_space<vmem>>
      %dma_wait3A_62 = arith.constant 0 : i32
      %dma_wait3A_63 = arith.constant 0 : i32
      %dma_wait3A_64 = tpu.memref_slice %arg2[%dma_wait3A_62, %dma_wait3A_63] : memref<10000x64xf32, #tpu.memory_space<hbm>> -> memref<10000x64xf32, #tpu.memory_space<hbm>>
      tpu.wait_indirect_dma semaphore(%arg12 : memref<!tpu.dma_semaphore, #tpu.memory_space<semaphore_mem>>) src(%dma_wait3A_64 : memref<10000x64xf32, #tpu.memory_space<hbm>>) dst(%arg9 : memref<128x64xf32, #tpu.memory_space<vmem>>)
      %mul3A_65 = arith.constant 128 : i32
      %mul3A_66 = arith.muli %while3A_56, %mul3A_65 : i32
      "tpu.region"() ({
        %run_scoped3A_67 = tpu.sem_alloc : memref<!tpu.dma_semaphore, #tpu.memory_space<semaphore_mem>>
        %dma_start3A_68 = tpu.memref_slice %arg8[%mul3A_66] : memref<11648xi32, #tpu.memory_space<vmem>> -> memref<128xi32, #tpu.memory_space<vmem>>
        %dma_start3A_69 = arith.constant 0 : i32
        %dma_start3A_70 = arith.constant 0 : i32
        %dma_start3A_71 = tpu.memref_slice %arg11[%dma_start3A_69, %dma_start3A_70] : memref<10240x64xf32, #tpu.memory_space<vmem_shared>> -> memref<10240x64xf32, #tpu.memory_space<vmem_shared>>
        tpu.enqueue_indirect_dma source(%arg9 : memref<128x64xf32, #tpu.memory_space<vmem>>) target(%dma_start3A_71 : memref<10240x64xf32, #tpu.memory_space<vmem_shared>>) offsets(%dma_start3A_68 : memref<128xi32, #tpu.memory_space<vmem>>) semaphore(%run_scoped3A_67 : memref<!tpu.dma_semaphore, #tpu.memory_space<semaphore_mem>>) {add = true}
        %dma_wait3A_72 = tpu.memref_slice %arg8[%mul3A_66] : memref<11648xi32, #tpu.memory_space<vmem>> -> memref<128xi32, #tpu.memory_space<vmem>>
        %dma_wait3A_73 = arith.constant 0 : i32
        %dma_wait3A_74 = arith.constant 0 : i32
        %dma_wait3A_75 = tpu.memref_slice %arg11[%dma_wait3A_73, %dma_wait3A_74] : memref<10240x64xf32, #tpu.memory_space<vmem_shared>> -> memref<10240x64xf32, #tpu.memory_space<vmem_shared>>
        tpu.wait_indirect_dma semaphore(%run_scoped3A_67 : memref<!tpu.dma_semaphore, #tpu.memory_space<semaphore_mem>>) src(%arg9 : memref<128x64xf32, #tpu.memory_space<vmem>>) dst(%dma_wait3A_75 : memref<10240x64xf32, #tpu.memory_space<vmem_shared>>)
        tpu.yield
      }) : () -> ()
    }
    %barrier3A_32 = arith.constant 0 : index
    tpu.barrier barrier_id(%barrier3A_32)
    %run_scoped3A = arith.constant 0 : i32
    "tpu.region"() ({
      %run_scoped3A_56 = tpu.sem_alloc : memref<!tpu.dma_semaphore, #tpu.memory_space<semaphore_mem>>
      %dma_start3A = arith.constant 0 : i32
      %dma_start3A_57 = tpu.memref_slice %arg6[%run_scoped3A, %arg0, %mul3A_0, %dma_start3A] : memref<2x2x10240x64xf32, #tpu.memory_space<hbm>> -> memref<1x1x640x64xf32, #tpu.memory_space<hbm>>
      %dma_start3A_58 = tpu.memref_squeeze %dma_start3A_57 : memref<1x1x640x64xf32, #tpu.memory_space<hbm>> -> memref<640x64xf32, #tpu.memory_space<hbm>>
      %dma_start3A_59 = arith.constant 0 : i32
      %dma_start3A_60 = tpu.memref_slice %arg11[%mul3A_0, %dma_start3A_59] : memref<10240x64xf32, #tpu.memory_space<vmem_shared>> -> memref<640x64xf32, #tpu.memory_space<vmem_shared>>
      tpu.enqueue_dma source(%dma_start3A_60 : memref<640x64xf32, #tpu.memory_space<vmem_shared>>) target(%dma_start3A_58 : memref<640x64xf32, #tpu.memory_space<hbm>>) target_semaphore(%run_scoped3A_56 : memref<!tpu.dma_semaphore, #tpu.memory_space<semaphore_mem>>)
      %dma_wait3A = arith.constant 0 : i32
      %dma_wait3A_61 = tpu.memref_slice %arg6[%run_scoped3A, %arg0, %mul3A_0, %dma_wait3A] : memref<2x2x10240x64xf32, #tpu.memory_space<hbm>> -> memref<1x1x640x64xf32, #tpu.memory_space<hbm>>
      %dma_wait3A_62 = tpu.memref_squeeze %dma_wait3A_61 : memref<1x1x640x64xf32, #tpu.memory_space<hbm>> -> memref<640x64xf32, #tpu.memory_space<hbm>>
      %dma_wait3A_63 = arith.constant 0 : i32
      %dma_wait3A_64 = tpu.memref_slice %arg11[%mul3A_0, %dma_wait3A_63] : memref<10240x64xf32, #tpu.memory_space<vmem_shared>> -> memref<640x64xf32, #tpu.memory_space<vmem_shared>>
      tpu.wait_dma2 semaphore(%run_scoped3A_56 : memref<!tpu.dma_semaphore, #tpu.memory_space<semaphore_mem>>) src(%dma_wait3A_64 : memref<640x64xf32, #tpu.memory_space<vmem_shared>>) dst(%dma_wait3A_62 : memref<640x64xf32, #tpu.memory_space<hbm>>)
      tpu.yield
    }) : () -> ()
    %add3A_33 = arith.constant 0 : i32
    %add3A_34 = arith.addi %mul3A_0, %add3A_33 : i32
    "tpu.region"() ({
      %run_scoped3A_56 = tpu.sem_alloc : memref<!tpu.dma_semaphore, #tpu.memory_space<semaphore_mem>>
      %dma_start3A = arith.constant 0 : i32
      %dma_start3A_57 = tpu.memref_slice %arg11[%add3A_34, %dma_start3A] : memref<10240x64xf32, #tpu.memory_space<vmem_shared>> -> memref<128x64xf32, #tpu.memory_space<vmem_shared>>
      %dma_start3A_58 = arith.constant 0 : i32
      %dma_start3A_59 = tpu.memref_slice %arg11[%add3A_34, %dma_start3A_58] : memref<10240x64xf32, #tpu.memory_space<vmem_shared>> -> memref<128x64xf32, #tpu.memory_space<vmem_shared>>
      tpu.enqueue_dma source(%arg10 : memref<128x64xf32, #tpu.memory_space<vmem>>) target(%dma_start3A_59 : memref<128x64xf32, #tpu.memory_space<vmem_shared>>) target_semaphore(%run_scoped3A_56 : memref<!tpu.dma_semaphore, #tpu.memory_space<semaphore_mem>>)
      %dma_wait3A = arith.constant 0 : i32
      %dma_wait3A_60 = tpu.memref_slice %arg11[%add3A_34, %dma_wait3A] : memref<10240x64xf32, #tpu.memory_space<vmem_shared>> -> memref<128x64xf32, #tpu.memory_space<vmem_shared>>
      %dma_wait3A_61 = arith.constant 0 : i32
      %dma_wait3A_62 = tpu.memref_slice %arg11[%add3A_34, %dma_wait3A_61] : memref<10240x64xf32, #tpu.memory_space<vmem_shared>> -> memref<128x64xf32, #tpu.memory_space<vmem_shared>>
      tpu.wait_dma2 semaphore(%run_scoped3A_56 : memref<!tpu.dma_semaphore, #tpu.memory_space<semaphore_mem>>) src(%arg10 : memref<128x64xf32, #tpu.memory_space<vmem>>) dst(%dma_wait3A_62 : memref<128x64xf32, #tpu.memory_space<vmem_shared>>)
      tpu.yield
    }) : () -> ()
    %add3A_35 = arith.constant 128 : i32
    %add3A_36 = arith.addi %mul3A_0, %add3A_35 : i32
    "tpu.region"() ({
      %run_scoped3A_56 = tpu.sem_alloc : memref<!tpu.dma_semaphore, #tpu.memory_space<semaphore_mem>>
      %dma_start3A = arith.constant 0 : i32
      %dma_start3A_57 = tpu.memref_slice %arg11[%add3A_36, %dma_start3A] : memref<10240x64xf32, #tpu.memory_space<vmem_shared>> -> memref<128x64xf32, #tpu.memory_space<vmem_shared>>
      %dma_start3A_58 = arith.constant 0 : i32
      %dma_start3A_59 = tpu.memref_slice %arg11[%add3A_36, %dma_start3A_58] : memref<10240x64xf32, #tpu.memory_space<vmem_shared>> -> memref<128x64xf32, #tpu.memory_space<vmem_shared>>
      tpu.enqueue_dma source(%arg10 : memref<128x64xf32, #tpu.memory_space<vmem>>) target(%dma_start3A_59 : memref<128x64xf32, #tpu.memory_space<vmem_shared>>) target_semaphore(%run_scoped3A_56 : memref<!tpu.dma_semaphore, #tpu.memory_space<semaphore_mem>>)
      %dma_wait3A = arith.constant 0 : i32
      %dma_wait3A_60 = tpu.memref_slice %arg11[%add3A_36, %dma_wait3A] : memref<10240x64xf32, #tpu.memory_space<vmem_shared>> -> memref<128x64xf32, #tpu.memory_space<vmem_shared>>
      %dma_wait3A_61 = arith.constant 0 : i32
      %dma_wait3A_62 = tpu.memref_slice %arg11[%add3A_36, %dma_wait3A_61] : memref<10240x64xf32, #tpu.memory_space<vmem_shared>> -> memref<128x64xf32, #tpu.memory_space<vmem_shared>>
      tpu.wait_dma2 semaphore(%run_scoped3A_56 : memref<!tpu.dma_semaphore, #tpu.memory_space<semaphore_mem>>) src(%arg10 : memref<128x64xf32, #tpu.memory_space<vmem>>) dst(%dma_wait3A_62 : memref<128x64xf32, #tpu.memory_space<vmem_shared>>)
      tpu.yield
    }) : () -> ()
    %add3A_37 = arith.constant 256 : i32
    %add3A_38 = arith.addi %mul3A_0, %add3A_37 : i32
    "tpu.region"() ({
      %run_scoped3A_56 = tpu.sem_alloc : memref<!tpu.dma_semaphore, #tpu.memory_space<semaphore_mem>>
      %dma_start3A = arith.constant 0 : i32
      %dma_start3A_57 = tpu.memref_slice %arg11[%add3A_38, %dma_start3A] : memref<10240x64xf32, #tpu.memory_space<vmem_shared>> -> memref<128x64xf32, #tpu.memory_space<vmem_shared>>
      %dma_start3A_58 = arith.constant 0 : i32
      %dma_start3A_59 = tpu.memref_slice %arg11[%add3A_38, %dma_start3A_58] : memref<10240x64xf32, #tpu.memory_space<vmem_shared>> -> memref<128x64xf32, #tpu.memory_space<vmem_shared>>
      tpu.enqueue_dma source(%arg10 : memref<128x64xf32, #tpu.memory_space<vmem>>) target(%dma_start3A_59 : memref<128x64xf32, #tpu.memory_space<vmem_shared>>) target_semaphore(%run_scoped3A_56 : memref<!tpu.dma_semaphore, #tpu.memory_space<semaphore_mem>>)
      %dma_wait3A = arith.constant 0 : i32
      %dma_wait3A_60 = tpu.memref_slice %arg11[%add3A_38, %dma_wait3A] : memref<10240x64xf32, #tpu.memory_space<vmem_shared>> -> memref<128x64xf32, #tpu.memory_space<vmem_shared>>
      %dma_wait3A_61 = arith.constant 0 : i32
      %dma_wait3A_62 = tpu.memref_slice %arg11[%add3A_38, %dma_wait3A_61] : memref<10240x64xf32, #tpu.memory_space<vmem_shared>> -> memref<128x64xf32, #tpu.memory_space<vmem_shared>>
      tpu.wait_dma2 semaphore(%run_scoped3A_56 : memref<!tpu.dma_semaphore, #tpu.memory_space<semaphore_mem>>) src(%arg10 : memref<128x64xf32, #tpu.memory_space<vmem>>) dst(%dma_wait3A_62 : memref<128x64xf32, #tpu.memory_space<vmem_shared>>)
      tpu.yield
    }) : () -> ()
    %add3A_39 = arith.constant 384 : i32
    %add3A_40 = arith.addi %mul3A_0, %add3A_39 : i32
    "tpu.region"() ({
      %run_scoped3A_56 = tpu.sem_alloc : memref<!tpu.dma_semaphore, #tpu.memory_space<semaphore_mem>>
      %dma_start3A = arith.constant 0 : i32
      %dma_start3A_57 = tpu.memref_slice %arg11[%add3A_40, %dma_start3A] : memref<10240x64xf32, #tpu.memory_space<vmem_shared>> -> memref<128x64xf32, #tpu.memory_space<vmem_shared>>
      %dma_start3A_58 = arith.constant 0 : i32
      %dma_start3A_59 = tpu.memref_slice %arg11[%add3A_40, %dma_start3A_58] : memref<10240x64xf32, #tpu.memory_space<vmem_shared>> -> memref<128x64xf32, #tpu.memory_space<vmem_shared>>
      tpu.enqueue_dma source(%arg10 : memref<128x64xf32, #tpu.memory_space<vmem>>) target(%dma_start3A_59 : memref<128x64xf32, #tpu.memory_space<vmem_shared>>) target_semaphore(%run_scoped3A_56 : memref<!tpu.dma_semaphore, #tpu.memory_space<semaphore_mem>>)
      %dma_wait3A = arith.constant 0 : i32
      %dma_wait3A_60 = tpu.memref_slice %arg11[%add3A_40, %dma_wait3A] : memref<10240x64xf32, #tpu.memory_space<vmem_shared>> -> memref<128x64xf32, #tpu.memory_space<vmem_shared>>
      %dma_wait3A_61 = arith.constant 0 : i32
      %dma_wait3A_62 = tpu.memref_slice %arg11[%add3A_40, %dma_wait3A_61] : memref<10240x64xf32, #tpu.memory_space<vmem_shared>> -> memref<128x64xf32, #tpu.memory_space<vmem_shared>>
      tpu.wait_dma2 semaphore(%run_scoped3A_56 : memref<!tpu.dma_semaphore, #tpu.memory_space<semaphore_mem>>) src(%arg10 : memref<128x64xf32, #tpu.memory_space<vmem>>) dst(%dma_wait3A_62 : memref<128x64xf32, #tpu.memory_space<vmem_shared>>)
      tpu.yield
    }) : () -> ()
    %add3A_41 = arith.constant 512 : i32
    %add3A_42 = arith.addi %mul3A_0, %add3A_41 : i32
    "tpu.region"() ({
      %run_scoped3A_56 = tpu.sem_alloc : memref<!tpu.dma_semaphore, #tpu.memory_space<semaphore_mem>>
      %dma_start3A = arith.constant 0 : i32
      %dma_start3A_57 = tpu.memref_slice %arg11[%add3A_42, %dma_start3A] : memref<10240x64xf32, #tpu.memory_space<vmem_shared>> -> memref<128x64xf32, #tpu.memory_space<vmem_shared>>
      %dma_start3A_58 = arith.constant 0 : i32
      %dma_start3A_59 = tpu.memref_slice %arg11[%add3A_42, %dma_start3A_58] : memref<10240x64xf32, #tpu.memory_space<vmem_shared>> -> memref<128x64xf32, #tpu.memory_space<vmem_shared>>
      tpu.enqueue_dma source(%arg10 : memref<128x64xf32, #tpu.memory_space<vmem>>) target(%dma_start3A_59 : memref<128x64xf32, #tpu.memory_space<vmem_shared>>) target_semaphore(%run_scoped3A_56 : memref<!tpu.dma_semaphore, #tpu.memory_space<semaphore_mem>>)
      %dma_wait3A = arith.constant 0 : i32
      %dma_wait3A_60 = tpu.memref_slice %arg11[%add3A_42, %dma_wait3A] : memref<10240x64xf32, #tpu.memory_space<vmem_shared>> -> memref<128x64xf32, #tpu.memory_space<vmem_shared>>
      %dma_wait3A_61 = arith.constant 0 : i32
      %dma_wait3A_62 = tpu.memref_slice %arg11[%add3A_42, %dma_wait3A_61] : memref<10240x64xf32, #tpu.memory_space<vmem_shared>> -> memref<128x64xf32, #tpu.memory_space<vmem_shared>>
      tpu.wait_dma2 semaphore(%run_scoped3A_56 : memref<!tpu.dma_semaphore, #tpu.memory_space<semaphore_mem>>) src(%arg10 : memref<128x64xf32, #tpu.memory_space<vmem>>) dst(%dma_wait3A_62 : memref<128x64xf32, #tpu.memory_space<vmem_shared>>)
      tpu.yield
    }) : () -> ()
    %barrier3A_43 = arith.constant 0 : index
    tpu.barrier barrier_id(%barrier3A_43)
    %while3A_44 = arith.constant 0 : i32
    %while3A_45 = arith.constant 0 : i32
    %while3A_46 = arith.subi %select_n3A, %while3A_45 : i32
    %while3A_47 = arith.addi %while3A_45, %while3A_46 : i32
    %while3A_48 = arith.constant 1 : i32
    %while3A_49 = arith.divsi %while3A_46, %while3A_48 : i32
    %while3A_50 = arith.muli %while3A_49, %while3A_48 : i32
    %while3A_51 = arith.addi %while3A_45, %while3A_50 : i32
    %while3A_52 = arith.constant 1 : i32
    scf.for %while3A_56 = %while3A_45 to %while3A_51 step %while3A_52  : i32 {
      %mul3A_57 = arith.constant 128 : i32
      %mul3A_58 = arith.muli %while3A_56, %mul3A_57 : i32
      %dma_start3A = tpu.memref_slice %arg7[%mul3A_58] : memref<11648xi32, #tpu.memory_space<vmem>> -> memref<128xi32, #tpu.memory_space<vmem>>
      %dma_start3A_59 = arith.constant 0 : i32
      %dma_start3A_60 = arith.constant 0 : i32
      %dma_start3A_61 = tpu.memref_slice %arg3[%dma_start3A_59, %dma_start3A_60] : memref<10000x64xf32, #tpu.memory_space<hbm>> -> memref<10000x64xf32, #tpu.memory_space<hbm>>
      tpu.enqueue_indirect_dma source(%dma_start3A_61 : memref<10000x64xf32, #tpu.memory_space<hbm>>) target(%arg9 : memref<128x64xf32, #tpu.memory_space<vmem>>) offsets(%dma_start3A : memref<128xi32, #tpu.memory_space<vmem>>) semaphore(%arg12 : memref<!tpu.dma_semaphore, #tpu.memory_space<semaphore_mem>>)
      %dma_wait3A = tpu.memref_slice %arg7[%mul3A_58] : memref<11648xi32, #tpu.memory_space<vmem>> -> memref<128xi32, #tpu.memory_space<vmem>>
      %dma_wait3A_62 = arith.constant 0 : i32
      %dma_wait3A_63 = arith.constant 0 : i32
      %dma_wait3A_64 = tpu.memref_slice %arg3[%dma_wait3A_62, %dma_wait3A_63] : memref<10000x64xf32, #tpu.memory_space<hbm>> -> memref<10000x64xf32, #tpu.memory_space<hbm>>
      tpu.wait_indirect_dma semaphore(%arg12 : memref<!tpu.dma_semaphore, #tpu.memory_space<semaphore_mem>>) src(%dma_wait3A_64 : memref<10000x64xf32, #tpu.memory_space<hbm>>) dst(%arg9 : memref<128x64xf32, #tpu.memory_space<vmem>>)
      %mul3A_65 = arith.constant 128 : i32
      %mul3A_66 = arith.muli %while3A_56, %mul3A_65 : i32
      "tpu.region"() ({
        %run_scoped3A_67 = tpu.sem_alloc : memref<!tpu.dma_semaphore, #tpu.memory_space<semaphore_mem>>
        %dma_start3A_68 = tpu.memref_slice %arg8[%mul3A_66] : memref<11648xi32, #tpu.memory_space<vmem>> -> memref<128xi32, #tpu.memory_space<vmem>>
        %dma_start3A_69 = arith.constant 0 : i32
        %dma_start3A_70 = arith.constant 0 : i32
        %dma_start3A_71 = tpu.memref_slice %arg11[%dma_start3A_69, %dma_start3A_70] : memref<10240x64xf32, #tpu.memory_space<vmem_shared>> -> memref<10240x64xf32, #tpu.memory_space<vmem_shared>>
        tpu.enqueue_indirect_dma source(%arg9 : memref<128x64xf32, #tpu.memory_space<vmem>>) target(%dma_start3A_71 : memref<10240x64xf32, #tpu.memory_space<vmem_shared>>) offsets(%dma_start3A_68 : memref<128xi32, #tpu.memory_space<vmem>>) semaphore(%run_scoped3A_67 : memref<!tpu.dma_semaphore, #tpu.memory_space<semaphore_mem>>) {add = true}
        %dma_wait3A_72 = tpu.memref_slice %arg8[%mul3A_66] : memref<11648xi32, #tpu.memory_space<vmem>> -> memref<128xi32, #tpu.memory_space<vmem>>
        %dma_wait3A_73 = arith.constant 0 : i32
        %dma_wait3A_74 = arith.constant 0 : i32
        %dma_wait3A_75 = tpu.memref_slice %arg11[%dma_wait3A_73, %dma_wait3A_74] : memref<10240x64xf32, #tpu.memory_space<vmem_shared>> -> memref<10240x64xf32, #tpu.memory_space<vmem_shared>>
        tpu.wait_indirect_dma semaphore(%run_scoped3A_67 : memref<!tpu.dma_semaphore, #tpu.memory_space<semaphore_mem>>) src(%arg9 : memref<128x64xf32, #tpu.memory_space<vmem>>) dst(%dma_wait3A_75 : memref<10240x64xf32, #tpu.memory_space<vmem_shared>>)
        tpu.yield
      }) : () -> ()
    }
    %while3A_53 = arith.constant 1 : i32
    scf.for %while3A_56 = %while3A_51 to %while3A_47 step %while3A_53  : i32 {
      %mul3A_57 = arith.constant 128 : i32
      %mul3A_58 = arith.muli %while3A_56, %mul3A_57 : i32
      %dma_start3A = tpu.memref_slice %arg7[%mul3A_58] : memref<11648xi32, #tpu.memory_space<vmem>> -> memref<128xi32, #tpu.memory_space<vmem>>
      %dma_start3A_59 = arith.constant 0 : i32
      %dma_start3A_60 = arith.constant 0 : i32
      %dma_start3A_61 = tpu.memref_slice %arg3[%dma_start3A_59, %dma_start3A_60] : memref<10000x64xf32, #tpu.memory_space<hbm>> -> memref<10000x64xf32, #tpu.memory_space<hbm>>
      tpu.enqueue_indirect_dma source(%dma_start3A_61 : memref<10000x64xf32, #tpu.memory_space<hbm>>) target(%arg9 : memref<128x64xf32, #tpu.memory_space<vmem>>) offsets(%dma_start3A : memref<128xi32, #tpu.memory_space<vmem>>) semaphore(%arg12 : memref<!tpu.dma_semaphore, #tpu.memory_space<semaphore_mem>>)
      %dma_wait3A = tpu.memref_slice %arg7[%mul3A_58] : memref<11648xi32, #tpu.memory_space<vmem>> -> memref<128xi32, #tpu.memory_space<vmem>>
      %dma_wait3A_62 = arith.constant 0 : i32
      %dma_wait3A_63 = arith.constant 0 : i32
      %dma_wait3A_64 = tpu.memref_slice %arg3[%dma_wait3A_62, %dma_wait3A_63] : memref<10000x64xf32, #tpu.memory_space<hbm>> -> memref<10000x64xf32, #tpu.memory_space<hbm>>
      tpu.wait_indirect_dma semaphore(%arg12 : memref<!tpu.dma_semaphore, #tpu.memory_space<semaphore_mem>>) src(%dma_wait3A_64 : memref<10000x64xf32, #tpu.memory_space<hbm>>) dst(%arg9 : memref<128x64xf32, #tpu.memory_space<vmem>>)
      %mul3A_65 = arith.constant 128 : i32
      %mul3A_66 = arith.muli %while3A_56, %mul3A_65 : i32
      "tpu.region"() ({
        %run_scoped3A_67 = tpu.sem_alloc : memref<!tpu.dma_semaphore, #tpu.memory_space<semaphore_mem>>
        %dma_start3A_68 = tpu.memref_slice %arg8[%mul3A_66] : memref<11648xi32, #tpu.memory_space<vmem>> -> memref<128xi32, #tpu.memory_space<vmem>>
        %dma_start3A_69 = arith.constant 0 : i32
        %dma_start3A_70 = arith.constant 0 : i32
        %dma_start3A_71 = tpu.memref_slice %arg11[%dma_start3A_69, %dma_start3A_70] : memref<10240x64xf32, #tpu.memory_space<vmem_shared>> -> memref<10240x64xf32, #tpu.memory_space<vmem_shared>>
        tpu.enqueue_indirect_dma source(%arg9 : memref<128x64xf32, #tpu.memory_space<vmem>>) target(%dma_start3A_71 : memref<10240x64xf32, #tpu.memory_space<vmem_shared>>) offsets(%dma_start3A_68 : memref<128xi32, #tpu.memory_space<vmem>>) semaphore(%run_scoped3A_67 : memref<!tpu.dma_semaphore, #tpu.memory_space<semaphore_mem>>) {add = true}
        %dma_wait3A_72 = tpu.memref_slice %arg8[%mul3A_66] : memref<11648xi32, #tpu.memory_space<vmem>> -> memref<128xi32, #tpu.memory_space<vmem>>
        %dma_wait3A_73 = arith.constant 0 : i32
        %dma_wait3A_74 = arith.constant 0 : i32
        %dma_wait3A_75 = tpu.memref_slice %arg11[%dma_wait3A_73, %dma_wait3A_74] : memref<10240x64xf32, #tpu.memory_space<vmem_shared>> -> memref<10240x64xf32, #tpu.memory_space<vmem_shared>>
        tpu.wait_indirect_dma semaphore(%run_scoped3A_67 : memref<!tpu.dma_semaphore, #tpu.memory_space<semaphore_mem>>) src(%arg9 : memref<128x64xf32, #tpu.memory_space<vmem>>) dst(%dma_wait3A_75 : memref<10240x64xf32, #tpu.memory_space<vmem_shared>>)
        tpu.yield
      }) : () -> ()
    }
    %barrier3A_54 = arith.constant 0 : index
    tpu.barrier barrier_id(%barrier3A_54)
    %run_scoped3A_55 = arith.constant 1 : i32
    "tpu.region"() ({
      %run_scoped3A_56 = tpu.sem_alloc : memref<!tpu.dma_semaphore, #tpu.memory_space<semaphore_mem>>
      %dma_start3A = arith.constant 0 : i32
      %dma_start3A_57 = tpu.memref_slice %arg6[%run_scoped3A_55, %arg0, %mul3A_0, %dma_start3A] : memref<2x2x10240x64xf32, #tpu.memory_space<hbm>> -> memref<1x1x640x64xf32, #tpu.memory_space<hbm>>
      %dma_start3A_58 = tpu.memref_squeeze %dma_start3A_57 : memref<1x1x640x64xf32, #tpu.memory_space<hbm>> -> memref<640x64xf32, #tpu.memory_space<hbm>>
      %dma_start3A_59 = arith.constant 0 : i32
      %dma_start3A_60 = tpu.memref_slice %arg11[%mul3A_0, %dma_start3A_59] : memref<10240x64xf32, #tpu.memory_space<vmem_shared>> -> memref<640x64xf32, #tpu.memory_space<vmem_shared>>
      tpu.enqueue_dma source(%dma_start3A_60 : memref<640x64xf32, #tpu.memory_space<vmem_shared>>) target(%dma_start3A_58 : memref<640x64xf32, #tpu.memory_space<hbm>>) target_semaphore(%run_scoped3A_56 : memref<!tpu.dma_semaphore, #tpu.memory_space<semaphore_mem>>)
      %dma_wait3A = arith.constant 0 : i32
      %dma_wait3A_61 = tpu.memref_slice %arg6[%run_scoped3A_55, %arg0, %mul3A_0, %dma_wait3A] : memref<2x2x10240x64xf32, #tpu.memory_space<hbm>> -> memref<1x1x640x64xf32, #tpu.memory_space<hbm>>
      %dma_wait3A_62 = tpu.memref_squeeze %dma_wait3A_61 : memref<1x1x640x64xf32, #tpu.memory_space<hbm>> -> memref<640x64xf32, #tpu.memory_space<hbm>>
      %dma_wait3A_63 = arith.constant 0 : i32
      %dma_wait3A_64 = tpu.memref_slice %arg11[%mul3A_0, %dma_wait3A_63] : memref<10240x64xf32, #tpu.memory_space<vmem_shared>> -> memref<640x64xf32, #tpu.memory_space<vmem_shared>>
      tpu.wait_dma2 semaphore(%run_scoped3A_56 : memref<!tpu.dma_semaphore, #tpu.memory_space<semaphore_mem>>) src(%dma_wait3A_64 : memref<640x64xf32, #tpu.memory_space<vmem_shared>>) dst(%dma_wait3A_62 : memref<640x64xf32, #tpu.memory_space<hbm>>)
      tpu.yield
    }) : () -> ()
    return
  }
}

module attributes {stable_mosaic.version = 14 : i64} {
  func.func @body(%arg0: i32, %arg1: memref<1x1x1000x64xf32, #tpu.memory_space<vmem>>, %arg2: memref<1x1x1000x64xf32, #tpu.memory_space<vmem>>, %arg3: memref<1x1x1000x64xf32, #tpu.memory_space<vmem>>, %arg4: memref<1x1x1000x64xf32, #tpu.memory_space<vmem>>, %arg5: memref<1x1000x16xf32, #tpu.memory_space<vmem>>, %arg6: memref<1x1000x16xf32, #tpu.memory_space<vmem>>, %arg7: memref<1000x128xf32, #tpu.memory_space<vmem>>, %arg8: memref<128x128xf32, #tpu.memory_space<vmem>>, %arg9: memref<1x128xf32, #tpu.memory_space<vmem>>, %arg10: memref<128x128xf32, #tpu.memory_space<vmem>>, %arg11: memref<1x128xf32, #tpu.memory_space<vmem>>, %arg12: memref<1000x128xf32, #tpu.memory_space<vmem>>) attributes {dimension_semantics = [#tpu.dimension_semantics<arbitrary>], iteration_bounds = array<i64: 10>, scalar_prefetch = 0 : i64, scratch_operands = 0 : i64, tpu.core_type = #tpu.core_type<tc>, window_params = [{transform_indices = @transform_0, window_bounds = array<i64: 1, 1, 1000, 64>}, {transform_indices = @transform_1, window_bounds = array<i64: 1, 1, 1000, 64>}, {transform_indices = @transform_2, window_bounds = array<i64: 1, 1, 1000, 64>}, {transform_indices = @transform_3, window_bounds = array<i64: 1, 1, 1000, 64>}, {transform_indices = @transform_4, window_bounds = array<i64: 1, 1000, 16>}, {transform_indices = @transform_5, window_bounds = array<i64: 1, 1000, 16>}, {transform_indices = @transform_6, window_bounds = array<i64: 1000, 128>}, {pipeline_mode = #tpu.pipeline_mode<synchronous>, transform_indices = @transform_7, window_bounds = array<i64: 128, 128>}, {pipeline_mode = #tpu.pipeline_mode<synchronous>, transform_indices = @transform_8, window_bounds = array<i64: 1, 128>}, {pipeline_mode = #tpu.pipeline_mode<synchronous>, transform_indices = @transform_9, window_bounds = array<i64: 128, 128>}, {pipeline_mode = #tpu.pipeline_mode<synchronous>, transform_indices = @transform_10, window_bounds = array<i64: 1, 128>}, {transform_indices = @transform_11, window_bounds = array<i64: 1000, 128>}]} {
    %get3A = arith.constant 0 : index
    %get3A_0 = arith.constant 0 : index
    %get3A_1 = arith.constant 0 : index
    %get3A_2 = arith.constant 0 : index
    %get3A_3 = vector.load %arg1[%get3A, %get3A_0, %get3A_1, %get3A_2] : memref<1x1x1000x64xf32, #tpu.memory_space<vmem>>, vector<1x1x1000x64xf32>
    %get3A_4 = vector.shape_cast %get3A_3 : vector<1x1x1000x64xf32> to vector<1000x64xf32>
    %get3A_5 = arith.constant 0 : index
    %get3A_6 = arith.constant 0 : index
    %get3A_7 = arith.constant 0 : index
    %get3A_8 = arith.constant 0 : index
    %get3A_9 = vector.load %arg2[%get3A_5, %get3A_6, %get3A_7, %get3A_8] : memref<1x1x1000x64xf32, #tpu.memory_space<vmem>>, vector<1x1x1000x64xf32>
    %get3A_10 = vector.shape_cast %get3A_9 : vector<1x1x1000x64xf32> to vector<1000x64xf32>
    %add3A = arith.addf %get3A_4, %get3A_10 : vector<1000x64xf32>
    %get3A_11 = arith.constant 0 : index
    %get3A_12 = arith.constant 0 : index
    %get3A_13 = arith.constant 0 : index
    %get3A_14 = arith.constant 0 : index
    %get3A_15 = vector.load %arg3[%get3A_11, %get3A_12, %get3A_13, %get3A_14] : memref<1x1x1000x64xf32, #tpu.memory_space<vmem>>, vector<1x1x1000x64xf32>
    %get3A_16 = vector.shape_cast %get3A_15 : vector<1x1x1000x64xf32> to vector<1000x64xf32>
    %get3A_17 = arith.constant 0 : index
    %get3A_18 = arith.constant 0 : index
    %get3A_19 = arith.constant 0 : index
    %get3A_20 = arith.constant 0 : index
    %get3A_21 = vector.load %arg4[%get3A_17, %get3A_18, %get3A_19, %get3A_20] : memref<1x1x1000x64xf32, #tpu.memory_space<vmem>>, vector<1x1x1000x64xf32>
    %get3A_22 = vector.shape_cast %get3A_21 : vector<1x1x1000x64xf32> to vector<1000x64xf32>
    %add3A_23 = arith.addf %get3A_16, %get3A_22 : vector<1000x64xf32>
    %get3A_24 = arith.constant 0 : index
    %get3A_25 = arith.constant 0 : index
    %get3A_26 = arith.constant 0 : index
    %get3A_27 = vector.load %arg5[%get3A_24, %get3A_25, %get3A_26] : memref<1x1000x16xf32, #tpu.memory_space<vmem>>, vector<1x1000x16xf32>
    %get3A_28 = vector.shape_cast %get3A_27 : vector<1x1000x16xf32> to vector<1000x16xf32>
    %slice3A = vector.extract_strided_slice %get3A_28 {offsets = [0, 0], sizes = [1000, 1], strides = [1, 1]} : vector<1000x16xf32> to vector<1000x1xf32>
    %get3A_29 = arith.constant 0 : index
    %get3A_30 = arith.constant 0 : index
    %get3A_31 = arith.constant 0 : index
    %get3A_32 = vector.load %arg6[%get3A_29, %get3A_30, %get3A_31] : memref<1x1000x16xf32, #tpu.memory_space<vmem>>, vector<1x1000x16xf32>
    %get3A_33 = vector.shape_cast %get3A_32 : vector<1x1000x16xf32> to vector<1000x16xf32>
    %slice3A_34 = vector.extract_strided_slice %get3A_33 {offsets = [0, 0], sizes = [1000, 1], strides = [1, 1]} : vector<1000x16xf32> to vector<1000x1xf32>
    %add3A_35 = arith.addf %slice3A, %slice3A_34 : vector<1000x1xf32>
    %max3A = arith.constant 1.000000e+00 : f32
    %max3A_36 = vector.broadcast %max3A : f32 to vector<1000x1xf32>
    %max3A_37 = arith.maximumf %add3A_35, %max3A_36 : vector<1000x1xf32>
    %div3A = arith.constant 1.000000e+00 : f32
    %div3A_38 = vector.broadcast %div3A : f32 to vector<1000x1xf32>
    %div3A_39 = arith.divf %div3A_38, %max3A_37 : vector<1000x1xf32>
    %mul3A = vector.broadcast %div3A_39 : vector<1000x1xf32> to vector<1000x64xf32>
    %mul3A_40 = arith.mulf %add3A, %mul3A : vector<1000x64xf32>
    %mul3A_41 = vector.broadcast %div3A_39 : vector<1000x1xf32> to vector<1000x64xf32>
    %mul3A_42 = arith.mulf %add3A_23, %mul3A_41 : vector<1000x64xf32>
    %concatenate3A = tpu.concatenate %mul3A_40, %mul3A_42 in 1 : vector<1000x64xf32>, vector<1000x64xf32> -> vector<1000x128xf32>
    %get3A_43 = arith.constant 0 : index
    %get3A_44 = arith.constant 0 : index
    %get3A_45 = vector.load %arg8[%get3A_43, %get3A_44] : memref<128x128xf32, #tpu.memory_space<vmem>>, vector<128x128xf32>
    %dot_general3A = arith.constant dense<0.000000e+00> : vector<1000x128xf32>
    %dot_general3A_46 = tpu.matmul %concatenate3A, %get3A_45, %dot_general3A {dimension_numbers = #tpu.dot_dimension_numbers<[1], [0], [0], [1], [0, 0, 1, 1], [], []>, transpose_lhs_hint = false} : vector<1000x128xf32>, vector<128x128xf32>, vector<1000x128xf32> -> vector<1000x128xf32>
    %get3A_47 = arith.constant 0 : index
    %get3A_48 = arith.constant 0 : index
    %get3A_49 = vector.load %arg7[%get3A_47, %get3A_48] : memref<1000x128xf32, #tpu.memory_space<vmem>>, vector<1000x128xf32>
    %get3A_50 = arith.constant 0 : index
    %get3A_51 = arith.constant 0 : index
    %get3A_52 = vector.load %arg10[%get3A_50, %get3A_51] : memref<128x128xf32, #tpu.memory_space<vmem>>, vector<128x128xf32>
    %dot_general3A_53 = arith.constant dense<0.000000e+00> : vector<1000x128xf32>
    %dot_general3A_54 = tpu.matmul %get3A_49, %get3A_52, %dot_general3A_53 {dimension_numbers = #tpu.dot_dimension_numbers<[1], [0], [0], [1], [0, 0, 1, 1], [], []>, transpose_lhs_hint = false} : vector<1000x128xf32>, vector<128x128xf32>, vector<1000x128xf32> -> vector<1000x128xf32>
    %add3A_55 = arith.addf %dot_general3A_46, %dot_general3A_54 : vector<1000x128xf32>
    %get3A_56 = arith.constant 0 : index
    %get3A_57 = arith.constant 0 : index
    %get3A_58 = vector.load %arg9[%get3A_56, %get3A_57] : memref<1x128xf32, #tpu.memory_space<vmem>>, vector<1x128xf32>
    %add3A_59 = vector.broadcast %get3A_58 : vector<1x128xf32> to vector<1000x128xf32>
    %add3A_60 = arith.addf %add3A_55, %add3A_59 : vector<1000x128xf32>
    %gt3A = arith.constant 0.000000e+00 : f32
    %gt3A_61 = vector.broadcast %gt3A : f32 to vector<1000x128xf32>
    %gt3A_62 = arith.cmpf ogt, %add3A_60, %gt3A_61 : vector<1000x128xf32>
    %get3A_63 = arith.constant 0 : index
    %get3A_64 = arith.constant 0 : index
    %get3A_65 = vector.load %arg11[%get3A_63, %get3A_64] : memref<1x128xf32, #tpu.memory_space<vmem>>, vector<1x128xf32>
    %mul3A_66 = vector.broadcast %get3A_65 : vector<1x128xf32> to vector<1000x128xf32>
    %mul3A_67 = arith.mulf %mul3A_66, %add3A_60 : vector<1000x128xf32>
    %select_n3A = arith.select %gt3A_62, %add3A_60, %mul3A_67 : vector<1000x128xi1>, vector<1000x128xf32>
    %swap3A = arith.constant 0 : index
    %swap3A_68 = arith.constant 0 : index
    %swap3A_69 = vector.load %arg12[%swap3A, %swap3A_68] : memref<1000x128xf32, #tpu.memory_space<vmem>>, vector<1000x128xf32>
    tpu.vector_store %arg12[%swap3A, %swap3A_68], %select_n3A {strides = array<i32>} : memref<1000x128xf32, #tpu.memory_space<vmem>>, vector<1000x128xf32>,
    return
  }
  func.func @transform_0(%arg0: i32) -> (i32, i32, i32, i32) {
    %c0_i32 = arith.constant 0 : i32
    %c0_i32_0 = arith.constant 0 : i32
    %c0_i32_1 = arith.constant 0 : i32
    %c0_i32_2 = arith.constant 0 : i32
    return %c0_i32, %c0_i32_0, %arg0, %c0_i32_1 : i32, i32, i32, i32
  }
  func.func @transform_1(%arg0: i32) -> (i32, i32, i32, i32) {
    %c0_i32 = arith.constant 0 : i32
    %c1_i32 = arith.constant 1 : i32
    %c0_i32_0 = arith.constant 0 : i32
    %c0_i32_1 = arith.constant 0 : i32
    return %c0_i32, %c1_i32, %arg0, %c0_i32_0 : i32, i32, i32, i32
  }
  func.func @transform_2(%arg0: i32) -> (i32, i32, i32, i32) {
    %c1_i32 = arith.constant 1 : i32
    %c0_i32 = arith.constant 0 : i32
    %c0_i32_0 = arith.constant 0 : i32
    %c0_i32_1 = arith.constant 0 : i32
    return %c1_i32, %c0_i32, %arg0, %c0_i32_0 : i32, i32, i32, i32
  }
  func.func @transform_3(%arg0: i32) -> (i32, i32, i32, i32) {
    %c1_i32 = arith.constant 1 : i32
    %c1_i32_0 = arith.constant 1 : i32
    %c0_i32 = arith.constant 0 : i32
    %c0_i32_1 = arith.constant 0 : i32
    return %c1_i32, %c1_i32_0, %arg0, %c0_i32 : i32, i32, i32, i32
  }
  func.func @transform_4(%arg0: i32) -> (i32, i32, i32) {
    %c0_i32 = arith.constant 0 : i32
    %c0_i32_0 = arith.constant 0 : i32
    %c0_i32_1 = arith.constant 0 : i32
    return %c0_i32, %arg0, %c0_i32_0 : i32, i32, i32
  }
  func.func @transform_5(%arg0: i32) -> (i32, i32, i32) {
    %c1_i32 = arith.constant 1 : i32
    %c0_i32 = arith.constant 0 : i32
    %c0_i32_0 = arith.constant 0 : i32
    return %c1_i32, %arg0, %c0_i32 : i32, i32, i32
  }
  func.func @transform_6(%arg0: i32) -> (i32, i32) {
    %c0_i32 = arith.constant 0 : i32
    %c0_i32_0 = arith.constant 0 : i32
    return %arg0, %c0_i32 : i32, i32
  }
  func.func @transform_7(%arg0: i32) -> (i32, i32) {
    %c0_i32 = arith.constant 0 : i32
    %c0_i32_0 = arith.constant 0 : i32
    %c0_i32_1 = arith.constant 0 : i32
    return %c0_i32, %c0_i32_0 : i32, i32
  }
  func.func @transform_8(%arg0: i32) -> (i32, i32) {
    %c0_i32 = arith.constant 0 : i32
    %c0_i32_0 = arith.constant 0 : i32
    %c0_i32_1 = arith.constant 0 : i32
    return %c0_i32, %c0_i32_0 : i32, i32
  }
  func.func @transform_9(%arg0: i32) -> (i32, i32) {
    %c0_i32 = arith.constant 0 : i32
    %c0_i32_0 = arith.constant 0 : i32
    %c0_i32_1 = arith.constant 0 : i32
    return %c0_i32, %c0_i32_0 : i32, i32
  }
  func.func @transform_10(%arg0: i32) -> (i32, i32) {
    %c0_i32 = arith.constant 0 : i32
    %c0_i32_0 = arith.constant 0 : i32
    %c0_i32_1 = arith.constant 0 : i32
    return %c0_i32, %c0_i32_0 : i32, i32
  }
  func.func @transform_11(%arg0: i32) -> (i32, i32) {
    %c0_i32 = arith.constant 0 : i32
    %c0_i32_0 = arith.constant 0 : i32
    return %arg0, %c0_i32 : i32, i32
  }
}

module attributes {stable_mosaic.version = 14 : i64} {
  func.func @body(%arg0: i32, %arg1: memref<1x1x1000x64xf32, #tpu.memory_space<vmem>>, %arg2: memref<1x1x1000x64xf32, #tpu.memory_space<vmem>>, %arg3: memref<1x1x1000x64xf32, #tpu.memory_space<vmem>>, %arg4: memref<1x1x1000x64xf32, #tpu.memory_space<vmem>>, %arg5: memref<1x1000x16xf32, #tpu.memory_space<vmem>>, %arg6: memref<1x1000x16xf32, #tpu.memory_space<vmem>>, %arg7: memref<1000x128xf32, #tpu.memory_space<vmem>>, %arg8: memref<128x128xf32, #tpu.memory_space<vmem>>, %arg9: memref<1x128xf32, #tpu.memory_space<vmem>>, %arg10: memref<128x128xf32, #tpu.memory_space<vmem>>, %arg11: memref<1x128xf32, #tpu.memory_space<vmem>>, %arg12: memref<1000x128xf32, #tpu.memory_space<vmem>>) attributes {dimension_semantics = [#tpu.dimension_semantics<arbitrary>], iteration_bounds = array<i64: 10>, scalar_prefetch = 0 : i64, scratch_operands = 0 : i64, tpu.core_type = #tpu.core_type<tc>, window_params = [{transform_indices = @transform_0, window_bounds = array<i64: 1, 1, 1000, 64>}, {transform_indices = @transform_1, window_bounds = array<i64: 1, 1, 1000, 64>}, {transform_indices = @transform_2, window_bounds = array<i64: 1, 1, 1000, 64>}, {transform_indices = @transform_3, window_bounds = array<i64: 1, 1, 1000, 64>}, {transform_indices = @transform_4, window_bounds = array<i64: 1, 1000, 16>}, {transform_indices = @transform_5, window_bounds = array<i64: 1, 1000, 16>}, {transform_indices = @transform_6, window_bounds = array<i64: 1000, 128>}, {pipeline_mode = #tpu.pipeline_mode<synchronous>, transform_indices = @transform_7, window_bounds = array<i64: 128, 128>}, {pipeline_mode = #tpu.pipeline_mode<synchronous>, transform_indices = @transform_8, window_bounds = array<i64: 1, 128>}, {pipeline_mode = #tpu.pipeline_mode<synchronous>, transform_indices = @transform_9, window_bounds = array<i64: 128, 128>}, {pipeline_mode = #tpu.pipeline_mode<synchronous>, transform_indices = @transform_10, window_bounds = array<i64: 1, 128>}, {transform_indices = @transform_11, window_bounds = array<i64: 1000, 128>}]} {
    %get3A = arith.constant 0 : index
    %get3A_0 = arith.constant 0 : index
    %get3A_1 = arith.constant 0 : index
    %get3A_2 = arith.constant 0 : index
    %get3A_3 = vector.load %arg1[%get3A, %get3A_0, %get3A_1, %get3A_2] : memref<1x1x1000x64xf32, #tpu.memory_space<vmem>>, vector<1x1x1000x64xf32>
    %get3A_4 = vector.shape_cast %get3A_3 : vector<1x1x1000x64xf32> to vector<1000x64xf32>
    %get3A_5 = arith.constant 0 : index
    %get3A_6 = arith.constant 0 : index
    %get3A_7 = arith.constant 0 : index
    %get3A_8 = arith.constant 0 : index
    %get3A_9 = vector.load %arg2[%get3A_5, %get3A_6, %get3A_7, %get3A_8] : memref<1x1x1000x64xf32, #tpu.memory_space<vmem>>, vector<1x1x1000x64xf32>
    %get3A_10 = vector.shape_cast %get3A_9 : vector<1x1x1000x64xf32> to vector<1000x64xf32>
    %add3A = arith.addf %get3A_4, %get3A_10 : vector<1000x64xf32>
    %get3A_11 = arith.constant 0 : index
    %get3A_12 = arith.constant 0 : index
    %get3A_13 = arith.constant 0 : index
    %get3A_14 = arith.constant 0 : index
    %get3A_15 = vector.load %arg3[%get3A_11, %get3A_12, %get3A_13, %get3A_14] : memref<1x1x1000x64xf32, #tpu.memory_space<vmem>>, vector<1x1x1000x64xf32>
    %get3A_16 = vector.shape_cast %get3A_15 : vector<1x1x1000x64xf32> to vector<1000x64xf32>
    %get3A_17 = arith.constant 0 : index
    %get3A_18 = arith.constant 0 : index
    %get3A_19 = arith.constant 0 : index
    %get3A_20 = arith.constant 0 : index
    %get3A_21 = vector.load %arg4[%get3A_17, %get3A_18, %get3A_19, %get3A_20] : memref<1x1x1000x64xf32, #tpu.memory_space<vmem>>, vector<1x1x1000x64xf32>
    %get3A_22 = vector.shape_cast %get3A_21 : vector<1x1x1000x64xf32> to vector<1000x64xf32>
    %add3A_23 = arith.addf %get3A_16, %get3A_22 : vector<1000x64xf32>
    %get3A_24 = arith.constant 0 : index
    %get3A_25 = arith.constant 0 : index
    %get3A_26 = arith.constant 0 : index
    %get3A_27 = vector.load %arg5[%get3A_24, %get3A_25, %get3A_26] : memref<1x1000x16xf32, #tpu.memory_space<vmem>>, vector<1x1000x16xf32>
    %get3A_28 = vector.shape_cast %get3A_27 : vector<1x1000x16xf32> to vector<1000x16xf32>
    %slice3A = vector.extract_strided_slice %get3A_28 {offsets = [0, 0], sizes = [1000, 1], strides = [1, 1]} : vector<1000x16xf32> to vector<1000x1xf32>
    %get3A_29 = arith.constant 0 : index
    %get3A_30 = arith.constant 0 : index
    %get3A_31 = arith.constant 0 : index
    %get3A_32 = vector.load %arg6[%get3A_29, %get3A_30, %get3A_31] : memref<1x1000x16xf32, #tpu.memory_space<vmem>>, vector<1x1000x16xf32>
    %get3A_33 = vector.shape_cast %get3A_32 : vector<1x1000x16xf32> to vector<1000x16xf32>
    %slice3A_34 = vector.extract_strided_slice %get3A_33 {offsets = [0, 0], sizes = [1000, 1], strides = [1, 1]} : vector<1000x16xf32> to vector<1000x1xf32>
    %add3A_35 = arith.addf %slice3A, %slice3A_34 : vector<1000x1xf32>
    %max3A = arith.constant 1.000000e+00 : f32
    %max3A_36 = vector.broadcast %max3A : f32 to vector<1000x1xf32>
    %max3A_37 = arith.maximumf %add3A_35, %max3A_36 : vector<1000x1xf32>
    %div3A = arith.constant 1.000000e+00 : f32
    %div3A_38 = vector.broadcast %div3A : f32 to vector<1000x1xf32>
    %div3A_39 = arith.divf %div3A_38, %max3A_37 : vector<1000x1xf32>
    %mul3A = vector.broadcast %div3A_39 : vector<1000x1xf32> to vector<1000x64xf32>
    %mul3A_40 = arith.mulf %add3A, %mul3A : vector<1000x64xf32>
    %mul3A_41 = vector.broadcast %div3A_39 : vector<1000x1xf32> to vector<1000x64xf32>
    %mul3A_42 = arith.mulf %add3A_23, %mul3A_41 : vector<1000x64xf32>
    %concatenate3A = tpu.concatenate %mul3A_40, %mul3A_42 in 1 : vector<1000x64xf32>, vector<1000x64xf32> -> vector<1000x128xf32>
    %get3A_43 = arith.constant 0 : index
    %get3A_44 = arith.constant 0 : index
    %get3A_45 = vector.load %arg8[%get3A_43, %get3A_44] : memref<128x128xf32, #tpu.memory_space<vmem>>, vector<128x128xf32>
    %dot_general3A = arith.constant dense<0.000000e+00> : vector<1000x128xf32>
    %dot_general3A_46 = tpu.matmul %concatenate3A, %get3A_45, %dot_general3A {dimension_numbers = #tpu.dot_dimension_numbers<[1], [0], [0], [1], [0, 0, 1, 1], [], []>, transpose_lhs_hint = false} : vector<1000x128xf32>, vector<128x128xf32>, vector<1000x128xf32> -> vector<1000x128xf32>
    %get3A_47 = arith.constant 0 : index
    %get3A_48 = arith.constant 0 : index
    %get3A_49 = vector.load %arg7[%get3A_47, %get3A_48] : memref<1000x128xf32, #tpu.memory_space<vmem>>, vector<1000x128xf32>
    %get3A_50 = arith.constant 0 : index
    %get3A_51 = arith.constant 0 : index
    %get3A_52 = vector.load %arg10[%get3A_50, %get3A_51] : memref<128x128xf32, #tpu.memory_space<vmem>>, vector<128x128xf32>
    %dot_general3A_53 = arith.constant dense<0.000000e+00> : vector<1000x128xf32>
    %dot_general3A_54 = tpu.matmul %get3A_49, %get3A_52, %dot_general3A_53 {dimension_numbers = #tpu.dot_dimension_numbers<[1], [0], [0], [1], [0, 0, 1, 1], [], []>, transpose_lhs_hint = false} : vector<1000x128xf32>, vector<128x128xf32>, vector<1000x128xf32> -> vector<1000x128xf32>
    %add3A_55 = arith.addf %dot_general3A_46, %dot_general3A_54 : vector<1000x128xf32>
    %get3A_56 = arith.constant 0 : index
    %get3A_57 = arith.constant 0 : index
    %get3A_58 = vector.load %arg9[%get3A_56, %get3A_57] : memref<1x128xf32, #tpu.memory_space<vmem>>, vector<1x128xf32>
    %add3A_59 = vector.broadcast %get3A_58 : vector<1x128xf32> to vector<1000x128xf32>
    %add3A_60 = arith.addf %add3A_55, %add3A_59 : vector<1000x128xf32>
    %gt3A = arith.constant 0.000000e+00 : f32
    %gt3A_61 = vector.broadcast %gt3A : f32 to vector<1000x128xf32>
    %gt3A_62 = arith.cmpf ogt, %add3A_60, %gt3A_61 : vector<1000x128xf32>
    %get3A_63 = arith.constant 0 : index
    %get3A_64 = arith.constant 0 : index
    %get3A_65 = vector.load %arg11[%get3A_63, %get3A_64] : memref<1x128xf32, #tpu.memory_space<vmem>>, vector<1x128xf32>
    %mul3A_66 = vector.broadcast %get3A_65 : vector<1x128xf32> to vector<1000x128xf32>
    %mul3A_67 = arith.mulf %mul3A_66, %add3A_60 : vector<1000x128xf32>
    %select_n3A = arith.select %gt3A_62, %add3A_60, %mul3A_67 : vector<1000x128xi1>, vector<1000x128xf32>
    %swap3A = arith.constant 0 : index
    %swap3A_68 = arith.constant 0 : index
    %swap3A_69 = vector.load %arg12[%swap3A, %swap3A_68] : memref<1000x128xf32, #tpu.memory_space<vmem>>, vector<1000x128xf32>
    tpu.vector_store %arg12[%swap3A, %swap3A_68], %select_n3A {strides = array<i32>} : memref<1000x128xf32, #tpu.memory_space<vmem>>, vector<1000x128xf32>,
    return
  }
  func.func @transform_0(%arg0: i32) -> (i32, i32, i32, i32) {
    %c0_i32 = arith.constant 0 : i32
    %c0_i32_0 = arith.constant 0 : i32
    %c0_i32_1 = arith.constant 0 : i32
    %c0_i32_2 = arith.constant 0 : i32
    return %c0_i32, %c0_i32_0, %arg0, %c0_i32_1 : i32, i32, i32, i32
  }
  func.func @transform_1(%arg0: i32) -> (i32, i32, i32, i32) {
    %c0_i32 = arith.constant 0 : i32
    %c1_i32 = arith.constant 1 : i32
    %c0_i32_0 = arith.constant 0 : i32
    %c0_i32_1 = arith.constant 0 : i32
    return %c0_i32, %c1_i32, %arg0, %c0_i32_0 : i32, i32, i32, i32
  }
  func.func @transform_2(%arg0: i32) -> (i32, i32, i32, i32) {
    %c1_i32 = arith.constant 1 : i32
    %c0_i32 = arith.constant 0 : i32
    %c0_i32_0 = arith.constant 0 : i32
    %c0_i32_1 = arith.constant 0 : i32
    return %c1_i32, %c0_i32, %arg0, %c0_i32_0 : i32, i32, i32, i32
  }
  func.func @transform_3(%arg0: i32) -> (i32, i32, i32, i32) {
    %c1_i32 = arith.constant 1 : i32
    %c1_i32_0 = arith.constant 1 : i32
    %c0_i32 = arith.constant 0 : i32
    %c0_i32_1 = arith.constant 0 : i32
    return %c1_i32, %c1_i32_0, %arg0, %c0_i32 : i32, i32, i32, i32
  }
  func.func @transform_4(%arg0: i32) -> (i32, i32, i32) {
    %c0_i32 = arith.constant 0 : i32
    %c0_i32_0 = arith.constant 0 : i32
    %c0_i32_1 = arith.constant 0 : i32
    return %c0_i32, %arg0, %c0_i32_0 : i32, i32, i32
  }
  func.func @transform_5(%arg0: i32) -> (i32, i32, i32) {
    %c1_i32 = arith.constant 1 : i32
    %c0_i32 = arith.constant 0 : i32
    %c0_i32_0 = arith.constant 0 : i32
    return %c1_i32, %arg0, %c0_i32 : i32, i32, i32
  }
  func.func @transform_6(%arg0: i32) -> (i32, i32) {
    %c0_i32 = arith.constant 0 : i32
    %c0_i32_0 = arith.constant 0 : i32
    return %arg0, %c0_i32 : i32, i32
  }
  func.func @transform_7(%arg0: i32) -> (i32, i32) {
    %c0_i32 = arith.constant 0 : i32
    %c0_i32_0 = arith.constant 0 : i32
    %c0_i32_1 = arith.constant 0 : i32
    return %c0_i32, %c0_i32_0 : i32, i32
  }
  func.func @transform_8(%arg0: i32) -> (i32, i32) {
    %c0_i32 = arith.constant 0 : i32
    %c0_i32_0 = arith.constant 0 : i32
    %c0_i32_1 = arith.constant 0 : i32
    return %c0_i32, %c0_i32_0 : i32, i32
  }
  func.func @transform_9(%arg0: i32) -> (i32, i32) {
    %c0_i32 = arith.constant 0 : i32
    %c0_i32_0 = arith.constant 0 : i32
    %c0_i32_1 = arith.constant 0 : i32
    return %c0_i32, %c0_i32_0 : i32, i32
  }
  func.func @transform_10(%arg0: i32) -> (i32, i32) {
    %c0_i32 = arith.constant 0 : i32
    %c0_i32_0 = arith.constant 0 : i32
    %c0_i32_1 = arith.constant 0 : i32
    return %c0_i32, %c0_i32_0 : i32, i32
  }
  func.func @transform_11(%arg0: i32) -> (i32, i32) {
    %c0_i32 = arith.constant 0 : i32
    %c0_i32_0 = arith.constant 0 : i32
    return %arg0, %c0_i32 : i32, i32
  }
}

</mosaic_0001>

<sc_bundles>
// kernel: kernel.12.cloned.1.call-start
scs
__scs_entry_jumppad:
0x0: {  	(pc) =	sbr.rel $0x88, $3  }
0x1: {  	(tag) =	ssettag $0x0;
	lr =	simm.s32 $0x1  }
0x2: {  	[smem:$0x3F93] =	sst lr;
	_ =	strace $0xD0000000  }
0x3: {  	_ = 	snop  }
0x4: {  	_ = 	snop  }
0x5: {  	_ = 	snop  }
0x6: {  	_ = 	snop  }
0x7: {  	_ = 	snop  }
__scs_overlays_trampoline_lowered:
0x8: {  	[smem:$0x3FA2] =	sst s0  }
0x9: {  	[smem:$0x3FA3] =	sst s1  }
0xa: {  	[smem:$0x3FA4] =	sst s2  }
0xb: {  	[smem:$0x3FA5] =	sst s3  }
0xc: {  	[smem:$0x3FA6] =	sst s4  }
0xd: {  	[smem:$0x3FA7] =	sst s5  }
0xe: {  	[smem:$0x3FA8] =	sst s6  }
0xf: {  	[smem:$0x3FA9] =	sst s7  }
0x10: {  	[smem:$0x3FAA] =	sst s8  }
0x11: {  	[smem:$0x3FAB] =	sst s9;
	s0 =	simm.s32 @!p0 $0x0  }
0x12: {  	s1 =	sld [smem:$0x3F91];
	s0 =	simm.s32 @p0 $0x1  }
0x13: {  	[smem:$0x3FAC] =	sst s0;
	s0 =	simm.s32 @!p1 $0x0  }
0x14: {  	s2 =	sld [smem:$0x3F90];
	s0 =	simm.s32 @p1 $0x1  }
0x15: {  	[smem:$0x3FAD] =	sst s0;
	s0 =	simm.s32 @!p2 $0x0  }
0x16: {  	s3 =	sld [smem:$0x3FDB];
	s0 =	simm.s32 @p2 $0x1  }
0x17: {  	s4 =	simm.s32 $0x1BF5;
	[smem:$0x3FAF] =	sst s0  }
0x18: {  	s0 =	sld [smem:$0x3F92];
	_ =	swait.ge [sflag:s4], $0x0  }
0x19: {  	s7 =	sld [smem:$0x3F93]  }
0x1a: {  	s8 =	sadd.s32 $0xFFFFE003, lr  }
0x1b: {  	s9 =	sadd.s32 $0xFFFFFEF7, lr;
	s5 =	simm.s32 $0xFFFFFFFF;
	p2 =	slt.u32 s8, $0xFFFFF086  }
0x1c: {  	p1 =	slt.u32 s9, $0xF7A;
	s5 =	simm.s32 @!p2 $0x0  }
0x1d: {  	s5 =	simm.s32 @p1 $0x1;
	p0 =	seq.s32 s7, s2  }
0x1e: {  	s7 =	smul.u32 @!p0 $0xF7A, s2;
	p2 =	seq.s32 @!p0 s5, $0x0  }
0x1f: {  	s9 =	smul.u32 $0xF7A, s1;
	s8 =	simm.s32 @!p0 $0x1BF5;
	p2 =	por !p2, p0  }
0x20: {  	[sflag:s8] =	ssyncset.s32 @!p0 $0xFFFFF086;
	s6 =	sadd.s32 @!p0 s3, s7;
	s7 =	simm.s32 @!p0 $0x108  }
0x21: {  	s3 =	sadd.s32 s3, s9;
	s6 =	sadd.s32 @!p0 $0x88, s6;
	s7 =	simm.s32 @p2 $0x1082  }
0x22: {  	[simem:s7], [sflag:s8] =	dma.local @!p0 [hbm:s6], $0xF7A  }
0x23: {  	s9 =	sor.u32 $0xD0000000, s2;
	s6 =	simm.s32 $0x108;
	_ =	swait.ge @!p0 [sflag:s8], $0x0  }
0x24: {  	s3 =	sadd.s32 $0x88, s3;
	s6 =	simm.s32 @!p1 $0x1082;
	[sflag:s4] =	ssyncset.s32 $0xFFFFF086  }
0x25: {  	[simem:s6], [sflag:s4] =	dma.local [hbm:s3], $0xF7A  }
0x26: {  	[smem:$0x3F93] =	sst s1;
	(tag) =	ssettag s2;
	_ =	strace s9  }
0x27: {  	s1 =	sld [smem:$0x3FA3]  }
0x28: {  	s2 =	sld [smem:$0x3FA4]  }
0x29: {  	s4 =	sld [smem:$0x3FA6]  }
0x2a: {  	p0 =	seq.s32 s5, $0x0;
	s5 =	sld [smem:$0x3FA7]  }
0x2b: {  	s6 =	sld [smem:$0x3FA8]  }
0x2c: {  	s7 =	sld [smem:$0x3FA9]  }
0x2d: {  	s3 =	simm.s32 $0x108;
	s8 =	sld [smem:$0x3FAA]  }
0x2e: {  	s3 =	simm.s32 @!p0 $0x1082;
	s9 =	sld [smem:$0x3FAB]  }
0x2f: {  	lr =	sadd.s32 s0, s3;
	s0 =	sld [smem:$0x3FA2]  }
0x30: {  	s3 =	sld [smem:$0x3FA5]  }
0x31: {  	[smem:$0x3FAE] =	sst s10  }
0x32: {  	s10 =	sld [smem:$0x3FAC];
	_ =	sdelay $0x3  }
0x33: {  	p0 =	seq.s32 s10, $0x1;
	s10 =	sld [smem:$0x3FAE];
	_ =	sdelay $0x3  }
0x34: {  	[smem:$0x3FAE] =	sst s10  }
0x35: {  	s10 =	sld [smem:$0x3FAD];
	_ =	sdelay $0x3  }
0x36: {  	p1 =	seq.s32 s10, $0x1;
	s10 =	sld [smem:$0x3FAE];
	_ =	sdelay $0x3  }
0x37: {  	[smem:$0x3FAE] =	sst s10  }
0x38: {  	s10 =	sld [smem:$0x3FAF]  }
0x39: {  	_ = 	snop;
	(pc) =	sbr.ind lr, $3  }
0x3a: {  	_ = 	snop  }
0x3b: {  	_ = 	snop  }
0x3c: {  	p2 =	seq.s32 s10, $0x1;
	s10 =	sld [smem:$0x3FAE]  }
0x3d: {  	_ =	shalt  }
0x3e: {  	_ =	shalt  }
0x3f: {  	_ =	shalt  }
0x40: {  	_ =	shalt  }
0x41: {  	_ =	shalt  }
0x42: {  	_ =	shalt  }
0x43: {  	_ =	shalt  }
0x44: {  	_ =	shalt  }
0x45: {  	_ =	shalt  }
0x46: {  	_ =	shalt  }
0x47: {  	_ =	shalt  }
0x48: {  	_ =	shalt  }
0x49: {  	_ =	shalt  }
0x4a: {  	_ =	shalt  }
0x4b: {  	_ =	shalt  }
0x4c: {  	_ =	shalt  }
0x4d: {  	_ =	shalt  }
0x4e: {  	_ =	shalt  }
0x4f: {  	_ =	shalt  }
0x50: {  	_ =	shalt  }
0x51: {  	_ =	shalt  }
0x52: {  	_ =	shalt  }
0x53: {  	_ =	shalt  }
0x54: {  	_ =	shalt  }
0x55: {  	_ =	shalt  }
0x56: {  	_ =	shalt  }
0x57: {  	_ =	shalt  }
0x58: {  	_ =	shalt  }
0x59: {  	_ =	shalt  }
0x5a: {  	_ =	shalt  }
0x5b: {  	_ =	shalt  }
0x5c: {  	_ =	shalt  }
0x5d: {  	_ =	shalt  }
0x5e: {  	_ =	shalt  }
0x5f: {  	_ =	shalt  }
0x60: {  	_ =	shalt  }
0x61: {  	_ =	shalt  }
0x62: {  	_ =	shalt  }
0x63: {  	_ =	shalt  }
0x64: {  	_ =	shalt  }
0x65: {  	_ =	shalt  }
0x66: {  	_ =	shalt  }
0x67: {  	_ =	shalt  }
0x68: {  	_ =	shalt  }
0x69: {  	_ =	shalt  }
0x6a: {  	_ =	shalt  }
0x6b: {  	_ =	shalt  }
0x6c: {  	_ =	shalt  }
0x6d: {  	_ =	shalt  }
0x6e: {  	_ =	shalt  }
0x6f: {  	_ =	shalt  }
0x70: {  	_ =	shalt  }
0x71: {  	_ =	shalt  }
0x72: {  	_ =	shalt  }
0x73: {  	_ =	shalt  }
0x74: {  	_ =	shalt  }
0x75: {  	_ =	shalt  }
0x76: {  	_ =	shalt  }
0x77: {  	_ =	shalt  }
0x78: {  	_ =	shalt  }
0x79: {  	_ =	shalt  }
0x7a: {  	_ =	shalt  }
0x7b: {  	_ =	shalt  }
0x7c: {  	_ =	shalt  }
0x7d: {  	_ =	shalt  }
0x7e: {  	_ =	shalt  }
0x7f: {  	_ =	shalt  }
0x80: {  	_ =	shalt  }
0x81: {  	_ =	shalt  }
0x82: {  	_ =	shalt  }
0x83: {  	_ =	shalt  }
0x84: {  	_ =	shalt  }
0x85: {  	_ =	shalt  }
0x86: {  	_ =	shalt  }
0x87: {  	_ =	shalt  }
.Lfunc_end0:
.L_simem_size_0:
called_computation.1_lowered:
.L_overlay_start_0:
0x88: {  	s2 =	sld [smem:$0x3FD9]  }
0x89: {  	s3 =	sld [smem:$0x3FFE];
	_ =	sdelay $0x1  }
0x8a: {  	s1 =	srdreg.scid  }
0x8b: {  	s0 =	sand.u32 $0x1, s1  }
0x8c: {  	s17 =	sshll.u32 s0, $0xA;
	s2 =	sadd.s32 s3, s2  }
0x8d: {  	s2 =	sadd.s32 s2, s17  }
0x8e: {  	[smem:$0x3FBA] =	sst s2  }
0x8f: {  	_ = 	snop  }
0x90: {  	s2 =	sld [smem:$0x3FD0];
	(tm) =	ssettm $0x1  }
0x91: {  	s18 =	sld [smem:$0x3FFB];
	_ =	sdelay $0x3  }
0x92: {  	_ =	strace s18  }
0x93: {  	s3 =	sld [smem:$0x3FFC];
	_ =	sdelay $0x3  }
0x94: {  	_ =	strace s3  }
0x95: {  	s3 =	sld [smem:$0x3FFD];
	_ =	sdelay $0x3  }
0x96: {  	_ =	strace s3  }
0x97: {  	_ =	strace $0x8FFFFFFF  }
0x98: {  	s19 =	sld [smem:$0x3FDB];
	_ =	sdelay $0x1  }
0x99: {  	s4 =	simm.s32 $_scs_section_size  }
0x9a: {  	s5 =	simm.s32 $_size__tile_overlayer_lowered;
	s6 =	simm.s32 $_tile_overlayer_lowered  }
0x9b: {  	s22 =	simm.s32 $0x1BFF;
	s21 =	sshll.u32 s6, $0x1;
	s3 =	sadd.s32 s4, s19  }
0x9c: {  	s7 =	simm.s32 $0x0;
	s20 =	sshll.u32 s5, $0x1;
	s5 =	sadd.s32 s21, s3  }
0x9d: {  	[timem:s7], [sflag:s22] =	dma.local [hbm:s5], s20  }
0x9e: {  	_ =	swait.ge [sflag:s22], s20  }
0x9f: {  	s4 =	ssub.s32 $0x0, s20;
	[sflag:s22] =	ssyncset.done $0x0  }
0xa0: {  	[sflag:s22] =	ssyncadd.s32 s4;
	_ =	sdelay $0x1  }
0xa1: {  	s23 =	simm.s32 $0x1B8B  }
0xa2: {  	_ =	swait.ge [sflag:s23], $0x1  }
0xa3: {  	[sflag:s23] =	ssyncset.done $0x0  }
0xa4: {  	s25 =	simm.s32 $0x1B8E;
	s24 =	sld [smem:$0x3FFE];
	[sflag:s23] =	ssyncadd.s32 $0xFFFFFFFF  }
0xa5: {  	s26 =	simm.s32 $execute0_lowered;
	[smem:$0x3FD2] =	sst s25  }
0xa6: {  	s5 =	sshll.u32 s26, $0x1;
	_ =	strace $0x80000046;
	[dreg:$0x1] =	wrdreg $0xFFFFFFFF  }
0xa7: {  	s28 =	simm.s32 $_size_execute0_lowered;
	s3 =	sadd.s32 s3, s5;
	[dreg:$0x0] =	wrdreg $0x0  }
0xa8: {  	s5 =	sshll.u32 s28, $0x1;
	[dreg:$0x2] =	wrdreg s3  }
0xa9: {  	[dreg:$0x3] =	wrdreg s5  }
0xaa: {  	[dreg:$0x4] =	wrdreg $0xC0  }
0xab: {  	_ =	task [dreg:s7], $0x5FFFF  }
0xac: {  	[dreg:$0x1] =	wrdreg $0xFFFFFFFF  }
0xad: {  	[dreg:$0x0] =	wrdreg $0x60  }
0xae: {  	[dreg:$0x2] =	wrdreg s2  }
0xaf: {  	[dreg:$0x3] =	wrdreg s24  }
0xb0: {  	[dreg:$0x4] =	wrdreg $0x9B000  }
0xb1: {  	[dreg:$0x5] =	wrdreg $0xA  }
0xb2: {  	_ =	task.clear_ibuf [dreg:s7], $0x6FFFF;
	_ =	strace $0x90000046  }
0xb3: {  	s29 =	simm.s32 $0xA;
	_ =	strace $0x80000048  }
0xb4: {  	_ =	swait.ge [sflag:s29], $0x1  }
0xb5: {  	[sflag:s29] =	ssyncadd.s32 $0xFFFFFFFF  }
0xb6: {  	_ =	strace $0x90000048  }
0xb7: {  	_ =	sfence  }
0xb8: {  	s30 =	sld [smem:$0x0];
	_ =	sdelay $0x2  }
0xb9: {  	s31 =	sshll.u32 s1, $0xD;
	s1 =	sshrl.u32 s1, $0x2  }
0xba: {  	s3 =	sand.u32 $0x4000, s31;
	s1 =	sadd.s32 s1, s30  }
0xbb: {  	s0 =	sor.u32 s3, s0;
	s1 =	sshll.u32 s1, $0x11  }
0xbc: {  	s0 =	sor.u32 s1, s0  }
0xbd: {  	s0 =	sadd.s32 $0x8F2B, s0  }
0xbe: {  	[sflag:s0] =	ssyncadd.remote.s32 $0x1  }
0xbf: {  	_ =	sfence.sel $0xFFFF  }
0xc0: {  	[dreg:$0x0] =	wrdreg $0xFFFFFFFF;
	(pc) =	sbr.abs _section_cstart, $3  }
0xc1: {  	[dreg:$0x1] =	wrdreg $0xFFFFFFFF  }
0xc2: {  	_ =	task.clear_ibuf [dreg:s7], $0x2FFFF;
	_ =	strace $0x9FFFFFFF  }
0xc3: {  	(tm) =	ssettm $0x7FFFFFFF  }
tec
execute0_lowered:
.L_overlay_start_1:
0x0: {  	(tag) =	ssettag $0x1  }
0x1: {  	s1 =	rddreg [dreg:$0x0]  }
0x2: {  	s7 =	rddreg [dreg:$0x1]  }
0x3: {  	s0 =	srdreg.scid;
	s3 =	simm.s32 $0x5B;
	s4 =	rddreg [dreg:$0x2]  }
0x4: {  	s2 =	rddreg [dreg:$0x3];
	s5 =	simm.s32 $0x0;
	s17 =	simm.s32 $0x2  }
0x5: {  	s18 =	simm.s32 $0x7B00;
	s19 =	simm.s32 $0x80;
	s8 =	sand.u32 $0x1, s0  }
0x6: {  	s20 =	simm.s32 $0x5B00;
	s0 =	stileid.u32;
	s9 =	smul.u32 $0x2D800, s8  }
0x7: {  	s21 =	simm.s32 $0x1;
	s22 =	simm.s32 $0x0;
	s10 =	smul.u32 $0xA000, s0  }
0x8: {  	[smem:$0x7FF] =	sst s5;
	p0 =	seq.s32 s8, $0x0;
	s12 =	smul.u32 $0xA0000, s8  }
0x9: {  	s29 =	smul.u32 $0x28000, s0;
	s8 =	ssub.s32 $0x2, s8;
	s3 =	simm.s32 @!p0 $0x42  }
0xa: {  	_ =	strace $0x80000047;
	s30 =	sshrl.u32 s8, $0x1;
	s6 =	smul.u32 s3, s0  }
0xb: {  	s28 =	sadd.s32 s10, s12;
	s31 =	sshrl.u32 s29, $0x2;
	s16 =	ssub.s32 s8, s30  }
0xc: {  	s13 =	sadd.s32 s31, s4;
	s16 =	smax.u32 s16, $0x1;
	s11 =	sshll.u32 s6, $0x7  }
0xd: {  	s6 =	sadd.s32 $0x2800, s7;
	s9 =	sadd.s32 s9, s11;
	s11 =	sshrl.u32 s28, $0x3  }
0xe: {  	s12 =	sadd.s32 $0x6000, s13;
	s9 =	sshrl.u32 s9, $0x3;
	s15 =	sadd.s32 s11, s7  }
0xf: {  	s11 =	sadd.s32 $0x4000, s13;
	s9 =	sadd.s32 s9, s7;
	s14 =	sadd.s32 $0x2AA00, s15  }
0x10: {  	s15 =	sadd.s32 $0x52A00, s15;
	s7 =	sadd.s32 $0x20600, s9;
	s8 =	sadd.s32 $0x16200, s9  }
0x11: {  	v0 =	vimm.f32 $0.0e+00;
	s9 =	sadd.s32 s10, s4;
	s10 =	sadd.s32 $0x2000, s13;
	s13 =	sadd.s32 $0x8000, s13  }
.LBB2_1:
0x12: {  	s23 =	sand.u32 $0x7F00, s5  }
0x13: {  	s24 =	sand.u32 $0x30, s5;
	s25 =	sshrl.u32 s23, $0x2  }
0x14: {  	s23 =	simm.s32 $0x40;
	s25 =	sor.u32 s24, s25;
	s24 =	simm.s32 $0x0  }
.LBB2_2:
0x15: {  	p0 =	sne.s32 s23, $0x7FC0  }
0x16: {  	[tilespmem:s25+$0x7B00] =	vst v0;
	s24 =	sadd.s32 $0x10, s24;
	s25 =	smov.u32 s23;
	s23 =	sadd.s32 $0x40, s23  }
.Ltmp0:
0x17: {  	(pc) =	sbr.rel @p0 .LBB2_2-.Ltmp0, $4  }
0x18: {  	_ = 	snop  }
0x19: {  	s25 =	sand.u32 $0x7F00, s25  }
0x1a: {  	s26 =	sand.u32 $0x30, s24;
	s25 =	sshrl.u32 s25, $0x2  }
0x1b: {  	s25 =	sor.u32 s26, s25  }
0x1c: {  	[tilespmem:s25+$0x7B00] =	vst v0;
	s23 =	simm.s32 $0x0  }
0x1d: {  	[tilespmem:s23], [sflag:$0x2] =	stream.linear.gather [hbm4b:s7+s23], $0x2D80, $0x38;
	[tilespmem:$0x13B00] =	vst v63  }
0x1e: {  	_ =	swait.ge [sflag:s17], $0x2D80  }
0x1f: {  	[sflag:s17] =	ssyncset.done $0x0  }
0x20: {  	s24 =	simm.s32 $0x2D80;
	[sflag:s17] =	ssyncadd.s32 $0xFFFFD280  }
0x21: {  	[tilespmem:s24], [sflag:$0x2] =	stream.linear.gather [hbm4b:s8+s23], $0x2D80, $0x38;
	[tilespmem:$0x13B00] =	vst v63  }
0x22: {  	_ =	swait.ge [sflag:s17], $0x2D80  }
0x23: {  	[sflag:s17] =	ssyncset.done $0x0  }
0x24: {  	[sflag:s17] =	ssyncadd.s32 $0xFFFFD280  }
0x25: {  	[spmem:s9] =	stream.linear.scatter [tilespmem:s18], [sflag:$0x2], $0x2000, $0x38;
	[tilespmem:$0x13B00] =	vst v63  }
0x26: {  	_ =	swait.ge [sflag:s17], $0x2000  }
0x27: {  	[sflag:s17] =	ssyncset.done $0x0  }
0x28: {  	[sflag:s17] =	ssyncadd.s32 $0xFFFFE000  }
0x29: {  	[spmem:s10] =	stream.linear.scatter [tilespmem:s18], [sflag:$0x2], $0x2000, $0x38;
	[tilespmem:$0x13B00] =	vst v63  }
0x2a: {  	_ =	swait.ge [sflag:s17], $0x2000  }
0x2b: {  	[sflag:s17] =	ssyncset.done $0x0  }
0x2c: {  	[sflag:s17] =	ssyncadd.s32 $0xFFFFE000  }
0x2d: {  	[spmem:s11] =	stream.linear.scatter [tilespmem:s18], [sflag:$0x2], $0x2000, $0x38;
	[tilespmem:$0x13B00] =	vst v63  }
0x2e: {  	_ =	swait.ge [sflag:s17], $0x2000  }
0x2f: {  	[sflag:s17] =	ssyncset.done $0x0  }
0x30: {  	[sflag:s17] =	ssyncadd.s32 $0xFFFFE000  }
0x31: {  	[spmem:s12] =	stream.linear.scatter [tilespmem:s18], [sflag:$0x2], $0x2000, $0x38;
	[tilespmem:$0x13B00] =	vst v63  }
0x32: {  	_ =	swait.ge [sflag:s17], $0x2000  }
0x33: {  	[sflag:s17] =	ssyncset.done $0x0  }
0x34: {  	[sflag:s17] =	ssyncadd.s32 $0xFFFFE000  }
0x35: {  	[spmem:s13] =	stream.linear.scatter [tilespmem:s18], [sflag:$0x2], $0x2000, $0x38;
	[tilespmem:$0x13B00] =	vst v63  }
0x36: {  	_ =	swait.ge [sflag:s17], $0x2000  }
0x37: {  	[sflag:s17] =	ssyncset.done $0x0  }
0x38: {  	[sflag:s17] =	ssyncadd.s32 $0xFFFFE000  }
0x39: {  	[bflag:$0x0] =	sbarrier.arrive $0xFFFF  }
0x3a: {  	[tilespmem:s20], [sflag:$0x1] =	stream.indirect.gather [hbm4b:s1+s19], $0x40, s23, s19, $0xb8;
	[tilespmem:$0x13B00] =	vst v63  }
0x3b: {  	p0 =	sne.s32 s3, $0x1;
	_ =	swait.ge [sflag:s21], $0x2000  }
.Ltmp1:
0x3c: {  	[sflag:s21] =	ssyncset.done $0x0;
	(pc) =	sbr.rel @!p0 .LBB2_5-.Ltmp1, $4  }
0x3d: {  	[sflag:s21] =	ssyncadd.s32 $0xFFFFE000  }
0x3e: {  	[spmem:s4] =	stream.indirect.scatter.add.f32 [tilespmem:s20], [sflag:$0x2], $0x40, s24, s19, $0xb8;
	[tilespmem:$0x13B00] =	vst v63  }
0x3f: {  	s25 =	sadd.s32 $0xFFFFFFFF, s3;
	_ =	swait.ge [sflag:s17], $0x2000  }
0x40: {  	s26 =	simm.s32 $0x0;
	s28 =	simm.s32 $0x2D80;
	[sflag:s17] =	ssyncset.done $0x0  }
.LBB2_4:
0x41: {  	[sflag:s17] =	ssyncadd.s32 $0xFFFFE000;
	s26 =	sadd.s32 $0x80, s26;
	s28 =	sadd.s32 $0x80, s28  }
0x42: {  	[tilespmem:s20], [sflag:$0x1] =	stream.indirect.gather [hbm4b:s1+s19], $0x40, s26, s19, $0xb8;
	[tilespmem:$0x13B00] =	vst v63  }
0x43: {  	p1 =	sne.s32 s25, $0x1;
	s25 =	sadd.s32 $0xFFFFFFFF, s25;
	_ =	swait.ge [sflag:s21], $0x2000  }
.Ltmp2:
0x44: {  	[sflag:s21] =	ssyncset.done $0x0;
	(pc) =	sbr.rel @p1 .LBB2_4-.Ltmp2, $4  }
0x45: {  	[sflag:s21] =	ssyncadd.s32 $0xFFFFE000  }
0x46: {  	[spmem:s4] =	stream.indirect.scatter.add.f32 [tilespmem:s20], [sflag:$0x2], $0x40, s28, s19, $0xb8;
	[tilespmem:$0x13B00] =	vst v63  }
0x47: {  	_ =	swait.ge [sflag:s17], $0x2000  }
0x48: {  	[sflag:s17] =	ssyncset.done $0x0  }
.LBB2_5:
0x49: {  	[sflag:s17] =	ssyncadd.s32 $0xFFFFE000;
	s25 =	sshll.u32 s0, $0x6  }
0x4a: {  	s26 =	sshrl.u32 s9, $0x3;
	[bflag:$0x0] =	sbarrier.arrive $0xFFFF;
	s25 =	sor.u32 $0x1C02, s25  }
0x4b: {  	[hbm:s14], [sflag:s25] =	dma.local [spmem:s26], $0x1400  }
0x4c: {  	_ =	swait.ge [sflag:s17], $0x1400  }
0x4d: {  	[sflag:s17] =	ssyncset.done $0x0  }
0x4e: {  	[sflag:s17] =	ssyncadd.s32 $0xFFFFEC00  }
0x4f: {  	[spmem:s9] =	stream.linear.scatter [tilespmem:s18], [sflag:$0x2], $0x2000, $0x38;
	[tilespmem:$0x13B00] =	vst v63  }
0x50: {  	_ =	swait.ge [sflag:s17], $0x2000  }
0x51: {  	[sflag:s17] =	ssyncset.done $0x0  }
0x52: {  	[sflag:s17] =	ssyncadd.s32 $0xFFFFE000  }
0x53: {  	[spmem:s10] =	stream.linear.scatter [tilespmem:s18], [sflag:$0x2], $0x2000, $0x38;
	[tilespmem:$0x13B00] =	vst v63  }
0x54: {  	_ =	swait.ge [sflag:s17], $0x2000  }
0x55: {  	[sflag:s17] =	ssyncset.done $0x0  }
0x56: {  	[sflag:s17] =	ssyncadd.s32 $0xFFFFE000  }
0x57: {  	[spmem:s11] =	stream.linear.scatter [tilespmem:s18], [sflag:$0x2], $0x2000, $0x38;
	[tilespmem:$0x13B00] =	vst v63  }
0x58: {  	_ =	swait.ge [sflag:s17], $0x2000  }
0x59: {  	[sflag:s17] =	ssyncset.done $0x0  }
0x5a: {  	[sflag:s17] =	ssyncadd.s32 $0xFFFFE000  }
0x5b: {  	[spmem:s12] =	stream.linear.scatter [tilespmem:s18], [sflag:$0x2], $0x2000, $0x38;
	[tilespmem:$0x13B00] =	vst v63  }
0x5c: {  	_ =	swait.ge [sflag:s17], $0x2000  }
0x5d: {  	[sflag:s17] =	ssyncset.done $0x0  }
0x5e: {  	[sflag:s17] =	ssyncadd.s32 $0xFFFFE000  }
0x5f: {  	[spmem:s13] =	stream.linear.scatter [tilespmem:s18], [sflag:$0x2], $0x2000, $0x38;
	[tilespmem:$0x13B00] =	vst v63  }
0x60: {  	_ =	swait.ge [sflag:s17], $0x2000  }
0x61: {  	[sflag:s17] =	ssyncset.done $0x0  }
0x62: {  	[sflag:s17] =	ssyncadd.s32 $0xFFFFE000  }
0x63: {  	[bflag:$0x0] =	sbarrier.arrive $0xFFFF  }
0x64: {  	[tilespmem:s20], [sflag:$0x1] =	stream.indirect.gather [hbm4b:s6+s19], $0x40, s23, s19, $0xb8;
	[tilespmem:$0x13B00] =	vst v63  }
0x65: {  	_ =	swait.ge [sflag:s21], $0x2000  }
.Ltmp3:
0x66: {  	[sflag:s21] =	ssyncset.done $0x0;
	(pc) =	sbr.rel @!p0 .LBB2_7-.Ltmp3, $4  }
0x67: {  	[sflag:s21] =	ssyncadd.s32 $0xFFFFE000  }
0x68: {  	[spmem:s4] =	stream.indirect.scatter.add.f32 [tilespmem:s20], [sflag:$0x2], $0x40, s24, s19, $0xb8;
	[tilespmem:$0x13B00] =	vst v63  }
0x69: {  	_ =	swait.ge [sflag:s17], $0x2000  }
0x6a: {  	s28 =	sadd.s32 $0xFFFFFFFF, s3;
	[sflag:s17] =	ssyncset.done $0x0  }
.LBB2_6:
0x6b: {  	[sflag:s17] =	ssyncadd.s32 $0xFFFFE000;
	s23 =	sadd.s32 $0x80, s23;
	s24 =	sadd.s32 $0x80, s24  }
0x6c: {  	[tilespmem:s20], [sflag:$0x1] =	stream.indirect.gather [hbm4b:s6+s19], $0x40, s23, s19, $0xb8;
	[tilespmem:$0x13B00] =	vst v63  }
0x6d: {  	p0 =	sne.s32 s28, $0x1;
	s28 =	sadd.s32 $0xFFFFFFFF, s28;
	_ =	swait.ge [sflag:s21], $0x2000  }
.Ltmp4:
0x6e: {  	[sflag:s21] =	ssyncset.done $0x0;
	(pc) =	sbr.rel @p0 .LBB2_6-.Ltmp4, $4  }
0x6f: {  	[sflag:s21] =	ssyncadd.s32 $0xFFFFE000  }
0x70: {  	[spmem:s4] =	stream.indirect.scatter.add.f32 [tilespmem:s20], [sflag:$0x2], $0x40, s24, s19, $0xb8;
	[tilespmem:$0x13B00] =	vst v63  }
0x71: {  	_ =	swait.ge [sflag:s17], $0x2000  }
0x72: {  	[sflag:s17] =	ssyncset.done $0x0  }
.LBB2_7:
0x73: {  	s22 =	sadd.s32 $0x1, s22  }
0x74: {  	[sflag:s17] =	ssyncadd.s32 $0xFFFFE000;
	p0 =	sne.s32 s22, s16  }
.Ltmp5:
0x75: {  	[bflag:$0x0] =	sbarrier.arrive $0xFFFF;
	(pc) =	sbr.rel @p0 .LBB2_1-.Ltmp5, $4  }
0x76: {  	[hbm:s15], [sflag:s25] =	dma.local [spmem:s26], $0x1400  }
0x77: {  	_ =	swait.ge [sflag:s17], $0x1400  }
0x78: {  	[sflag:s17] =	ssyncset.done $0x0  }
0x79: {  	[sflag:s17] =	ssyncadd.s32 $0xFFFFEC00  }
0x7a: {  	_ =	sfence.sel $0x180000  }
0x7b: {  	[bflag:$0x0] =	sbarrier.arrive $0xFFFF  }
0x7c: {  	p0 =	sne.s32 s0, $0x0;
	_ =	strace $0x90000047  }
0x7d: {  	s0 =	sadd.s32 @!p0 $0x100000, s2;
	[bflag:$0x2] =	sbarrier.arrive $0xFFFF  }
0x7e: {  	[sflag:s0] =	ssyncadd.tile.s32 @!p0 $0x1;
	_ =	shalt  }
.Lfunc_end2:
_tile_overlayer_lowered:
.L_overlay_start_2:
0x7f: {  	(tag) =	ssettag $0x2  }
0x80: {  	s0 =	rddreg [dreg:$0x0];
	s2 =	stileid.u32  }
0x81: {  	s1 =	rddreg [dreg:$0x1];
	p0 =	sne.s32 s2, $0x0  }
0x82: {  	s3 =	rddreg [dreg:$0x2];
	[bflag:$0x3] =	sbarrier.arrive $0xFFFF;
	s2 =	simm.s32 @!p0 $0x1C02  }
0x83: {  	[timem:s3], [sflag:s2] =	dma.local @!p0 [hbm:s0], s1  }
0x84: {  	s0 =	simm.s32 @!p0 $0x2  }
0x85: {  	_ =	swait.ge @!p0 [sflag:s0], s1  }
0x86: {  	s1 =	ssub.s32 @!p0 $0x0, s1;
	[sflag:s0] =	ssyncset.done @!p0 $0x0  }
0x87: {  	[sflag:s0] =	ssyncadd.s32 @!p0 s1  }
0x88: {  	[bflag:$0x3] =	sbarrier.arrive $0xFFFF  }
0x89: {  	_ =	shalt  }

// kernel: kernel.15.cloned.1.call-start
scs
__scs_entry_jumppad:
0x0: {  	(pc) =	sbr.rel $0x88, $3  }
0x1: {  	(tag) =	ssettag $0x0;
	lr =	simm.s32 $0x1  }
0x2: {  	[smem:$0x3F93] =	sst lr;
	_ =	strace $0xD0000000  }
0x3: {  	_ = 	snop  }
0x4: {  	_ = 	snop  }
0x5: {  	_ = 	snop  }
0x6: {  	_ = 	snop  }
0x7: {  	_ = 	snop  }
__scs_overlays_trampoline_lowered:
0x8: {  	[smem:$0x3FA2] =	sst s0  }
0x9: {  	[smem:$0x3FA3] =	sst s1  }
0xa: {  	[smem:$0x3FA4] =	sst s2  }
0xb: {  	[smem:$0x3FA5] =	sst s3  }
0xc: {  	[smem:$0x3FA6] =	sst s4  }
0xd: {  	[smem:$0x3FA7] =	sst s5  }
0xe: {  	[smem:$0x3FA8] =	sst s6  }
0xf: {  	[smem:$0x3FA9] =	sst s7  }
0x10: {  	[smem:$0x3FAA] =	sst s8  }
0x11: {  	[smem:$0x3FAB] =	sst s9;
	s0 =	simm.s32 @!p0 $0x0  }
0x12: {  	s1 =	sld [smem:$0x3F91];
	s0 =	simm.s32 @p0 $0x1  }
0x13: {  	[smem:$0x3FAC] =	sst s0;
	s0 =	simm.s32 @!p1 $0x0  }
0x14: {  	s2 =	sld [smem:$0x3F90];
	s0 =	simm.s32 @p1 $0x1  }
0x15: {  	[smem:$0x3FAD] =	sst s0;
	s0 =	simm.s32 @!p2 $0x0  }
0x16: {  	s3 =	sld [smem:$0x3FDB];
	s0 =	simm.s32 @p2 $0x1  }
0x17: {  	s4 =	simm.s32 $0x1BF5;
	[smem:$0x3FAF] =	sst s0  }
0x18: {  	s0 =	sld [smem:$0x3F92];
	_ =	swait.ge [sflag:s4], $0x0  }
0x19: {  	s7 =	sld [smem:$0x3F93]  }
0x1a: {  	s8 =	sadd.s32 $0xFFFFE003, lr  }
0x1b: {  	s9 =	sadd.s32 $0xFFFFFEF7, lr;
	s5 =	simm.s32 $0xFFFFFFFF;
	p2 =	slt.u32 s8, $0xFFFFF086  }
0x1c: {  	p1 =	slt.u32 s9, $0xF7A;
	s5 =	simm.s32 @!p2 $0x0  }
0x1d: {  	s5 =	simm.s32 @p1 $0x1;
	p0 =	seq.s32 s7, s2  }
0x1e: {  	s7 =	smul.u32 @!p0 $0xF7A, s2;
	p2 =	seq.s32 @!p0 s5, $0x0  }
0x1f: {  	s9 =	smul.u32 $0xF7A, s1;
	s8 =	simm.s32 @!p0 $0x1BF5;
	p2 =	por !p2, p0  }
0x20: {  	[sflag:s8] =	ssyncset.s32 @!p0 $0xFFFFF086;
	s6 =	sadd.s32 @!p0 s3, s7;
	s7 =	simm.s32 @!p0 $0x108  }
0x21: {  	s3 =	sadd.s32 s3, s9;
	s6 =	sadd.s32 @!p0 $0x88, s6;
	s7 =	simm.s32 @p2 $0x1082  }
0x22: {  	[simem:s7], [sflag:s8] =	dma.local @!p0 [hbm:s6], $0xF7A  }
0x23: {  	s9 =	sor.u32 $0xD0000000, s2;
	s6 =	simm.s32 $0x108;
	_ =	swait.ge @!p0 [sflag:s8], $0x0  }
0x24: {  	s3 =	sadd.s32 $0x88, s3;
	s6 =	simm.s32 @!p1 $0x1082;
	[sflag:s4] =	ssyncset.s32 $0xFFFFF086  }
0x25: {  	[simem:s6], [sflag:s4] =	dma.local [hbm:s3], $0xF7A  }
0x26: {  	[smem:$0x3F93] =	sst s1;
	(tag) =	ssettag s2;
	_ =	strace s9  }
0x27: {  	s1 =	sld [smem:$0x3FA3]  }
0x28: {  	s2 =	sld [smem:$0x3FA4]  }
0x29: {  	s4 =	sld [smem:$0x3FA6]  }
0x2a: {  	p0 =	seq.s32 s5, $0x0;
	s5 =	sld [smem:$0x3FA7]  }
0x2b: {  	s6 =	sld [smem:$0x3FA8]  }
0x2c: {  	s7 =	sld [smem:$0x3FA9]  }
0x2d: {  	s3 =	simm.s32 $0x108;
	s8 =	sld [smem:$0x3FAA]  }
0x2e: {  	s3 =	simm.s32 @!p0 $0x1082;
	s9 =	sld [smem:$0x3FAB]  }
0x2f: {  	lr =	sadd.s32 s0, s3;
	s0 =	sld [smem:$0x3FA2]  }
0x30: {  	s3 =	sld [smem:$0x3FA5]  }
0x31: {  	[smem:$0x3FAE] =	sst s10  }
0x32: {  	s10 =	sld [smem:$0x3FAC];
	_ =	sdelay $0x3  }
0x33: {  	p0 =	seq.s32 s10, $0x1;
	s10 =	sld [smem:$0x3FAE];
	_ =	sdelay $0x3  }
0x34: {  	[smem:$0x3FAE] =	sst s10  }
0x35: {  	s10 =	sld [smem:$0x3FAD];
	_ =	sdelay $0x3  }
0x36: {  	p1 =	seq.s32 s10, $0x1;
	s10 =	sld [smem:$0x3FAE];
	_ =	sdelay $0x3  }
0x37: {  	[smem:$0x3FAE] =	sst s10  }
0x38: {  	s10 =	sld [smem:$0x3FAF]  }
0x39: {  	_ = 	snop;
	(pc) =	sbr.ind lr, $3  }
0x3a: {  	_ = 	snop  }
0x3b: {  	_ = 	snop  }
0x3c: {  	p2 =	seq.s32 s10, $0x1;
	s10 =	sld [smem:$0x3FAE]  }
0x3d: {  	_ =	shalt  }
0x3e: {  	_ =	shalt  }
0x3f: {  	_ =	shalt  }
0x40: {  	_ =	shalt  }
0x41: {  	_ =	shalt  }
0x42: {  	_ =	shalt  }
0x43: {  	_ =	shalt  }
0x44: {  	_ =	shalt  }
0x45: {  	_ =	shalt  }
0x46: {  	_ =	shalt  }
0x47: {  	_ =	shalt  }
0x48: {  	_ =	shalt  }
0x49: {  	_ =	shalt  }
0x4a: {  	_ =	shalt  }
0x4b: {  	_ =	shalt  }
0x4c: {  	_ =	shalt  }
0x4d: {  	_ =	shalt  }
0x4e: {  	_ =	shalt  }
0x4f: {  	_ =	shalt  }
0x50: {  	_ =	shalt  }
0x51: {  	_ =	shalt  }
0x52: {  	_ =	shalt  }
0x53: {  	_ =	shalt  }
0x54: {  	_ =	shalt  }
0x55: {  	_ =	shalt  }
0x56: {  	_ =	shalt  }
0x57: {  	_ =	shalt  }
0x58: {  	_ =	shalt  }
0x59: {  	_ =	shalt  }
0x5a: {  	_ =	shalt  }
0x5b: {  	_ =	shalt  }
0x5c: {  	_ =	shalt  }
0x5d: {  	_ =	shalt  }
0x5e: {  	_ =	shalt  }
0x5f: {  	_ =	shalt  }
0x60: {  	_ =	shalt  }
0x61: {  	_ =	shalt  }
0x62: {  	_ =	shalt  }
0x63: {  	_ =	shalt  }
0x64: {  	_ =	shalt  }
0x65: {  	_ =	shalt  }
0x66: {  	_ =	shalt  }
0x67: {  	_ =	shalt  }
0x68: {  	_ =	shalt  }
0x69: {  	_ =	shalt  }
0x6a: {  	_ =	shalt  }
0x6b: {  	_ =	shalt  }
0x6c: {  	_ =	shalt  }
0x6d: {  	_ =	shalt  }
0x6e: {  	_ =	shalt  }
0x6f: {  	_ =	shalt  }
0x70: {  	_ =	shalt  }
0x71: {  	_ =	shalt  }
0x72: {  	_ =	shalt  }
0x73: {  	_ =	shalt  }
0x74: {  	_ =	shalt  }
0x75: {  	_ =	shalt  }
0x76: {  	_ =	shalt  }
0x77: {  	_ =	shalt  }
0x78: {  	_ =	shalt  }
0x79: {  	_ =	shalt  }
0x7a: {  	_ =	shalt  }
0x7b: {  	_ =	shalt  }
0x7c: {  	_ =	shalt  }
0x7d: {  	_ =	shalt  }
0x7e: {  	_ =	shalt  }
0x7f: {  	_ =	shalt  }
0x80: {  	_ =	shalt  }
0x81: {  	_ =	shalt  }
0x82: {  	_ =	shalt  }
0x83: {  	_ =	shalt  }
0x84: {  	_ =	shalt  }
0x85: {  	_ =	shalt  }
0x86: {  	_ =	shalt  }
0x87: {  	_ =	shalt  }
.Lfunc_end0:
.L_simem_size_0:
called_computation.2_lowered:
.L_overlay_start_0:
0x88: {  	s2 =	sld [smem:$0x3FD9]  }
0x89: {  	s3 =	sld [smem:$0x3FFE];
	_ =	sdelay $0x1  }
0x8a: {  	s1 =	srdreg.scid  }
0x8b: {  	s0 =	sand.u32 $0x1, s1  }
0x8c: {  	s17 =	sshll.u32 s0, $0xA;
	s2 =	sadd.s32 s3, s2  }
0x8d: {  	s2 =	sadd.s32 s2, s17  }
0x8e: {  	[smem:$0x3FBA] =	sst s2  }
0x8f: {  	_ = 	snop  }
0x90: {  	s2 =	sld [smem:$0x3FD0];
	(tm) =	ssettm $0x1  }
0x91: {  	s18 =	sld [smem:$0x3FFB];
	_ =	sdelay $0x3  }
0x92: {  	_ =	strace s18  }
0x93: {  	s3 =	sld [smem:$0x3FFC];
	_ =	sdelay $0x3  }
0x94: {  	_ =	strace s3  }
0x95: {  	s3 =	sld [smem:$0x3FFD];
	_ =	sdelay $0x3  }
0x96: {  	_ =	strace s3  }
0x97: {  	_ =	strace $0x8FFFFFFF  }
0x98: {  	s19 =	sld [smem:$0x3FDB];
	_ =	sdelay $0x1  }
0x99: {  	s4 =	simm.s32 $_scs_section_size  }
0x9a: {  	s5 =	simm.s32 $_size__tile_overlayer_lowered;
	s6 =	simm.s32 $_tile_overlayer_lowered  }
0x9b: {  	s22 =	simm.s32 $0x1BFF;
	s21 =	sshll.u32 s6, $0x1;
	s3 =	sadd.s32 s4, s19  }
0x9c: {  	s7 =	simm.s32 $0x0;
	s20 =	sshll.u32 s5, $0x1;
	s5 =	sadd.s32 s21, s3  }
0x9d: {  	[timem:s7], [sflag:s22] =	dma.local [hbm:s5], s20  }
0x9e: {  	_ =	swait.ge [sflag:s22], s20  }
0x9f: {  	s4 =	ssub.s32 $0x0, s20;
	[sflag:s22] =	ssyncset.done $0x0  }
0xa0: {  	[sflag:s22] =	ssyncadd.s32 s4;
	_ =	sdelay $0x1  }
0xa1: {  	s23 =	simm.s32 $0x1B8B  }
0xa2: {  	_ =	swait.ge [sflag:s23], $0x1  }
0xa3: {  	[sflag:s23] =	ssyncset.done $0x0  }
0xa4: {  	s25 =	simm.s32 $0x1B8E;
	s24 =	sld [smem:$0x3FFE];
	[sflag:s23] =	ssyncadd.s32 $0xFFFFFFFF  }
0xa5: {  	s26 =	simm.s32 $execute0_lowered;
	[smem:$0x3FD2] =	sst s25  }
0xa6: {  	s5 =	sshll.u32 s26, $0x1;
	_ =	strace $0x8000004C;
	[dreg:$0x1] =	wrdreg $0xFFFFFFFF  }
0xa7: {  	s28 =	simm.s32 $_size_execute0_lowered;
	s3 =	sadd.s32 s3, s5;
	[dreg:$0x0] =	wrdreg $0x0  }
0xa8: {  	s5 =	sshll.u32 s28, $0x1;
	[dreg:$0x2] =	wrdreg s3  }
0xa9: {  	[dreg:$0x3] =	wrdreg s5  }
0xaa: {  	[dreg:$0x4] =	wrdreg $0xC0  }
0xab: {  	_ =	task [dreg:s7], $0x5FFFF  }
0xac: {  	[dreg:$0x1] =	wrdreg $0xFFFFFFFF  }
0xad: {  	[dreg:$0x0] =	wrdreg $0x60  }
0xae: {  	[dreg:$0x2] =	wrdreg s2  }
0xaf: {  	[dreg:$0x3] =	wrdreg s24  }
0xb0: {  	[dreg:$0x4] =	wrdreg $0x9B000  }
0xb1: {  	[dreg:$0x5] =	wrdreg $0x9  }
0xb2: {  	_ =	task.clear_ibuf [dreg:s7], $0x6FFFF;
	_ =	strace $0x9000004C  }
0xb3: {  	s29 =	simm.s32 $0x9;
	_ =	strace $0x8000004E  }
0xb4: {  	_ =	swait.ge [sflag:s29], $0x1  }
0xb5: {  	[sflag:s29] =	ssyncadd.s32 $0xFFFFFFFF  }
0xb6: {  	_ =	strace $0x9000004E  }
0xb7: {  	_ =	sfence  }
0xb8: {  	s30 =	sld [smem:$0x0];
	_ =	sdelay $0x2  }
0xb9: {  	s31 =	sshll.u32 s1, $0xD;
	s1 =	sshrl.u32 s1, $0x2  }
0xba: {  	s3 =	sand.u32 $0x4000, s31;
	s1 =	sadd.s32 s1, s30  }
0xbb: {  	s0 =	sor.u32 s3, s0;
	s1 =	sshll.u32 s1, $0x11  }
0xbc: {  	s0 =	sor.u32 s1, s0  }
0xbd: {  	s0 =	sadd.s32 $0x8F2B, s0  }
0xbe: {  	[sflag:s0] =	ssyncadd.remote.s32 $0x1  }
0xbf: {  	_ =	sfence.sel $0xFFFF  }
0xc0: {  	[dreg:$0x0] =	wrdreg $0xFFFFFFFF;
	(pc) =	sbr.abs _section_cstart, $3  }
0xc1: {  	[dreg:$0x1] =	wrdreg $0xFFFFFFFF  }
0xc2: {  	_ =	task.clear_ibuf [dreg:s7], $0x2FFFF;
	_ =	strace $0x9FFFFFFF  }
0xc3: {  	(tm) =	ssettm $0x7FFFFFFF  }
tec
execute0_lowered:
.L_overlay_start_1:
0x0: {  	(tag) =	ssettag $0x1  }
0x1: {  	s1 =	rddreg [dreg:$0x0]  }
0x2: {  	s7 =	rddreg [dreg:$0x1]  }
0x3: {  	s0 =	srdreg.scid;
	s3 =	simm.s32 $0x5B;
	s4 =	rddreg [dreg:$0x2]  }
0x4: {  	s2 =	rddreg [dreg:$0x3];
	s5 =	simm.s32 $0x0;
	s17 =	simm.s32 $0x2  }
0x5: {  	s18 =	simm.s32 $0x7B00;
	s19 =	simm.s32 $0x80;
	s8 =	sand.u32 $0x1, s0  }
0x6: {  	s20 =	simm.s32 $0x5B00;
	s0 =	stileid.u32;
	s9 =	smul.u32 $0x2D800, s8  }
0x7: {  	s21 =	simm.s32 $0x1;
	s22 =	simm.s32 $0x0;
	s10 =	smul.u32 $0xA000, s0  }
0x8: {  	[smem:$0x7FF] =	sst s5;
	p0 =	seq.s32 s8, $0x0;
	s12 =	smul.u32 $0xA0000, s8  }
0x9: {  	s29 =	smul.u32 $0x28000, s0;
	s8 =	ssub.s32 $0x2, s8;
	s3 =	simm.s32 @!p0 $0x42  }
0xa: {  	_ =	strace $0x8000004D;
	s30 =	sshrl.u32 s8, $0x1;
	s6 =	smul.u32 s3, s0  }
0xb: {  	s28 =	sadd.s32 s10, s12;
	s31 =	sshrl.u32 s29, $0x2;
	s16 =	ssub.s32 s8, s30  }
0xc: {  	s13 =	sadd.s32 s31, s4;
	s16 =	smax.u32 s16, $0x1;
	s11 =	sshll.u32 s6, $0x7  }
0xd: {  	s6 =	sadd.s32 $0x2800, s7;
	s9 =	sadd.s32 s9, s11;
	s11 =	sshrl.u32 s28, $0x3  }
0xe: {  	s12 =	sadd.s32 $0x6000, s13;
	s9 =	sshrl.u32 s9, $0x3;
	s15 =	sadd.s32 s11, s7  }
0xf: {  	s11 =	sadd.s32 $0x4000, s13;
	s9 =	sadd.s32 s9, s7;
	s14 =	sadd.s32 $0x2AA00, s15  }
0x10: {  	s15 =	sadd.s32 $0x52A00, s15;
	s7 =	sadd.s32 $0x20600, s9;
	s8 =	sadd.s32 $0x16200, s9  }
0x11: {  	v0 =	vimm.f32 $0.0e+00;
	s9 =	sadd.s32 s10, s4;
	s10 =	sadd.s32 $0x2000, s13;
	s13 =	sadd.s32 $0x8000, s13  }
.LBB2_1:
0x12: {  	s23 =	sand.u32 $0x7F00, s5  }
0x13: {  	s24 =	sand.u32 $0x30, s5;
	s25 =	sshrl.u32 s23, $0x2  }
0x14: {  	s23 =	simm.s32 $0x40;
	s25 =	sor.u32 s24, s25;
	s24 =	simm.s32 $0x0  }
.LBB2_2:
0x15: {  	p0 =	sne.s32 s23, $0x7FC0  }
0x16: {  	[tilespmem:s25+$0x7B00] =	vst v0;
	s24 =	sadd.s32 $0x10, s24;
	s25 =	smov.u32 s23;
	s23 =	sadd.s32 $0x40, s23  }
.Ltmp0:
0x17: {  	(pc) =	sbr.rel @p0 .LBB2_2-.Ltmp0, $4  }
0x18: {  	_ = 	snop  }
0x19: {  	s25 =	sand.u32 $0x7F00, s25  }
0x1a: {  	s26 =	sand.u32 $0x30, s24;
	s25 =	sshrl.u32 s25, $0x2  }
0x1b: {  	s25 =	sor.u32 s26, s25  }
0x1c: {  	[tilespmem:s25+$0x7B00] =	vst v0;
	s23 =	simm.s32 $0x0  }
0x1d: {  	[tilespmem:s23], [sflag:$0x2] =	stream.linear.gather [hbm4b:s7+s23], $0x2D80, $0x38;
	[tilespmem:$0x13B00] =	vst v63  }
0x1e: {  	_ =	swait.ge [sflag:s17], $0x2D80  }
0x1f: {  	[sflag:s17] =	ssyncset.done $0x0  }
0x20: {  	s24 =	simm.s32 $0x2D80;
	[sflag:s17] =	ssyncadd.s32 $0xFFFFD280  }
0x21: {  	[tilespmem:s24], [sflag:$0x2] =	stream.linear.gather [hbm4b:s8+s23], $0x2D80, $0x38;
	[tilespmem:$0x13B00] =	vst v63  }
0x22: {  	_ =	swait.ge [sflag:s17], $0x2D80  }
0x23: {  	[sflag:s17] =	ssyncset.done $0x0  }
0x24: {  	[sflag:s17] =	ssyncadd.s32 $0xFFFFD280  }
0x25: {  	[spmem:s9] =	stream.linear.scatter [tilespmem:s18], [sflag:$0x2], $0x2000, $0x38;
	[tilespmem:$0x13B00] =	vst v63  }
0x26: {  	_ =	swait.ge [sflag:s17], $0x2000  }
0x27: {  	[sflag:s17] =	ssyncset.done $0x0  }
0x28: {  	[sflag:s17] =	ssyncadd.s32 $0xFFFFE000  }
0x29: {  	[spmem:s10] =	stream.linear.scatter [tilespmem:s18], [sflag:$0x2], $0x2000, $0x38;
	[tilespmem:$0x13B00] =	vst v63  }
0x2a: {  	_ =	swait.ge [sflag:s17], $0x2000  }
0x2b: {  	[sflag:s17] =	ssyncset.done $0x0  }
0x2c: {  	[sflag:s17] =	ssyncadd.s32 $0xFFFFE000  }
0x2d: {  	[spmem:s11] =	stream.linear.scatter [tilespmem:s18], [sflag:$0x2], $0x2000, $0x38;
	[tilespmem:$0x13B00] =	vst v63  }
0x2e: {  	_ =	swait.ge [sflag:s17], $0x2000  }
0x2f: {  	[sflag:s17] =	ssyncset.done $0x0  }
0x30: {  	[sflag:s17] =	ssyncadd.s32 $0xFFFFE000  }
0x31: {  	[spmem:s12] =	stream.linear.scatter [tilespmem:s18], [sflag:$0x2], $0x2000, $0x38;
	[tilespmem:$0x13B00] =	vst v63  }
0x32: {  	_ =	swait.ge [sflag:s17], $0x2000  }
0x33: {  	[sflag:s17] =	ssyncset.done $0x0  }
0x34: {  	[sflag:s17] =	ssyncadd.s32 $0xFFFFE000  }
0x35: {  	[spmem:s13] =	stream.linear.scatter [tilespmem:s18], [sflag:$0x2], $0x2000, $0x38;
	[tilespmem:$0x13B00] =	vst v63  }
0x36: {  	_ =	swait.ge [sflag:s17], $0x2000  }
0x37: {  	[sflag:s17] =	ssyncset.done $0x0  }
0x38: {  	[sflag:s17] =	ssyncadd.s32 $0xFFFFE000  }
0x39: {  	[bflag:$0x0] =	sbarrier.arrive $0xFFFF  }
0x3a: {  	[tilespmem:s20], [sflag:$0x1] =	stream.indirect.gather [hbm4b:s1+s19], $0x40, s23, s19, $0xb8;
	[tilespmem:$0x13B00] =	vst v63  }
0x3b: {  	p0 =	sne.s32 s3, $0x1;
	_ =	swait.ge [sflag:s21], $0x2000  }
.Ltmp1:
0x3c: {  	[sflag:s21] =	ssyncset.done $0x0;
	(pc) =	sbr.rel @!p0 .LBB2_5-.Ltmp1, $4  }
0x3d: {  	[sflag:s21] =	ssyncadd.s32 $0xFFFFE000  }
0x3e: {  	[spmem:s4] =	stream.indirect.scatter.add.f32 [tilespmem:s20], [sflag:$0x2], $0x40, s24, s19, $0xb8;
	[tilespmem:$0x13B00] =	vst v63  }
0x3f: {  	s25 =	sadd.s32 $0xFFFFFFFF, s3;
	_ =	swait.ge [sflag:s17], $0x2000  }
0x40: {  	s26 =	simm.s32 $0x0;
	s28 =	simm.s32 $0x2D80;
	[sflag:s17] =	ssyncset.done $0x0  }
.LBB2_4:
0x41: {  	[sflag:s17] =	ssyncadd.s32 $0xFFFFE000;
	s26 =	sadd.s32 $0x80, s26;
	s28 =	sadd.s32 $0x80, s28  }
0x42: {  	[tilespmem:s20], [sflag:$0x1] =	stream.indirect.gather [hbm4b:s1+s19], $0x40, s26, s19, $0xb8;
	[tilespmem:$0x13B00] =	vst v63  }
0x43: {  	p1 =	sne.s32 s25, $0x1;
	s25 =	sadd.s32 $0xFFFFFFFF, s25;
	_ =	swait.ge [sflag:s21], $0x2000  }
.Ltmp2:
0x44: {  	[sflag:s21] =	ssyncset.done $0x0;
	(pc) =	sbr.rel @p1 .LBB2_4-.Ltmp2, $4  }
0x45: {  	[sflag:s21] =	ssyncadd.s32 $0xFFFFE000  }
0x46: {  	[spmem:s4] =	stream.indirect.scatter.add.f32 [tilespmem:s20], [sflag:$0x2], $0x40, s28, s19, $0xb8;
	[tilespmem:$0x13B00] =	vst v63  }
0x47: {  	_ =	swait.ge [sflag:s17], $0x2000  }
0x48: {  	[sflag:s17] =	ssyncset.done $0x0  }
.LBB2_5:
0x49: {  	[sflag:s17] =	ssyncadd.s32 $0xFFFFE000;
	s25 =	sshll.u32 s0, $0x6  }
0x4a: {  	s26 =	sshrl.u32 s9, $0x3;
	[bflag:$0x0] =	sbarrier.arrive $0xFFFF;
	s25 =	sor.u32 $0x1C02, s25  }
0x4b: {  	[hbm:s14], [sflag:s25] =	dma.local [spmem:s26], $0x1400  }
0x4c: {  	_ =	swait.ge [sflag:s17], $0x1400  }
0x4d: {  	[sflag:s17] =	ssyncset.done $0x0  }
0x4e: {  	[sflag:s17] =	ssyncadd.s32 $0xFFFFEC00  }
0x4f: {  	[spmem:s9] =	stream.linear.scatter [tilespmem:s18], [sflag:$0x2], $0x2000, $0x38;
	[tilespmem:$0x13B00] =	vst v63  }
0x50: {  	_ =	swait.ge [sflag:s17], $0x2000  }
0x51: {  	[sflag:s17] =	ssyncset.done $0x0  }
0x52: {  	[sflag:s17] =	ssyncadd.s32 $0xFFFFE000  }
0x53: {  	[spmem:s10] =	stream.linear.scatter [tilespmem:s18], [sflag:$0x2], $0x2000, $0x38;
	[tilespmem:$0x13B00] =	vst v63  }
0x54: {  	_ =	swait.ge [sflag:s17], $0x2000  }
0x55: {  	[sflag:s17] =	ssyncset.done $0x0  }
0x56: {  	[sflag:s17] =	ssyncadd.s32 $0xFFFFE000  }
0x57: {  	[spmem:s11] =	stream.linear.scatter [tilespmem:s18], [sflag:$0x2], $0x2000, $0x38;
	[tilespmem:$0x13B00] =	vst v63  }
0x58: {  	_ =	swait.ge [sflag:s17], $0x2000  }
0x59: {  	[sflag:s17] =	ssyncset.done $0x0  }
0x5a: {  	[sflag:s17] =	ssyncadd.s32 $0xFFFFE000  }
0x5b: {  	[spmem:s12] =	stream.linear.scatter [tilespmem:s18], [sflag:$0x2], $0x2000, $0x38;
	[tilespmem:$0x13B00] =	vst v63  }
0x5c: {  	_ =	swait.ge [sflag:s17], $0x2000  }
0x5d: {  	[sflag:s17] =	ssyncset.done $0x0  }
0x5e: {  	[sflag:s17] =	ssyncadd.s32 $0xFFFFE000  }
0x5f: {  	[spmem:s13] =	stream.linear.scatter [tilespmem:s18], [sflag:$0x2], $0x2000, $0x38;
	[tilespmem:$0x13B00] =	vst v63  }
0x60: {  	_ =	swait.ge [sflag:s17], $0x2000  }
0x61: {  	[sflag:s17] =	ssyncset.done $0x0  }
0x62: {  	[sflag:s17] =	ssyncadd.s32 $0xFFFFE000  }
0x63: {  	[bflag:$0x0] =	sbarrier.arrive $0xFFFF  }
0x64: {  	[tilespmem:s20], [sflag:$0x1] =	stream.indirect.gather [hbm4b:s6+s19], $0x40, s23, s19, $0xb8;
	[tilespmem:$0x13B00] =	vst v63  }
0x65: {  	_ =	swait.ge [sflag:s21], $0x2000  }
.Ltmp3:
0x66: {  	[sflag:s21] =	ssyncset.done $0x0;
	(pc) =	sbr.rel @!p0 .LBB2_7-.Ltmp3, $4  }
0x67: {  	[sflag:s21] =	ssyncadd.s32 $0xFFFFE000  }
0x68: {  	[spmem:s4] =	stream.indirect.scatter.add.f32 [tilespmem:s20], [sflag:$0x2], $0x40, s24, s19, $0xb8;
	[tilespmem:$0x13B00] =	vst v63  }
0x69: {  	_ =	swait.ge [sflag:s17], $0x2000  }
0x6a: {  	s28 =	sadd.s32 $0xFFFFFFFF, s3;
	[sflag:s17] =	ssyncset.done $0x0  }
.LBB2_6:
0x6b: {  	[sflag:s17] =	ssyncadd.s32 $0xFFFFE000;
	s23 =	sadd.s32 $0x80, s23;
	s24 =	sadd.s32 $0x80, s24  }
0x6c: {  	[tilespmem:s20], [sflag:$0x1] =	stream.indirect.gather [hbm4b:s6+s19], $0x40, s23, s19, $0xb8;
	[tilespmem:$0x13B00] =	vst v63  }
0x6d: {  	p0 =	sne.s32 s28, $0x1;
	s28 =	sadd.s32 $0xFFFFFFFF, s28;
	_ =	swait.ge [sflag:s21], $0x2000  }
.Ltmp4:
0x6e: {  	[sflag:s21] =	ssyncset.done $0x0;
	(pc) =	sbr.rel @p0 .LBB2_6-.Ltmp4, $4  }
0x6f: {  	[sflag:s21] =	ssyncadd.s32 $0xFFFFE000  }
0x70: {  	[spmem:s4] =	stream.indirect.scatter.add.f32 [tilespmem:s20], [sflag:$0x2], $0x40, s24, s19, $0xb8;
	[tilespmem:$0x13B00] =	vst v63  }
0x71: {  	_ =	swait.ge [sflag:s17], $0x2000  }
0x72: {  	[sflag:s17] =	ssyncset.done $0x0  }
.LBB2_7:
0x73: {  	s22 =	sadd.s32 $0x1, s22  }
0x74: {  	[sflag:s17] =	ssyncadd.s32 $0xFFFFE000;
	p0 =	sne.s32 s22, s16  }
.Ltmp5:
0x75: {  	[bflag:$0x0] =	sbarrier.arrive $0xFFFF;
	(pc) =	sbr.rel @p0 .LBB2_1-.Ltmp5, $4  }
0x76: {  	[hbm:s15], [sflag:s25] =	dma.local [spmem:s26], $0x1400  }
0x77: {  	_ =	swait.ge [sflag:s17], $0x1400  }
0x78: {  	[sflag:s17] =	ssyncset.done $0x0  }
0x79: {  	[sflag:s17] =	ssyncadd.s32 $0xFFFFEC00  }
0x7a: {  	_ =	sfence.sel $0x180000  }
0x7b: {  	[bflag:$0x0] =	sbarrier.arrive $0xFFFF  }
0x7c: {  	p0 =	sne.s32 s0, $0x0;
	_ =	strace $0x9000004D  }
0x7d: {  	s0 =	sadd.s32 @!p0 $0x100000, s2;
	[bflag:$0x2] =	sbarrier.arrive $0xFFFF  }
0x7e: {  	[sflag:s0] =	ssyncadd.tile.s32 @!p0 $0x1;
	_ =	shalt  }
.Lfunc_end2:
_tile_overlayer_lowered:
.L_overlay_start_2:
0x7f: {  	(tag) =	ssettag $0x2  }
0x80: {  	s0 =	rddreg [dreg:$0x0];
	s2 =	stileid.u32  }
0x81: {  	s1 =	rddreg [dreg:$0x1];
	p0 =	sne.s32 s2, $0x0  }
0x82: {  	s3 =	rddreg [dreg:$0x2];
	[bflag:$0x3] =	sbarrier.arrive $0xFFFF;
	s2 =	simm.s32 @!p0 $0x1C02  }
0x83: {  	[timem:s3], [sflag:s2] =	dma.local @!p0 [hbm:s0], s1  }
0x84: {  	s0 =	simm.s32 @!p0 $0x2  }
0x85: {  	_ =	swait.ge @!p0 [sflag:s0], s1  }
0x86: {  	s1 =	ssub.s32 @!p0 $0x0, s1;
	[sflag:s0] =	ssyncset.done @!p0 $0x0  }
0x87: {  	[sflag:s0] =	ssyncadd.s32 @!p0 s1  }
0x88: {  	[bflag:$0x3] =	sbarrier.arrive $0xFFFF  }
0x89: {  	_ =	shalt  }

// kernel: kernel.18.cloned.1.call-start
scs
__scs_entry_jumppad:
0x0: {  	(pc) =	sbr.rel $0x88, $3  }
0x1: {  	(tag) =	ssettag $0x0;
	lr =	simm.s32 $0x1  }
0x2: {  	[smem:$0x3F93] =	sst lr;
	_ =	strace $0xD0000000  }
0x3: {  	_ = 	snop  }
0x4: {  	_ = 	snop  }
0x5: {  	_ = 	snop  }
0x6: {  	_ = 	snop  }
0x7: {  	_ = 	snop  }
__scs_overlays_trampoline_lowered:
0x8: {  	[smem:$0x3FA2] =	sst s0  }
0x9: {  	[smem:$0x3FA3] =	sst s1  }
0xa: {  	[smem:$0x3FA4] =	sst s2  }
0xb: {  	[smem:$0x3FA5] =	sst s3  }
0xc: {  	[smem:$0x3FA6] =	sst s4  }
0xd: {  	[smem:$0x3FA7] =	sst s5  }
0xe: {  	[smem:$0x3FA8] =	sst s6  }
0xf: {  	[smem:$0x3FA9] =	sst s7  }
0x10: {  	[smem:$0x3FAA] =	sst s8  }
0x11: {  	[smem:$0x3FAB] =	sst s9;
	s0 =	simm.s32 @!p0 $0x0  }
0x12: {  	s1 =	sld [smem:$0x3F91];
	s0 =	simm.s32 @p0 $0x1  }
0x13: {  	[smem:$0x3FAC] =	sst s0;
	s0 =	simm.s32 @!p1 $0x0  }
0x14: {  	s2 =	sld [smem:$0x3F90];
	s0 =	simm.s32 @p1 $0x1  }
0x15: {  	[smem:$0x3FAD] =	sst s0;
	s0 =	simm.s32 @!p2 $0x0  }
0x16: {  	s3 =	sld [smem:$0x3FDB];
	s0 =	simm.s32 @p2 $0x1  }
0x17: {  	s4 =	simm.s32 $0x1BF5;
	[smem:$0x3FAF] =	sst s0  }
0x18: {  	s0 =	sld [smem:$0x3F92];
	_ =	swait.ge [sflag:s4], $0x0  }
0x19: {  	s7 =	sld [smem:$0x3F93]  }
0x1a: {  	s8 =	sadd.s32 $0xFFFFE003, lr  }
0x1b: {  	s9 =	sadd.s32 $0xFFFFFEF7, lr;
	s5 =	simm.s32 $0xFFFFFFFF;
	p2 =	slt.u32 s8, $0xFFFFF086  }
0x1c: {  	p1 =	slt.u32 s9, $0xF7A;
	s5 =	simm.s32 @!p2 $0x0  }
0x1d: {  	s5 =	simm.s32 @p1 $0x1;
	p0 =	seq.s32 s7, s2  }
0x1e: {  	s7 =	smul.u32 @!p0 $0xF7A, s2;
	p2 =	seq.s32 @!p0 s5, $0x0  }
0x1f: {  	s9 =	smul.u32 $0xF7A, s1;
	s8 =	simm.s32 @!p0 $0x1BF5;
	p2 =	por !p2, p0  }
0x20: {  	[sflag:s8] =	ssyncset.s32 @!p0 $0xFFFFF086;
	s6 =	sadd.s32 @!p0 s3, s7;
	s7 =	simm.s32 @!p0 $0x108  }
0x21: {  	s3 =	sadd.s32 s3, s9;
	s6 =	sadd.s32 @!p0 $0x88, s6;
	s7 =	simm.s32 @p2 $0x1082  }
0x22: {  	[simem:s7], [sflag:s8] =	dma.local @!p0 [hbm:s6], $0xF7A  }
0x23: {  	s9 =	sor.u32 $0xD0000000, s2;
	s6 =	simm.s32 $0x108;
	_ =	swait.ge @!p0 [sflag:s8], $0x0  }
0x24: {  	s3 =	sadd.s32 $0x88, s3;
	s6 =	simm.s32 @!p1 $0x1082;
	[sflag:s4] =	ssyncset.s32 $0xFFFFF086  }
0x25: {  	[simem:s6], [sflag:s4] =	dma.local [hbm:s3], $0xF7A  }
0x26: {  	[smem:$0x3F93] =	sst s1;
	(tag) =	ssettag s2;
	_ =	strace s9  }
0x27: {  	s1 =	sld [smem:$0x3FA3]  }
0x28: {  	s2 =	sld [smem:$0x3FA4]  }
0x29: {  	s4 =	sld [smem:$0x3FA6]  }
0x2a: {  	p0 =	seq.s32 s5, $0x0;
	s5 =	sld [smem:$0x3FA7]  }
0x2b: {  	s6 =	sld [smem:$0x3FA8]  }
0x2c: {  	s7 =	sld [smem:$0x3FA9]  }
0x2d: {  	s3 =	simm.s32 $0x108;
	s8 =	sld [smem:$0x3FAA]  }
0x2e: {  	s3 =	simm.s32 @!p0 $0x1082;
	s9 =	sld [smem:$0x3FAB]  }
0x2f: {  	lr =	sadd.s32 s0, s3;
	s0 =	sld [smem:$0x3FA2]  }
0x30: {  	s3 =	sld [smem:$0x3FA5]  }
0x31: {  	[smem:$0x3FAE] =	sst s10  }
0x32: {  	s10 =	sld [smem:$0x3FAC];
	_ =	sdelay $0x3  }
0x33: {  	p0 =	seq.s32 s10, $0x1;
	s10 =	sld [smem:$0x3FAE];
	_ =	sdelay $0x3  }
0x34: {  	[smem:$0x3FAE] =	sst s10  }
0x35: {  	s10 =	sld [smem:$0x3FAD];
	_ =	sdelay $0x3  }
0x36: {  	p1 =	seq.s32 s10, $0x1;
	s10 =	sld [smem:$0x3FAE];
	_ =	sdelay $0x3  }
0x37: {  	[smem:$0x3FAE] =	sst s10  }
0x38: {  	s10 =	sld [smem:$0x3FAF]  }
0x39: {  	_ = 	snop;
	(pc) =	sbr.ind lr, $3  }
0x3a: {  	_ = 	snop  }
0x3b: {  	_ = 	snop  }
0x3c: {  	p2 =	seq.s32 s10, $0x1;
	s10 =	sld [smem:$0x3FAE]  }
0x3d: {  	_ =	shalt  }
0x3e: {  	_ =	shalt  }
0x3f: {  	_ =	shalt  }
0x40: {  	_ =	shalt  }
0x41: {  	_ =	shalt  }
0x42: {  	_ =	shalt  }
0x43: {  	_ =	shalt  }
0x44: {  	_ =	shalt  }
0x45: {  	_ =	shalt  }
0x46: {  	_ =	shalt  }
0x47: {  	_ =	shalt  }
0x48: {  	_ =	shalt  }
0x49: {  	_ =	shalt  }
0x4a: {  	_ =	shalt  }
0x4b: {  	_ =	shalt  }
0x4c: {  	_ =	shalt  }
0x4d: {  	_ =	shalt  }
0x4e: {  	_ =	shalt  }
0x4f: {  	_ =	shalt  }
0x50: {  	_ =	shalt  }
0x51: {  	_ =	shalt  }
0x52: {  	_ =	shalt  }
0x53: {  	_ =	shalt  }
0x54: {  	_ =	shalt  }
0x55: {  	_ =	shalt  }
0x56: {  	_ =	shalt  }
0x57: {  	_ =	shalt  }
0x58: {  	_ =	shalt  }
0x59: {  	_ =	shalt  }
0x5a: {  	_ =	shalt  }
0x5b: {  	_ =	shalt  }
0x5c: {  	_ =	shalt  }
0x5d: {  	_ =	shalt  }
0x5e: {  	_ =	shalt  }
0x5f: {  	_ =	shalt  }
0x60: {  	_ =	shalt  }
0x61: {  	_ =	shalt  }
0x62: {  	_ =	shalt  }
0x63: {  	_ =	shalt  }
0x64: {  	_ =	shalt  }
0x65: {  	_ =	shalt  }
0x66: {  	_ =	shalt  }
0x67: {  	_ =	shalt  }
0x68: {  	_ =	shalt  }
0x69: {  	_ =	shalt  }
0x6a: {  	_ =	shalt  }
0x6b: {  	_ =	shalt  }
0x6c: {  	_ =	shalt  }
0x6d: {  	_ =	shalt  }
0x6e: {  	_ =	shalt  }
0x6f: {  	_ =	shalt  }
0x70: {  	_ =	shalt  }
0x71: {  	_ =	shalt  }
0x72: {  	_ =	shalt  }
0x73: {  	_ =	shalt  }
0x74: {  	_ =	shalt  }
0x75: {  	_ =	shalt  }
0x76: {  	_ =	shalt  }
0x77: {  	_ =	shalt  }
0x78: {  	_ =	shalt  }
0x79: {  	_ =	shalt  }
0x7a: {  	_ =	shalt  }
0x7b: {  	_ =	shalt  }
0x7c: {  	_ =	shalt  }
0x7d: {  	_ =	shalt  }
0x7e: {  	_ =	shalt  }
0x7f: {  	_ =	shalt  }
0x80: {  	_ =	shalt  }
0x81: {  	_ =	shalt  }
0x82: {  	_ =	shalt  }
0x83: {  	_ =	shalt  }
0x84: {  	_ =	shalt  }
0x85: {  	_ =	shalt  }
0x86: {  	_ =	shalt  }
0x87: {  	_ =	shalt  }
.Lfunc_end0:
.L_simem_size_0:
called_computation.3_lowered:
.L_overlay_start_0:
0x88: {  	s2 =	sld [smem:$0x3FD9]  }
0x89: {  	s3 =	sld [smem:$0x3FFE];
	_ =	sdelay $0x1  }
0x8a: {  	s1 =	srdreg.scid  }
0x8b: {  	s0 =	sand.u32 $0x1, s1  }
0x8c: {  	s17 =	sshll.u32 s0, $0xA;
	s2 =	sadd.s32 s3, s2  }
0x8d: {  	s2 =	sadd.s32 s2, s17  }
0x8e: {  	[smem:$0x3FBA] =	sst s2  }
0x8f: {  	_ = 	snop  }
0x90: {  	s2 =	sld [smem:$0x3FD0];
	(tm) =	ssettm $0x1  }
0x91: {  	s18 =	sld [smem:$0x3FFB];
	_ =	sdelay $0x3  }
0x92: {  	_ =	strace s18  }
0x93: {  	s3 =	sld [smem:$0x3FFC];
	_ =	sdelay $0x3  }
0x94: {  	_ =	strace s3  }
0x95: {  	s3 =	sld [smem:$0x3FFD];
	_ =	sdelay $0x3  }
0x96: {  	_ =	strace s3  }
0x97: {  	_ =	strace $0x8FFFFFFF  }
0x98: {  	s19 =	sld [smem:$0x3FDB];
	_ =	sdelay $0x1  }
0x99: {  	s4 =	simm.s32 $_scs_section_size  }
0x9a: {  	s5 =	simm.s32 $_size__tile_overlayer_lowered;
	s6 =	simm.s32 $_tile_overlayer_lowered  }
0x9b: {  	s22 =	simm.s32 $0x1BFF;
	s21 =	sshll.u32 s6, $0x1;
	s3 =	sadd.s32 s4, s19  }
0x9c: {  	s7 =	simm.s32 $0x0;
	s20 =	sshll.u32 s5, $0x1;
	s5 =	sadd.s32 s21, s3  }
0x9d: {  	[timem:s7], [sflag:s22] =	dma.local [hbm:s5], s20  }
0x9e: {  	_ =	swait.ge [sflag:s22], s20  }
0x9f: {  	s4 =	ssub.s32 $0x0, s20;
	[sflag:s22] =	ssyncset.done $0x0  }
0xa0: {  	[sflag:s22] =	ssyncadd.s32 s4;
	_ =	sdelay $0x1  }
0xa1: {  	s23 =	simm.s32 $0x1B8B  }
0xa2: {  	_ =	swait.ge [sflag:s23], $0x1  }
0xa3: {  	[sflag:s23] =	ssyncset.done $0x0  }
0xa4: {  	s25 =	simm.s32 $0x1B8E;
	s24 =	sld [smem:$0x3FFE];
	[sflag:s23] =	ssyncadd.s32 $0xFFFFFFFF  }
0xa5: {  	s26 =	simm.s32 $execute0_lowered;
	[smem:$0x3FD2] =	sst s25  }
0xa6: {  	s5 =	sshll.u32 s26, $0x1;
	_ =	strace $0x8000004F;
	[dreg:$0x1] =	wrdreg $0xFFFFFFFF  }
0xa7: {  	s28 =	simm.s32 $_size_execute0_lowered;
	s3 =	sadd.s32 s3, s5;
	[dreg:$0x0] =	wrdreg $0x0  }
0xa8: {  	s5 =	sshll.u32 s28, $0x1;
	[dreg:$0x2] =	wrdreg s3  }
0xa9: {  	[dreg:$0x3] =	wrdreg s5  }
0xaa: {  	[dreg:$0x4] =	wrdreg $0xC0  }
0xab: {  	_ =	task [dreg:s7], $0x5FFFF  }
0xac: {  	[dreg:$0x1] =	wrdreg $0xFFFFFFFF  }
0xad: {  	[dreg:$0x0] =	wrdreg $0x60  }
0xae: {  	[dreg:$0x2] =	wrdreg s2  }
0xaf: {  	[dreg:$0x3] =	wrdreg s24  }
0xb0: {  	[dreg:$0x4] =	wrdreg $0x9B000  }
0xb1: {  	[dreg:$0x5] =	wrdreg $0x9  }
0xb2: {  	_ =	task.clear_ibuf [dreg:s7], $0x6FFFF;
	_ =	strace $0x9000004F  }
0xb3: {  	s29 =	simm.s32 $0x9;
	_ =	strace $0x80000051  }
0xb4: {  	_ =	swait.ge [sflag:s29], $0x1  }
0xb5: {  	[sflag:s29] =	ssyncadd.s32 $0xFFFFFFFF  }
0xb6: {  	_ =	strace $0x90000051  }
0xb7: {  	_ =	sfence  }
0xb8: {  	s30 =	sld [smem:$0x0];
	_ =	sdelay $0x2  }
0xb9: {  	s31 =	sshll.u32 s1, $0xD;
	s1 =	sshrl.u32 s1, $0x2  }
0xba: {  	s3 =	sand.u32 $0x4000, s31;
	s1 =	sadd.s32 s1, s30  }
0xbb: {  	s0 =	sor.u32 s3, s0;
	s1 =	sshll.u32 s1, $0x11  }
0xbc: {  	s0 =	sor.u32 s1, s0  }
0xbd: {  	s0 =	sadd.s32 $0x8F2B, s0  }
0xbe: {  	[sflag:s0] =	ssyncadd.remote.s32 $0x1  }
0xbf: {  	_ =	sfence.sel $0xFFFF  }
0xc0: {  	[dreg:$0x0] =	wrdreg $0xFFFFFFFF;
	(pc) =	sbr.abs _section_cstart, $3  }
0xc1: {  	[dreg:$0x1] =	wrdreg $0xFFFFFFFF  }
0xc2: {  	_ =	task.clear_ibuf [dreg:s7], $0x2FFFF;
	_ =	strace $0x9FFFFFFF  }
0xc3: {  	(tm) =	ssettm $0x7FFFFFFF  }
tec
execute0_lowered:
.L_overlay_start_1:
0x0: {  	(tag) =	ssettag $0x1  }
0x1: {  	s1 =	rddreg [dreg:$0x0]  }
0x2: {  	s7 =	rddreg [dreg:$0x1]  }
0x3: {  	s0 =	srdreg.scid;
	s3 =	simm.s32 $0x5B;
	s4 =	rddreg [dreg:$0x2]  }
0x4: {  	s2 =	rddreg [dreg:$0x3];
	s5 =	simm.s32 $0x0;
	s17 =	simm.s32 $0x2  }
0x5: {  	s18 =	simm.s32 $0x7B00;
	s19 =	simm.s32 $0x80;
	s8 =	sand.u32 $0x1, s0  }
0x6: {  	s20 =	simm.s32 $0x5B00;
	s0 =	stileid.u32;
	s9 =	smul.u32 $0x2D800, s8  }
0x7: {  	s21 =	simm.s32 $0x1;
	s22 =	simm.s32 $0x0;
	s10 =	smul.u32 $0xA000, s0  }
0x8: {  	[smem:$0x7FF] =	sst s5;
	p0 =	seq.s32 s8, $0x0;
	s12 =	smul.u32 $0xA0000, s8  }
0x9: {  	s29 =	smul.u32 $0x28000, s0;
	s8 =	ssub.s32 $0x2, s8;
	s3 =	simm.s32 @!p0 $0x42  }
0xa: {  	_ =	strace $0x80000050;
	s30 =	sshrl.u32 s8, $0x1;
	s6 =	smul.u32 s3, s0  }
0xb: {  	s28 =	sadd.s32 s10, s12;
	s31 =	sshrl.u32 s29, $0x2;
	s16 =	ssub.s32 s8, s30  }
0xc: {  	s13 =	sadd.s32 s31, s4;
	s16 =	smax.u32 s16, $0x1;
	s11 =	sshll.u32 s6, $0x7  }
0xd: {  	s6 =	sadd.s32 $0x2800, s7;
	s9 =	sadd.s32 s9, s11;
	s11 =	sshrl.u32 s28, $0x3  }
0xe: {  	s12 =	sadd.s32 $0x6000, s13;
	s9 =	sshrl.u32 s9, $0x3;
	s15 =	sadd.s32 s11, s7  }
0xf: {  	s11 =	sadd.s32 $0x4000, s13;
	s9 =	sadd.s32 s9, s7;
	s14 =	sadd.s32 $0x2AA00, s15  }
0x10: {  	s15 =	sadd.s32 $0x52A00, s15;
	s7 =	sadd.s32 $0x20600, s9;
	s8 =	sadd.s32 $0x16200, s9  }
0x11: {  	v0 =	vimm.f32 $0.0e+00;
	s9 =	sadd.s32 s10, s4;
	s10 =	sadd.s32 $0x2000, s13;
	s13 =	sadd.s32 $0x8000, s13  }
.LBB2_1:
0x12: {  	s23 =	sand.u32 $0x7F00, s5  }
0x13: {  	s24 =	sand.u32 $0x30, s5;
	s25 =	sshrl.u32 s23, $0x2  }
0x14: {  	s23 =	simm.s32 $0x40;
	s25 =	sor.u32 s24, s25;
	s24 =	simm.s32 $0x0  }
.LBB2_2:
0x15: {  	p0 =	sne.s32 s23, $0x7FC0  }
0x16: {  	[tilespmem:s25+$0x7B00] =	vst v0;
	s24 =	sadd.s32 $0x10, s24;
	s25 =	smov.u32 s23;
	s23 =	sadd.s32 $0x40, s23  }
.Ltmp0:
0x17: {  	(pc) =	sbr.rel @p0 .LBB2_2-.Ltmp0, $4  }
0x18: {  	_ = 	snop  }
0x19: {  	s25 =	sand.u32 $0x7F00, s25  }
0x1a: {  	s26 =	sand.u32 $0x30, s24;
	s25 =	sshrl.u32 s25, $0x2  }
0x1b: {  	s25 =	sor.u32 s26, s25  }
0x1c: {  	[tilespmem:s25+$0x7B00] =	vst v0;
	s23 =	simm.s32 $0x0  }
0x1d: {  	[tilespmem:s23], [sflag:$0x2] =	stream.linear.gather [hbm4b:s7+s23], $0x2D80, $0x38;
	[tilespmem:$0x13B00] =	vst v63  }
0x1e: {  	_ =	swait.ge [sflag:s17], $0x2D80  }
0x1f: {  	[sflag:s17] =	ssyncset.done $0x0  }
0x20: {  	s24 =	simm.s32 $0x2D80;
	[sflag:s17] =	ssyncadd.s32 $0xFFFFD280  }
0x21: {  	[tilespmem:s24], [sflag:$0x2] =	stream.linear.gather [hbm4b:s8+s23], $0x2D80, $0x38;
	[tilespmem:$0x13B00] =	vst v63  }
0x22: {  	_ =	swait.ge [sflag:s17], $0x2D80  }
0x23: {  	[sflag:s17] =	ssyncset.done $0x0  }
0x24: {  	[sflag:s17] =	ssyncadd.s32 $0xFFFFD280  }
0x25: {  	[spmem:s9] =	stream.linear.scatter [tilespmem:s18], [sflag:$0x2], $0x2000, $0x38;
	[tilespmem:$0x13B00] =	vst v63  }
0x26: {  	_ =	swait.ge [sflag:s17], $0x2000  }
0x27: {  	[sflag:s17] =	ssyncset.done $0x0  }
0x28: {  	[sflag:s17] =	ssyncadd.s32 $0xFFFFE000  }
0x29: {  	[spmem:s10] =	stream.linear.scatter [tilespmem:s18], [sflag:$0x2], $0x2000, $0x38;
	[tilespmem:$0x13B00] =	vst v63  }
0x2a: {  	_ =	swait.ge [sflag:s17], $0x2000  }
0x2b: {  	[sflag:s17] =	ssyncset.done $0x0  }
0x2c: {  	[sflag:s17] =	ssyncadd.s32 $0xFFFFE000  }
0x2d: {  	[spmem:s11] =	stream.linear.scatter [tilespmem:s18], [sflag:$0x2], $0x2000, $0x38;
	[tilespmem:$0x13B00] =	vst v63  }
0x2e: {  	_ =	swait.ge [sflag:s17], $0x2000  }
0x2f: {  	[sflag:s17] =	ssyncset.done $0x0  }
0x30: {  	[sflag:s17] =	ssyncadd.s32 $0xFFFFE000  }
0x31: {  	[spmem:s12] =	stream.linear.scatter [tilespmem:s18], [sflag:$0x2], $0x2000, $0x38;
	[tilespmem:$0x13B00] =	vst v63  }
0x32: {  	_ =	swait.ge [sflag:s17], $0x2000  }
0x33: {  	[sflag:s17] =	ssyncset.done $0x0  }
0x34: {  	[sflag:s17] =	ssyncadd.s32 $0xFFFFE000  }
0x35: {  	[spmem:s13] =	stream.linear.scatter [tilespmem:s18], [sflag:$0x2], $0x2000, $0x38;
	[tilespmem:$0x13B00] =	vst v63  }
0x36: {  	_ =	swait.ge [sflag:s17], $0x2000  }
0x37: {  	[sflag:s17] =	ssyncset.done $0x0  }
0x38: {  	[sflag:s17] =	ssyncadd.s32 $0xFFFFE000  }
0x39: {  	[bflag:$0x0] =	sbarrier.arrive $0xFFFF  }
0x3a: {  	[tilespmem:s20], [sflag:$0x1] =	stream.indirect.gather [hbm4b:s1+s19], $0x40, s23, s19, $0xb8;
	[tilespmem:$0x13B00] =	vst v63  }
0x3b: {  	p0 =	sne.s32 s3, $0x1;
	_ =	swait.ge [sflag:s21], $0x2000  }
.Ltmp1:
0x3c: {  	[sflag:s21] =	ssyncset.done $0x0;
	(pc) =	sbr.rel @!p0 .LBB2_5-.Ltmp1, $4  }
0x3d: {  	[sflag:s21] =	ssyncadd.s32 $0xFFFFE000  }
0x3e: {  	[spmem:s4] =	stream.indirect.scatter.add.f32 [tilespmem:s20], [sflag:$0x2], $0x40, s24, s19, $0xb8;
	[tilespmem:$0x13B00] =	vst v63  }
0x3f: {  	s25 =	sadd.s32 $0xFFFFFFFF, s3;
	_ =	swait.ge [sflag:s17], $0x2000  }
0x40: {  	s26 =	simm.s32 $0x0;
	s28 =	simm.s32 $0x2D80;
	[sflag:s17] =	ssyncset.done $0x0  }
.LBB2_4:
0x41: {  	[sflag:s17] =	ssyncadd.s32 $0xFFFFE000;
	s26 =	sadd.s32 $0x80, s26;
	s28 =	sadd.s32 $0x80, s28  }
0x42: {  	[tilespmem:s20], [sflag:$0x1] =	stream.indirect.gather [hbm4b:s1+s19], $0x40, s26, s19, $0xb8;
	[tilespmem:$0x13B00] =	vst v63  }
0x43: {  	p1 =	sne.s32 s25, $0x1;
	s25 =	sadd.s32 $0xFFFFFFFF, s25;
	_ =	swait.ge [sflag:s21], $0x2000  }
.Ltmp2:
0x44: {  	[sflag:s21] =	ssyncset.done $0x0;
	(pc) =	sbr.rel @p1 .LBB2_4-.Ltmp2, $4  }
0x45: {  	[sflag:s21] =	ssyncadd.s32 $0xFFFFE000  }
0x46: {  	[spmem:s4] =	stream.indirect.scatter.add.f32 [tilespmem:s20], [sflag:$0x2], $0x40, s28, s19, $0xb8;
	[tilespmem:$0x13B00] =	vst v63  }
0x47: {  	_ =	swait.ge [sflag:s17], $0x2000  }
0x48: {  	[sflag:s17] =	ssyncset.done $0x0  }
.LBB2_5:
0x49: {  	[sflag:s17] =	ssyncadd.s32 $0xFFFFE000;
	s25 =	sshll.u32 s0, $0x6  }
0x4a: {  	s26 =	sshrl.u32 s9, $0x3;
	[bflag:$0x0] =	sbarrier.arrive $0xFFFF;
	s25 =	sor.u32 $0x1C02, s25  }
0x4b: {  	[hbm:s14], [sflag:s25] =	dma.local [spmem:s26], $0x1400  }
0x4c: {  	_ =	swait.ge [sflag:s17], $0x1400  }
0x4d: {  	[sflag:s17] =	ssyncset.done $0x0  }
0x4e: {  	[sflag:s17] =	ssyncadd.s32 $0xFFFFEC00  }
0x4f: {  	[spmem:s9] =	stream.linear.scatter [tilespmem:s18], [sflag:$0x2], $0x2000, $0x38;
	[tilespmem:$0x13B00] =	vst v63  }
0x50: {  	_ =	swait.ge [sflag:s17], $0x2000  }
0x51: {  	[sflag:s17] =	ssyncset.done $0x0  }
0x52: {  	[sflag:s17] =	ssyncadd.s32 $0xFFFFE000  }
0x53: {  	[spmem:s10] =	stream.linear.scatter [tilespmem:s18], [sflag:$0x2], $0x2000, $0x38;
	[tilespmem:$0x13B00] =	vst v63  }
0x54: {  	_ =	swait.ge [sflag:s17], $0x2000  }
0x55: {  	[sflag:s17] =	ssyncset.done $0x0  }
0x56: {  	[sflag:s17] =	ssyncadd.s32 $0xFFFFE000  }
0x57: {  	[spmem:s11] =	stream.linear.scatter [tilespmem:s18], [sflag:$0x2], $0x2000, $0x38;
	[tilespmem:$0x13B00] =	vst v63  }
0x58: {  	_ =	swait.ge [sflag:s17], $0x2000  }
0x59: {  	[sflag:s17] =	ssyncset.done $0x0  }
0x5a: {  	[sflag:s17] =	ssyncadd.s32 $0xFFFFE000  }
0x5b: {  	[spmem:s12] =	stream.linear.scatter [tilespmem:s18], [sflag:$0x2], $0x2000, $0x38;
	[tilespmem:$0x13B00] =	vst v63  }
0x5c: {  	_ =	swait.ge [sflag:s17], $0x2000  }
0x5d: {  	[sflag:s17] =	ssyncset.done $0x0  }
0x5e: {  	[sflag:s17] =	ssyncadd.s32 $0xFFFFE000  }
0x5f: {  	[spmem:s13] =	stream.linear.scatter [tilespmem:s18], [sflag:$0x2], $0x2000, $0x38;
	[tilespmem:$0x13B00] =	vst v63  }
0x60: {  	_ =	swait.ge [sflag:s17], $0x2000  }
0x61: {  	[sflag:s17] =	ssyncset.done $0x0  }
0x62: {  	[sflag:s17] =	ssyncadd.s32 $0xFFFFE000  }
0x63: {  	[bflag:$0x0] =	sbarrier.arrive $0xFFFF  }
0x64: {  	[tilespmem:s20], [sflag:$0x1] =	stream.indirect.gather [hbm4b:s6+s19], $0x40, s23, s19, $0xb8;
	[tilespmem:$0x13B00] =	vst v63  }
0x65: {  	_ =	swait.ge [sflag:s21], $0x2000  }
.Ltmp3:
0x66: {  	[sflag:s21] =	ssyncset.done $0x0;
	(pc) =	sbr.rel @!p0 .LBB2_7-.Ltmp3, $4  }
0x67: {  	[sflag:s21] =	ssyncadd.s32 $0xFFFFE000  }
0x68: {  	[spmem:s4] =	stream.indirect.scatter.add.f32 [tilespmem:s20], [sflag:$0x2], $0x40, s24, s19, $0xb8;
	[tilespmem:$0x13B00] =	vst v63  }
0x69: {  	_ =	swait.ge [sflag:s17], $0x2000  }
0x6a: {  	s28 =	sadd.s32 $0xFFFFFFFF, s3;
	[sflag:s17] =	ssyncset.done $0x0  }
.LBB2_6:
0x6b: {  	[sflag:s17] =	ssyncadd.s32 $0xFFFFE000;
	s23 =	sadd.s32 $0x80, s23;
	s24 =	sadd.s32 $0x80, s24  }
0x6c: {  	[tilespmem:s20], [sflag:$0x1] =	stream.indirect.gather [hbm4b:s6+s19], $0x40, s23, s19, $0xb8;
	[tilespmem:$0x13B00] =	vst v63  }
0x6d: {  	p0 =	sne.s32 s28, $0x1;
	s28 =	sadd.s32 $0xFFFFFFFF, s28;
	_ =	swait.ge [sflag:s21], $0x2000  }
.Ltmp4:
0x6e: {  	[sflag:s21] =	ssyncset.done $0x0;
	(pc) =	sbr.rel @p0 .LBB2_6-.Ltmp4, $4  }
0x6f: {  	[sflag:s21] =	ssyncadd.s32 $0xFFFFE000  }
0x70: {  	[spmem:s4] =	stream.indirect.scatter.add.f32 [tilespmem:s20], [sflag:$0x2], $0x40, s24, s19, $0xb8;
	[tilespmem:$0x13B00] =	vst v63  }
0x71: {  	_ =	swait.ge [sflag:s17], $0x2000  }
0x72: {  	[sflag:s17] =	ssyncset.done $0x0  }
.LBB2_7:
0x73: {  	s22 =	sadd.s32 $0x1, s22  }
0x74: {  	[sflag:s17] =	ssyncadd.s32 $0xFFFFE000;
	p0 =	sne.s32 s22, s16  }
.Ltmp5:
0x75: {  	[bflag:$0x0] =	sbarrier.arrive $0xFFFF;
	(pc) =	sbr.rel @p0 .LBB2_1-.Ltmp5, $4  }
0x76: {  	[hbm:s15], [sflag:s25] =	dma.local [spmem:s26], $0x1400  }
0x77: {  	_ =	swait.ge [sflag:s17], $0x1400  }
0x78: {  	[sflag:s17] =	ssyncset.done $0x0  }
0x79: {  	[sflag:s17] =	ssyncadd.s32 $0xFFFFEC00  }
0x7a: {  	_ =	sfence.sel $0x180000  }
0x7b: {  	[bflag:$0x0] =	sbarrier.arrive $0xFFFF  }
0x7c: {  	p0 =	sne.s32 s0, $0x0;
	_ =	strace $0x90000050  }
0x7d: {  	s0 =	sadd.s32 @!p0 $0x100000, s2;
	[bflag:$0x2] =	sbarrier.arrive $0xFFFF  }
0x7e: {  	[sflag:s0] =	ssyncadd.tile.s32 @!p0 $0x1;
	_ =	shalt  }
.Lfunc_end2:
_tile_overlayer_lowered:
.L_overlay_start_2:
0x7f: {  	(tag) =	ssettag $0x2  }
0x80: {  	s0 =	rddreg [dreg:$0x0];
	s2 =	stileid.u32  }
0x81: {  	s1 =	rddreg [dreg:$0x1];
	p0 =	sne.s32 s2, $0x0  }
0x82: {  	s3 =	rddreg [dreg:$0x2];
	[bflag:$0x3] =	sbarrier.arrive $0xFFFF;
	s2 =	simm.s32 @!p0 $0x1C02  }
0x83: {  	[timem:s3], [sflag:s2] =	dma.local @!p0 [hbm:s0], s1  }
0x84: {  	s0 =	simm.s32 @!p0 $0x2  }
0x85: {  	_ =	swait.ge @!p0 [sflag:s0], s1  }
0x86: {  	s1 =	ssub.s32 @!p0 $0x0, s1;
	[sflag:s0] =	ssyncset.done @!p0 $0x0  }
0x87: {  	[sflag:s0] =	ssyncadd.s32 @!p0 s1  }
0x88: {  	[bflag:$0x3] =	sbarrier.arrive $0xFFFF  }
0x89: {  	_ =	shalt  }

// kernel: kernel.9.cloned.1.call-start
scs
__scs_entry_jumppad:
0x0: {  	(pc) =	sbr.rel $0x88, $3  }
0x1: {  	(tag) =	ssettag $0x0;
	lr =	simm.s32 $0x1  }
0x2: {  	[smem:$0x3F93] =	sst lr;
	_ =	strace $0xD0000000  }
0x3: {  	_ = 	snop  }
0x4: {  	_ = 	snop  }
0x5: {  	_ = 	snop  }
0x6: {  	_ = 	snop  }
0x7: {  	_ = 	snop  }
__scs_overlays_trampoline_lowered:
0x8: {  	[smem:$0x3FA2] =	sst s0  }
0x9: {  	[smem:$0x3FA3] =	sst s1  }
0xa: {  	[smem:$0x3FA4] =	sst s2  }
0xb: {  	[smem:$0x3FA5] =	sst s3  }
0xc: {  	[smem:$0x3FA6] =	sst s4  }
0xd: {  	[smem:$0x3FA7] =	sst s5  }
0xe: {  	[smem:$0x3FA8] =	sst s6  }
0xf: {  	[smem:$0x3FA9] =	sst s7  }
0x10: {  	[smem:$0x3FAA] =	sst s8  }
0x11: {  	[smem:$0x3FAB] =	sst s9;
	s0 =	simm.s32 @!p0 $0x0  }
0x12: {  	s1 =	sld [smem:$0x3F91];
	s0 =	simm.s32 @p0 $0x1  }
0x13: {  	[smem:$0x3FAC] =	sst s0;
	s0 =	simm.s32 @!p1 $0x0  }
0x14: {  	s2 =	sld [smem:$0x3F90];
	s0 =	simm.s32 @p1 $0x1  }
0x15: {  	[smem:$0x3FAD] =	sst s0;
	s0 =	simm.s32 @!p2 $0x0  }
0x16: {  	s3 =	sld [smem:$0x3FDB];
	s0 =	simm.s32 @p2 $0x1  }
0x17: {  	s4 =	simm.s32 $0x1BF5;
	[smem:$0x3FAF] =	sst s0  }
0x18: {  	s0 =	sld [smem:$0x3F92];
	_ =	swait.ge [sflag:s4], $0x0  }
0x19: {  	s7 =	sld [smem:$0x3F93]  }
0x1a: {  	s8 =	sadd.s32 $0xFFFFE003, lr  }
0x1b: {  	s9 =	sadd.s32 $0xFFFFFEF7, lr;
	s5 =	simm.s32 $0xFFFFFFFF;
	p2 =	slt.u32 s8, $0xFFFFF086  }
0x1c: {  	p1 =	slt.u32 s9, $0xF7A;
	s5 =	simm.s32 @!p2 $0x0  }
0x1d: {  	s5 =	simm.s32 @p1 $0x1;
	p0 =	seq.s32 s7, s2  }
0x1e: {  	s7 =	smul.u32 @!p0 $0xF7A, s2;
	p2 =	seq.s32 @!p0 s5, $0x0  }
0x1f: {  	s9 =	smul.u32 $0xF7A, s1;
	s8 =	simm.s32 @!p0 $0x1BF5;
	p2 =	por !p2, p0  }
0x20: {  	[sflag:s8] =	ssyncset.s32 @!p0 $0xFFFFF086;
	s6 =	sadd.s32 @!p0 s3, s7;
	s7 =	simm.s32 @!p0 $0x108  }
0x21: {  	s3 =	sadd.s32 s3, s9;
	s6 =	sadd.s32 @!p0 $0x88, s6;
	s7 =	simm.s32 @p2 $0x1082  }
0x22: {  	[simem:s7], [sflag:s8] =	dma.local @!p0 [hbm:s6], $0xF7A  }
0x23: {  	s9 =	sor.u32 $0xD0000000, s2;
	s6 =	simm.s32 $0x108;
	_ =	swait.ge @!p0 [sflag:s8], $0x0  }
0x24: {  	s3 =	sadd.s32 $0x88, s3;
	s6 =	simm.s32 @!p1 $0x1082;
	[sflag:s4] =	ssyncset.s32 $0xFFFFF086  }
0x25: {  	[simem:s6], [sflag:s4] =	dma.local [hbm:s3], $0xF7A  }
0x26: {  	[smem:$0x3F93] =	sst s1;
	(tag) =	ssettag s2;
	_ =	strace s9  }
0x27: {  	s1 =	sld [smem:$0x3FA3]  }
0x28: {  	s2 =	sld [smem:$0x3FA4]  }
0x29: {  	s4 =	sld [smem:$0x3FA6]  }
0x2a: {  	p0 =	seq.s32 s5, $0x0;
	s5 =	sld [smem:$0x3FA7]  }
0x2b: {  	s6 =	sld [smem:$0x3FA8]  }
0x2c: {  	s7 =	sld [smem:$0x3FA9]  }
0x2d: {  	s3 =	simm.s32 $0x108;
	s8 =	sld [smem:$0x3FAA]  }
0x2e: {  	s3 =	simm.s32 @!p0 $0x1082;
	s9 =	sld [smem:$0x3FAB]  }
0x2f: {  	lr =	sadd.s32 s0, s3;
	s0 =	sld [smem:$0x3FA2]  }
0x30: {  	s3 =	sld [smem:$0x3FA5]  }
0x31: {  	[smem:$0x3FAE] =	sst s10  }
0x32: {  	s10 =	sld [smem:$0x3FAC];
	_ =	sdelay $0x3  }
0x33: {  	p0 =	seq.s32 s10, $0x1;
	s10 =	sld [smem:$0x3FAE];
	_ =	sdelay $0x3  }
0x34: {  	[smem:$0x3FAE] =	sst s10  }
0x35: {  	s10 =	sld [smem:$0x3FAD];
	_ =	sdelay $0x3  }
0x36: {  	p1 =	seq.s32 s10, $0x1;
	s10 =	sld [smem:$0x3FAE];
	_ =	sdelay $0x3  }
0x37: {  	[smem:$0x3FAE] =	sst s10  }
0x38: {  	s10 =	sld [smem:$0x3FAF]  }
0x39: {  	_ = 	snop;
	(pc) =	sbr.ind lr, $3  }
0x3a: {  	_ = 	snop  }
0x3b: {  	_ = 	snop  }
0x3c: {  	p2 =	seq.s32 s10, $0x1;
	s10 =	sld [smem:$0x3FAE]  }
0x3d: {  	_ =	shalt  }
0x3e: {  	_ =	shalt  }
0x3f: {  	_ =	shalt  }
0x40: {  	_ =	shalt  }
0x41: {  	_ =	shalt  }
0x42: {  	_ =	shalt  }
0x43: {  	_ =	shalt  }
0x44: {  	_ =	shalt  }
0x45: {  	_ =	shalt  }
0x46: {  	_ =	shalt  }
0x47: {  	_ =	shalt  }
0x48: {  	_ =	shalt  }
0x49: {  	_ =	shalt  }
0x4a: {  	_ =	shalt  }
0x4b: {  	_ =	shalt  }
0x4c: {  	_ =	shalt  }
0x4d: {  	_ =	shalt  }
0x4e: {  	_ =	shalt  }
0x4f: {  	_ =	shalt  }
0x50: {  	_ =	shalt  }
0x51: {  	_ =	shalt  }
0x52: {  	_ =	shalt  }
0x53: {  	_ =	shalt  }
0x54: {  	_ =	shalt  }
0x55: {  	_ =	shalt  }
0x56: {  	_ =	shalt  }
0x57: {  	_ =	shalt  }
0x58: {  	_ =	shalt  }
0x59: {  	_ =	shalt  }
0x5a: {  	_ =	shalt  }
0x5b: {  	_ =	shalt  }
0x5c: {  	_ =	shalt  }
0x5d: {  	_ =	shalt  }
0x5e: {  	_ =	shalt  }
0x5f: {  	_ =	shalt  }
0x60: {  	_ =	shalt  }
0x61: {  	_ =	shalt  }
0x62: {  	_ =	shalt  }
0x63: {  	_ =	shalt  }
0x64: {  	_ =	shalt  }
0x65: {  	_ =	shalt  }
0x66: {  	_ =	shalt  }
0x67: {  	_ =	shalt  }
0x68: {  	_ =	shalt  }
0x69: {  	_ =	shalt  }
0x6a: {  	_ =	shalt  }
0x6b: {  	_ =	shalt  }
0x6c: {  	_ =	shalt  }
0x6d: {  	_ =	shalt  }
0x6e: {  	_ =	shalt  }
0x6f: {  	_ =	shalt  }
0x70: {  	_ =	shalt  }
0x71: {  	_ =	shalt  }
0x72: {  	_ =	shalt  }
0x73: {  	_ =	shalt  }
0x74: {  	_ =	shalt  }
0x75: {  	_ =	shalt  }
0x76: {  	_ =	shalt  }
0x77: {  	_ =	shalt  }
0x78: {  	_ =	shalt  }
0x79: {  	_ =	shalt  }
0x7a: {  	_ =	shalt  }
0x7b: {  	_ =	shalt  }
0x7c: {  	_ =	shalt  }
0x7d: {  	_ =	shalt  }
0x7e: {  	_ =	shalt  }
0x7f: {  	_ =	shalt  }
0x80: {  	_ =	shalt  }
0x81: {  	_ =	shalt  }
0x82: {  	_ =	shalt  }
0x83: {  	_ =	shalt  }
0x84: {  	_ =	shalt  }
0x85: {  	_ =	shalt  }
0x86: {  	_ =	shalt  }
0x87: {  	_ =	shalt  }
.Lfunc_end0:
.L_simem_size_0:
called_computation_lowered:
.L_overlay_start_0:
0x88: {  	s2 =	sld [smem:$0x3FD9]  }
0x89: {  	s3 =	sld [smem:$0x3FFE];
	_ =	sdelay $0x1  }
0x8a: {  	s1 =	srdreg.scid  }
0x8b: {  	s0 =	sand.u32 $0x1, s1  }
0x8c: {  	s17 =	sshll.u32 s0, $0xA;
	s2 =	sadd.s32 s3, s2  }
0x8d: {  	s2 =	sadd.s32 s2, s17  }
0x8e: {  	[smem:$0x3FBA] =	sst s2  }
0x8f: {  	_ = 	snop  }
0x90: {  	(tm) =	ssettm $0x1  }
0x91: {  	s18 =	sld [smem:$0x3FFB];
	_ =	sdelay $0x3  }
0x92: {  	_ =	strace s18  }
0x93: {  	s2 =	sld [smem:$0x3FFC];
	_ =	sdelay $0x3  }
0x94: {  	_ =	strace s2  }
0x95: {  	s2 =	sld [smem:$0x3FFD];
	_ =	sdelay $0x3  }
0x96: {  	_ =	strace s2  }
0x97: {  	_ =	strace $0x8FFFFFFF  }
0x98: {  	s19 =	sld [smem:$0x3FDB];
	_ =	sdelay $0x1  }
0x99: {  	s20 =	simm.s32 $_scs_section_size  }
0x9a: {  	s4 =	simm.s32 $_size__tile_overlayer_lowered;
	s5 =	simm.s32 $_tile_overlayer_lowered  }
0x9b: {  	s6 =	simm.s32 $0x1BFF;
	s21 =	sshll.u32 s5, $0x1;
	s3 =	sadd.s32 s20, s19  }
0x9c: {  	s22 =	simm.s32 $0x0;
	s4 =	sshll.u32 s4, $0x1;
	s5 =	sadd.s32 s21, s3  }
0x9d: {  	[timem:s22], [sflag:s6] =	dma.local [hbm:s5], s4  }
0x9e: {  	_ =	swait.ge [sflag:s6], s4  }
0x9f: {  	s4 =	ssub.s32 $0x0, s4;
	[sflag:s6] =	ssyncset.done $0x0  }
0xa0: {  	[sflag:s6] =	ssyncadd.s32 s4;
	_ =	sdelay $0x1  }
0xa1: {  	s23 =	simm.s32 $0x1B8B  }
0xa2: {  	_ =	swait.ge [sflag:s23], $0x1  }
0xa3: {  	[sflag:s23] =	ssyncset.done $0x0  }
0xa4: {  	[sflag:s23] =	ssyncadd.s32 $0xFFFFFFFF  }
0xa5: {  	s4 =	sld [smem:$0x0]  }
0xa6: {  	s5 =	sand.u32 $0xFFFFFFFE, s1  }
0xa7: {  	p0 =	sne.s32 s1, s5  }
0xa8: {  	s5 =	sshll.u32 @p0 s5, $0xE  }
0xa9: {  	s5 =	sadd.s32 @p0 $0x11B8D, s5;
	s6 =	sshll.u32 @p0 s4, $0x11  }
0xaa: {  	s5 =	sor.u32 @p0 s6, s5  }
0xab: {  	[sflag:s5] =	ssyncadd.remote.s32 @p0 $0x1;
	_ =	sdelay $0x1  }
0xac: {  	s5 =	simm.s32 @p0 $0x1B8D  }
0xad: {  	_ =	swait.eq @p0 [sflag:s5], $0x1  }
0xae: {  	[sflag:s5] =	ssyncadd.s32 @p0 $0xFFFFFFFF  }
0xaf: {  	s6 =	sshll.u32 @!p0 s1, $0xE  }
0xb0: {  	s6 =	sor.u32 @!p0 $0x4000, s6;
	s5 =	simm.s32 @!p0 $0x1B8D  }
0xb1: {  	s4 =	sshll.u32 @!p0 s4, $0x11;
	s6 =	sadd.s32 @!p0 $0x11B8D, s6;
	_ =	swait.eq @!p0 [sflag:s5], $0x1  }
0xb2: {  	s4 =	sor.u32 @!p0 s4, s6;
	[sflag:s5] =	ssyncadd.s32 @!p0 $0xFFFFFFFF  }
0xb3: {  	s25 =	simm.s32 $0x1B8E;
	s24 =	sld [smem:$0x3FFE];
	[sflag:s4] =	ssyncadd.remote.s32 @!p0 $0x1  }
0xb4: {  	s26 =	simm.s32 $execute0_lowered;
	[smem:$0x3FD2] =	sst s25  }
0xb5: {  	s5 =	sshll.u32 s26, $0x1;
	_ =	strace $0x80000049;
	[dreg:$0x1] =	wrdreg $0xFFFFFFFF  }
0xb6: {  	s28 =	simm.s32 $_size_execute0_lowered;
	s3 =	sadd.s32 s3, s5;
	[dreg:$0x0] =	wrdreg $0x0  }
0xb7: {  	s5 =	sshll.u32 s28, $0x1;
	[dreg:$0x2] =	wrdreg s3  }
0xb8: {  	[dreg:$0x3] =	wrdreg s5  }
0xb9: {  	[dreg:$0x4] =	wrdreg $0xC0  }
0xba: {  	_ =	task [dreg:s22], $0x5FFFF  }
0xbb: {  	[dreg:$0x1] =	wrdreg $0xFFFFFFFF  }
0xbc: {  	[dreg:$0x0] =	wrdreg $0x60  }
0xbd: {  	[dreg:$0x2] =	wrdreg s24  }
0xbe: {  	[dreg:$0x3] =	wrdreg $0x3D800  }
0xbf: {  	[dreg:$0x4] =	wrdreg $0x9  }
0xc0: {  	_ =	task.clear_ibuf [dreg:s22], $0x5FFFF;
	_ =	strace $0x90000049  }
0xc1: {  	s29 =	simm.s32 $0x9;
	_ =	strace $0x8000004B  }
0xc2: {  	_ =	swait.ge [sflag:s29], $0x1  }
0xc3: {  	[sflag:s29] =	ssyncadd.s32 $0xFFFFFFFF  }
0xc4: {  	_ =	strace $0x9000004B  }
0xc5: {  	_ =	sfence  }
0xc6: {  	s30 =	sld [smem:$0x0];
	_ =	sdelay $0x2  }
0xc7: {  	s31 =	sshll.u32 s1, $0xD;
	s1 =	sshrl.u32 s1, $0x2  }
0xc8: {  	s4 =	sand.u32 $0x4000, s31;
	s1 =	sadd.s32 s1, s30  }
0xc9: {  	s0 =	sor.u32 s4, s0;
	s1 =	sshll.u32 s1, $0x11  }
0xca: {  	s0 =	sor.u32 s1, s0  }
0xcb: {  	s0 =	sadd.s32 $0x8F2B, s0  }
0xcc: {  	[sflag:s0] =	ssyncadd.remote.s32 $0x1  }
0xcd: {  	_ =	sfence.sel $0xFFFF  }
0xce: {  	[dreg:$0x0] =	wrdreg $0xFFFFFFFF;
	(pc) =	sbr.abs _section_cstart, $3  }
0xcf: {  	[dreg:$0x1] =	wrdreg $0xFFFFFFFF  }
0xd0: {  	_ =	task.clear_ibuf [dreg:s22], $0x2FFFF;
	_ =	strace $0x9FFFFFFF  }
0xd1: {  	(tm) =	ssettm $0x7FFFFFFF  }
tec
execute0_lowered:
.L_overlay_start_1:
0x0: {  	(tag) =	ssettag $0x1  }
0x1: {  	s6 =	rddreg [dreg:$0x0]  }
0x2: {  	s3 =	rddreg [dreg:$0x1]  }
0x3: {  	s0 =	srdreg.scid;
	s2 =	simm.s32 $0x5B;
	s1 =	rddreg [dreg:$0x2]  }
0x4: {  	s4 =	simm.s32 $0x0;
	s14 =	simm.s32 $0x1;
	s5 =	sand.u32 $0x1, s0  }
0x5: {  	s15 =	simm.s32 $0x80;
	s0 =	stileid.u32;
	s8 =	smul.u32 $0x2D800, s5  }
0x6: {  	s16 =	simm.s32 $0x2D80;
	p0 =	seq.s32 s5, $0x0;
	s9 =	smul.u32 $0x2800, s0  }
0x7: {  	[smem:$0x7FF] =	sst s4;
	s29 =	smul.u32 $0x28000, s5;
	s2 =	simm.s32 @!p0 $0x42  }
0x8: {  	_ =	strace $0x8000004A;
	s5 =	ssub.s32 $0x2, s5;
	s7 =	smul.u32 s2, s0  }
0x9: {  	s10 =	smul.u32 $0xA000, s0;
	s17 =	sshll.u32 s0, $0x6;
	s31 =	sshrl.u32 s5, $0x1  }
0xa: {  	s17 =	sor.u32 $0x1C01, s17;
	s30 =	sadd.s32 s9, s29;
	s7 =	sshll.u32 s7, $0x7  }
0xb: {  	s10 =	sshrl.u32 s10, $0x2;
	s13 =	ssub.s32 s5, s31;
	s7 =	sadd.s32 s8, s7  }
0xc: {  	s5 =	sadd.s32 s9, s3;
	s10 =	sadd.s32 s10, s3;
	s7 =	sshrl.u32 s7, $0x3  }
0xd: {  	s18 =	sshrl.u32 s5, $0x3;
	s11 =	sadd.s32 s7, s6;
	s7 =	sshrl.u32 s30, $0x3  }
0xe: {  	s9 =	sadd.s32 $0x2000, s10;
	s8 =	sadd.s32 $0x1800, s10;
	s12 =	sadd.s32 s7, s6  }
0xf: {  	s6 =	sadd.s32 $0x800, s10;
	s7 =	sadd.s32 $0x1000, s10;
	s10 =	sadd.s32 $0x16200, s11  }
0x10: {  	v0 =	vimm.f32 $1.000000000e+00;
	v1 =	vimm.f32 $0.0e+00;
	s11 =	sadd.s32 $0x7AA00, s12;
	s12 =	smax.u32 s13, $0x1;
	s13 =	simm.s32 $0x3580  }
.LBB2_1:
0x11: {  	s19 =	simm.s32 $0x0  }
.LBB2_2:
0x12: {  	p0 =	sne.s32 s19, $0x1FC0  }
.Ltmp0:
0x13: {  	_ = 	snop;
	(pc) =	sbr.rel @p0 .LBB2_2-.Ltmp0, $3  }
0x14: {  	_ =	sdelay $0x1  }
0x15: {  	s20 =	sshra.s32 s19, $0x2  }
0x16: {  	s19 =	sadd.s32 $0x40, s19;
	[tilespmem:s20+$0x2D80] =	vst v0  }
0x17: {  	s19 =	simm.s32 $0x40;
	s20 =	simm.s32 $0x0  }
.LBB2_4:
0x18: {  	p0 =	sne.s32 s19, $0x1FC0;
	[tilespmem:s20+$0x3580] =	vst v1;
	s20 =	smov.u32 s19;
	s19 =	sadd.s32 $0x40, s19  }
.Ltmp1:
0x19: {  	(pc) =	sbr.rel @p0 .LBB2_4-.Ltmp1, $2  }
0x1a: {  	_ =	sdelay $0x2  }
0x1b: {  	s20 =	sshra.s32 s20, $0x2  }
0x1c: {  	[tilespmem:s20+$0x3580] =	vst v1  }
0x1d: {  	[spmem:s5] =	stream.linear.scatter [tilespmem:s13], [sflag:$0x1], $0x800, $0x38;
	[tilespmem:$0x6580] =	vst v63  }
0x1e: {  	_ =	swait.ge [sflag:s14], $0x800  }
0x1f: {  	[sflag:s14] =	ssyncset.done $0x0  }
0x20: {  	[sflag:s14] =	ssyncadd.s32 $0xFFFFF800  }
0x21: {  	[spmem:s6] =	stream.linear.scatter [tilespmem:s13], [sflag:$0x1], $0x800, $0x38;
	[tilespmem:$0x6580] =	vst v63  }
0x22: {  	_ =	swait.ge [sflag:s14], $0x800  }
0x23: {  	[sflag:s14] =	ssyncset.done $0x0  }
0x24: {  	[sflag:s14] =	ssyncadd.s32 $0xFFFFF800  }
0x25: {  	[spmem:s7] =	stream.linear.scatter [tilespmem:s13], [sflag:$0x1], $0x800, $0x38;
	[tilespmem:$0x6580] =	vst v63  }
0x26: {  	_ =	swait.ge [sflag:s14], $0x800  }
0x27: {  	[sflag:s14] =	ssyncset.done $0x0  }
0x28: {  	[sflag:s14] =	ssyncadd.s32 $0xFFFFF800  }
0x29: {  	[spmem:s8] =	stream.linear.scatter [tilespmem:s13], [sflag:$0x1], $0x800, $0x38;
	[tilespmem:$0x6580] =	vst v63  }
0x2a: {  	_ =	swait.ge [sflag:s14], $0x800  }
0x2b: {  	[sflag:s14] =	ssyncset.done $0x0  }
0x2c: {  	[sflag:s14] =	ssyncadd.s32 $0xFFFFF800  }
0x2d: {  	[spmem:s9] =	stream.linear.scatter [tilespmem:s13], [sflag:$0x1], $0x800, $0x38;
	[tilespmem:$0x6580] =	vst v63  }
0x2e: {  	_ =	swait.ge [sflag:s14], $0x800  }
0x2f: {  	[sflag:s14] =	ssyncset.done $0x0  }
0x30: {  	[sflag:s14] =	ssyncadd.s32 $0xFFFFF800  }
0x31: {  	s19 =	simm.s32 $0x0;
	[bflag:$0x0] =	sbarrier.arrive $0xFFFF  }
0x32: {  	[tilespmem:s19], [sflag:$0x1] =	stream.linear.gather [hbm4b:s10+s19], $0x2D80, $0x38;
	[tilespmem:$0x6580] =	vst v63  }
0x33: {  	p0 =	sne.s32 s2, $0x1;
	_ =	swait.ge [sflag:s14], $0x2D80  }
.Ltmp2:
0x34: {  	[sflag:s14] =	ssyncset.done $0x0;
	(pc) =	sbr.rel @!p0 .LBB2_7-.Ltmp2, $4  }
0x35: {  	[sflag:s14] =	ssyncadd.s32 $0xFFFFD280  }
0x36: {  	[spmem:s3] =	stream.indirect.scatter.add.f32 [tilespmem:s16], [sflag:$0x1], $0x10, s19, s15, $0xb8;
	[tilespmem:$0x6580] =	vst v63  }
0x37: {  	_ =	swait.ge [sflag:s14], $0x800  }
0x38: {  	s20 =	sadd.s32 $0xFFFFFFFF, s2;
	[sflag:s14] =	ssyncset.done $0x0  }
.LBB2_6:
0x39: {  	p0 =	sne.s32 s20, $0x1;
	[sflag:s14] =	ssyncadd.s32 $0xFFFFF800;
	s19 =	sadd.s32 $0x80, s19  }
.Ltmp3:
0x3a: {  	s20 =	sadd.s32 $0xFFFFFFFF, s20;
	(pc) =	sbr.rel @p0 .LBB2_6-.Ltmp3, $4  }
0x3b: {  	_ = 	snop  }
0x3c: {  	[spmem:s3] =	stream.indirect.scatter.add.f32 [tilespmem:s16], [sflag:$0x1], $0x10, s19, s15, $0xb8;
	[tilespmem:$0x6580] =	vst v63  }
0x3d: {  	_ =	swait.ge [sflag:s14], $0x800  }
0x3e: {  	[sflag:s14] =	ssyncset.done $0x0  }
.LBB2_7:
0x3f: {  	s4 =	sadd.s32 $0x1, s4  }
0x40: {  	[sflag:s14] =	ssyncadd.s32 $0xFFFFF800;
	p0 =	sne.s32 s4, s12  }
.Ltmp4:
0x41: {  	[bflag:$0x0] =	sbarrier.arrive $0xFFFF;
	(pc) =	sbr.rel @p0 .LBB2_1-.Ltmp4, $4  }
0x42: {  	[hbm:s11], [sflag:s17] =	dma.local [spmem:s18], $0x500  }
0x43: {  	_ =	swait.ge [sflag:s14], $0x500  }
0x44: {  	[sflag:s14] =	ssyncset.done $0x0  }
0x45: {  	[sflag:s14] =	ssyncadd.s32 $0xFFFFFB00  }
0x46: {  	_ =	sfence.sel $0x180000  }
0x47: {  	[bflag:$0x0] =	sbarrier.arrive $0xFFFF  }
0x48: {  	p0 =	sne.s32 s0, $0x0;
	_ =	strace $0x9000004A  }
0x49: {  	s0 =	sadd.s32 @!p0 $0x100000, s1;
	[bflag:$0x2] =	sbarrier.arrive $0xFFFF  }
0x4a: {  	[sflag:s0] =	ssyncadd.tile.s32 @!p0 $0x1;
	_ =	shalt  }
.Lfunc_end2:
_tile_overlayer_lowered:
.L_overlay_start_2:
0x4b: {  	(tag) =	ssettag $0x2  }
0x4c: {  	s0 =	rddreg [dreg:$0x0];
	s2 =	stileid.u32  }
0x4d: {  	s1 =	rddreg [dreg:$0x1];
	p0 =	sne.s32 s2, $0x0  }
0x4e: {  	s3 =	rddreg [dreg:$0x2];
	[bflag:$0x3] =	sbarrier.arrive $0xFFFF;
	s2 =	simm.s32 @!p0 $0x1C01  }
0x4f: {  	[timem:s3], [sflag:s2] =	dma.local @!p0 [hbm:s0], s1  }
0x50: {  	s0 =	simm.s32 @!p0 $0x1  }
0x51: {  	_ =	swait.ge @!p0 [sflag:s0], s1  }
0x52: {  	s1 =	ssub.s32 @!p0 $0x0, s1;
	[sflag:s0] =	ssyncset.done @!p0 $0x0  }
0x53: {  	[sflag:s0] =	ssyncadd.s32 @!p0 s1  }
0x54: {  	[bflag:$0x3] =	sbarrier.arrive $0xFFFF  }
0x55: {  	_ =	shalt  }

</sc_bundles>
